<compile_context>
chip_gen: v7x
topology: tpu7x:2x2x1
jax: 0.10.2.dev20260603
libtpu: 0.0.44.dev20260713+nightly
codegen_flags: <defaults>
</compile_context>

<pallas_src>
import functools

import jax
import jax.numpy as jnp
from jax import lax
from jax.experimental import pallas as pl
from jax.experimental.pallas import tpu as pltpu
from jax.experimental.pallas import tpu_sc as plsc

N = 10000
NP = 10240
E = 320000
ER = 2560
EPAD = ER * 128
NC, NS = 2, 16
RPT_ES = ER // (NC * NS)
RPT_FS = ER // NS
TROWS = NP // NS
BM = 1024

@functools.cache
def _mesh():
  return plsc.VectorSubcoreMesh(
      core_axis_name="c", subcore_axis_name="s", num_cores=NC, num_subcores=NS)


@functools.cache
def _make_agg(r_per_tile, src_core_off, dst_core_off):

  G = 16

  @functools.partial(
      pl.kernel,
      out_type=jax.ShapeDtypeStruct((2 * NP, 128), jnp.float32),
      mesh=_mesh(),
      scratch_types=[
          pltpu.VMEM((G, 128), jnp.int32),
          pltpu.VMEM((G, 128), jnp.int32),
          pltpu.VMEM((128, 128), jnp.float32),
          pltpu.VMEM_SHARED((NP, 128), jnp.float32),
          pltpu.SemaphoreType.DMA,
      ],
  )
  def agg(table_hbm, srcr_hbm, dstr_hbm, zeros_hbm, out_hbm,
          src_v, dst_v, gbuf, acc, sem):
    cid = lax.axis_index("c")
    sid = lax.axis_index("s")
    pltpu.sync_copy(zeros_hbm, gbuf)
    for k in range(TROWS // 128):
      pltpu.sync_copy(gbuf, acc.at[pl.ds(sid * TROWS + k * 128, 128)])
    plsc.subcore_barrier()
    src_base = cid * src_core_off + sid * r_per_tile
    dst_base = cid * dst_core_off + sid * r_per_tile

    def outer(g, carry):
      pltpu.sync_copy(srcr_hbm.at[pl.ds(src_base + g * G, G)], src_v)
      pltpu.sync_copy(dstr_hbm.at[pl.ds(dst_base + g * G, G)], dst_v)

      def body(j, c2):
        pltpu.async_copy(table_hbm.at[src_v.at[j]], gbuf, sem).wait()
        pltpu.sync_copy(gbuf, acc.at[dst_v.at[j]], add=True)
        return c2

      lax.fori_loop(0, G, body, 0)
      return carry

    lax.fori_loop(0, r_per_tile // G, outer, 0)
    plsc.subcore_barrier()
    for k in range(TROWS // 128):
      r0 = sid * TROWS + k * 128
      pltpu.sync_copy(acc.at[pl.ds(r0, 128)], gbuf)
      pltpu.sync_copy(gbuf, out_hbm.at[pl.ds(cid * NP + r0, 128)])

  return agg


@functools.cache
def _make_deg():
  @functools.partial(
      pl.kernel,
      out_type=jax.ShapeDtypeStruct((2 * NP,), jnp.float32),
      mesh=_mesh(),
      scratch_types=[
          pltpu.VMEM((RPT_ES, 128), jnp.int32),
          pltpu.VMEM((128,), jnp.float32),
          pltpu.VMEM((TROWS,), jnp.float32),
          pltpu.VMEM_SHARED((NP,), jnp.float32),
      ],
  )
  def deg_kernel(dstr_hbm, ones_hbm, zrow_hbm, out_hbm, dst_v, ones_v, zbuf, acc):
    cid = lax.axis_index("c")
    sid = lax.axis_index("s")
    pltpu.sync_copy(zrow_hbm, zbuf)
    pltpu.sync_copy(zbuf, acc.at[pl.ds(sid * TROWS, TROWS)])
    pltpu.sync_copy(ones_hbm, ones_v)
    pltpu.sync_copy(
        dstr_hbm.at[pl.ds((cid * NS + sid) * RPT_ES, RPT_ES)], dst_v)
    plsc.subcore_barrier()

    def body(j, carry):
      pltpu.sync_copy(ones_v, acc.at[dst_v.at[j]], add=True)
      return carry

    lax.fori_loop(0, RPT_ES, body, 0)
    plsc.subcore_barrier()
    pltpu.sync_copy(acc.at[pl.ds(sid * TROWS, TROWS)], zbuf)
    pltpu.sync_copy(zbuf, out_hbm.at[pl.ds(cid * NP + sid * TROWS, TROWS)])

  return deg_kernel


def _k0_body(deg0_ref, deg1_ref, x_ref, dinv_ref, s0_ref):
  dinv = lax.rsqrt(deg0_ref[...] + deg1_ref[...] + 1.0)
  dinv_ref[...] = dinv
  s0_ref[...] = x_ref[...] * dinv


def _k1_body(dinv_ref, s0_ref, p_ref, w1_ref, b1_ref, w2_ref,
             out1_ref, h2_ref):
  dinv = dinv_ref[...]
  a = (s0_ref[...] + p_ref[0] + p_ref[1]) * dinv
  o1 = jnp.maximum(
      jnp.dot(a, w1_ref[...], preferred_element_type=jnp.float32)
      + b1_ref[...], 0.0)
  out1_ref[...] = o1
  h2 = jnp.dot(o1 * dinv, w2_ref[...], preferred_element_type=jnp.float32)
  h2_ref[0] = h2[:, :128]
  h2_ref[1] = h2[:, 128:]


def _k2_body(dinv_ref, agg_ref, h2_ref, b2_ref, w3_ref, out2_ref, h3_ref):
  dinv = dinv_ref[...]
  t0 = jnp.maximum((agg_ref[0] + h2_ref[0]) * dinv + b2_ref[0], 0.0)
  t1 = jnp.maximum((agg_ref[1] + h2_ref[1]) * dinv + b2_ref[1], 0.0)
  out2_ref[...] = jnp.concatenate([t0, t1], axis=1)
  h3_ref[...] = (
      jnp.dot(t0 * dinv, w3_ref[0], preferred_element_type=jnp.float32)
      + jnp.dot(t1 * dinv, w3_ref[1], preferred_element_type=jnp.float32))


def _k3_body(dinv_ref, h3_ref, q_ref, b3_ref, out3_ref):
  out3_ref[...] = jnp.maximum(
      (h3_ref[...] + q_ref[0] + q_ref[1]) * dinv_ref[...] + b3_ref[...], 0.0)


def _row_spec(width):
  return pl.BlockSpec((BM, width), lambda i: (i, 0))


def _half_spec():
  return pl.BlockSpec((2, BM, 128), lambda i: (0, i, 0))


def _full_spec(shape):
  return pl.BlockSpec(shape, lambda i: tuple(0 for _ in shape))


_GRID = (NP // BM,)
_f32 = jnp.float32

_k0_call = pl.pallas_call(
    _k0_body,
    grid=_GRID,
    in_specs=[_row_spec(1), _row_spec(1), _row_spec(128)],
    out_specs=[_row_spec(1), _row_spec(128)],
    out_shape=[jax.ShapeDtypeStruct((NP, 1), _f32),
               jax.ShapeDtypeStruct((NP, 128), _f32)],
)

_k1_call = pl.pallas_call(
    _k1_body,
    grid=_GRID,
    in_specs=[_row_spec(1), _row_spec(128), _half_spec(),
              _full_spec((128, 512)), _full_spec((1, 512)),
              _full_spec((512, 256))],
    out_specs=[_row_spec(512), _half_spec()],
    out_shape=[jax.ShapeDtypeStruct((NP, 512), _f32),
               jax.ShapeDtypeStruct((2, NP, 128), _f32)],
)

_k2_call = pl.pallas_call(
    _k2_body,
    grid=_GRID,
    in_specs=[_row_spec(1), _half_spec(), _half_spec(),
              _full_spec((2, 1, 128)), _full_spec((2, 128, 128))],
    out_specs=[_row_spec(256), _row_spec(128)],
    out_shape=[jax.ShapeDtypeStruct((NP, 256), _f32),
               jax.ShapeDtypeStruct((NP, 128), _f32)],
)

_k3_call = pl.pallas_call(
    _k3_body,
    grid=_GRID,
    in_specs=[_row_spec(1), _row_spec(128), _half_spec(),
              _full_spec((1, 128))],
    out_specs=_row_spec(128),
    out_shape=jax.ShapeDtypeStruct((NP, 128), _f32),
)


def kernel(x, A, W1, b1, W2, b2, W3, b3):
  xp = jnp.zeros((NP, 128), _f32).at[:N].set(x)
  pad_idx = jnp.full((EPAD - E,), N, jnp.int32)
  srcr = jnp.concatenate([A[0], pad_idx]).reshape(ER, 128)
  dstr = jnp.concatenate([A[1], pad_idx]).reshape(ER, 128)
  src_fs = jnp.concatenate([srcr, srcr + NP], axis=0)
  zeros_tile = jnp.zeros((128, 128), _f32)
  zeros_row = jnp.zeros((TROWS,), _f32)
  ones_row = jnp.ones((128,), _f32)

  deg2 = _make_deg()(dstr, ones_row, zeros_row)
  deg0 = deg2[:NP].reshape(NP, 1)
  deg1 = deg2[NP:].reshape(NP, 1)
  dinv, s0 = _k0_call(deg0, deg1, xp)

  agg_es = _make_agg(RPT_ES, NS * RPT_ES, NS * RPT_ES)
  agg_fs = _make_agg(RPT_FS, ER, 0)

  p1 = agg_es(s0, srcr, dstr, zeros_tile).reshape(2, NP, 128)
  out1, h2 = _k1_call(dinv, s0, p1, W1, b1.reshape(1, 512), W2)

  agg2 = agg_fs(h2.reshape(2 * NP, 128), src_fs, dstr,
                zeros_tile).reshape(2, NP, 128)
  out2, h3 = _k2_call(dinv, agg2, h2, b2.reshape(2, 1, 128),
                      W3.reshape(2, 128, 128))

  p3 = agg_es(h3, srcr, dstr, zeros_tile).reshape(2, NP, 128)
  out3 = _k3_call(dinv, h3, p3, b3.reshape(1, 128))

  return (out1[:N], out2[:N], out3[:N])

# --- scband reference (transcript-rebuilt; emitter-appended) ---
"""Pipeline reference for scband-user-gcn-42992622633205 (READ-ONLY COPY).

The authoritative reference and input builder live on the scoring server;
editing this copy changes nothing except your own understanding.
"""

import jax, jax.numpy as jnp
import numpy as np

N_NODES = 10000

def gcn_conv(x, edge_index, W, b):
    # GCNConv: out = D^{-1/2} (A + I) D^{-1/2} X W + b  (add self-loops, sym norm)
    src = edge_index[0]
    dst = edge_index[1]
    loop = jnp.arange(N_NODES, dtype=src.dtype)
    src = jnp.concatenate([src, loop])
    dst = jnp.concatenate([dst, loop])
    deg = jnp.zeros((N_NODES,), dtype=x.dtype).at[dst].add(1.0)
    dinv = jnp.where(deg > 0, deg ** -0.5, 0.0)
    norm = dinv[src] * dinv[dst]
    h = x @ W
    msg = jnp.take(h, src, axis=0) * norm[:, None]
    out = jnp.zeros((N_NODES, W.shape[1]), dtype=x.dtype).at[dst].add(msg)
    return out + b


def setup_inputs(seed: int = 0) -> dict:
    key = jax.random.key(seed)
    ks = jax.random.split(key, 9)
    x = jax.random.normal(ks[0], (10000, 128), dtype=jnp.float32)
    A = jax.random.randint(ks[1], (2, 320000), 0, 10000).astype(jnp.int32)
    # config.out_dim=128, gcn_hidden=512, gcn_hidden2=256, gcn_out=128
    W1 = jax.random.normal(ks[2], (128, 512), dtype=jnp.float32) * 0.05
    b1 = jnp.zeros((512,), dtype=jnp.float32)
    W2 = jax.random.normal(ks[3], (512, 256), dtype=jnp.float32) * 0.05
    b2 = jnp.zeros((256,), dtype=jnp.float32)
    W3 = jax.random.normal(ks[4], (256, 128), dtype=jnp.float32) * 0.05
    b3 = jnp.zeros((128,), dtype=jnp.float32)
    return {"x": x, "A": A, "W1": W1, "b1": b1, "W2": W2, "b2": b2, "W3": W3, "b3": b3}


def reference(x, A, W1, b1, W2, b2, W3, b3):
    # F.dropout treated as identity (inference / deterministic reference)
    out1 = jax.nn.relu(gcn_conv(x, A, W1, b1))
    out2 = jax.nn.relu(gcn_conv(out1, A, W2, b2))
    out3 = jax.nn.relu(gcn_conv(out2, A, W3, b3))
    return (out1, out2, out3)

if __name__ == "__main__":
    import jax
    _d = setup_inputs()
    print(jax.jit(kernel)(*tuple(_d.values())))

</pallas_src>

<mosaic_0001>
#map = affine_map<(d0, d1) -> (0, 0)>
module attributes {stable_mosaic.version = 14 : i64} {
  func.func @agg(%arg0: i32, %arg1: i32, %arg2: memref<10240x128xf32, #tpu.memory_space<hbm>>, %arg3: memref<2560x128xi32, #tpu.memory_space<hbm>>, %arg4: memref<2560x128xi32, #tpu.memory_space<hbm>>, %arg5: memref<128x128xf32, #tpu.memory_space<hbm>>, %arg6: memref<20480x128xf32, #tpu.memory_space<hbm>>, %arg7: memref<16x128xi32, #tpu.memory_space<vmem>>, %arg8: memref<16x128xi32, #tpu.memory_space<vmem>>, %arg9: memref<128x128xf32, #tpu.memory_space<vmem>>, %arg10: memref<10240x128xf32, #tpu.memory_space<vmem_shared>>, %arg11: memref<!tpu.dma_semaphore, #tpu.memory_space<semaphore_mem>>) attributes {dimension_semantics = [#tpu.dimension_semantics<core_parallel>, #tpu.dimension_semantics<subcore_parallel>], iteration_bounds = array<i64: 2, 16>, scalar_prefetch = 0 : i64, scratch_operands = 5 : i64, tpu.core_type = #tpu.core_type<sc_vector_subcore>, window_params = [{transform_indices = #map}, {transform_indices = #map}, {transform_indices = #map}, {transform_indices = #map}, {transform_indices = #map}]} {
    "tpu.region"() ({
      %run_scoped3A = tpu.sem_alloc : memref<!tpu.dma_semaphore, #tpu.memory_space<semaphore_mem>>
      tpu.enqueue_dma source(%arg5 : memref<128x128xf32, #tpu.memory_space<hbm>>) target(%arg9 : memref<128x128xf32, #tpu.memory_space<vmem>>) target_semaphore(%run_scoped3A : memref<!tpu.dma_semaphore, #tpu.memory_space<semaphore_mem>>)
      tpu.wait_dma2 semaphore(%run_scoped3A : memref<!tpu.dma_semaphore, #tpu.memory_space<semaphore_mem>>) src(%arg5 : memref<128x128xf32, #tpu.memory_space<hbm>>) dst(%arg9 : memref<128x128xf32, #tpu.memory_space<vmem>>)
      tpu.yield
    }) : () -> ()
    %mul3A = arith.constant 640 : i32
    %mul3A_0 = arith.muli %arg1, %mul3A : i32
    %add3A = arith.constant 0 : i32
    %add3A_1 = arith.addi %mul3A_0, %add3A : i32
    "tpu.region"() ({
      %run_scoped3A = tpu.sem_alloc : memref<!tpu.dma_semaphore, #tpu.memory_space<semaphore_mem>>
      %dma_start3A = arith.constant 0 : i32
      %dma_start3A_69 = tpu.memref_slice %arg10[%add3A_1, %dma_start3A] : memref<10240x128xf32, #tpu.memory_space<vmem_shared>> -> memref<128x128xf32, #tpu.memory_space<vmem_shared>>
      %dma_start3A_70 = arith.constant 0 : i32
      %dma_start3A_71 = tpu.memref_slice %arg10[%add3A_1, %dma_start3A_70] : memref<10240x128xf32, #tpu.memory_space<vmem_shared>> -> memref<128x128xf32, #tpu.memory_space<vmem_shared>>
      tpu.enqueue_dma source(%arg9 : memref<128x128xf32, #tpu.memory_space<vmem>>) target(%dma_start3A_71 : memref<128x128xf32, #tpu.memory_space<vmem_shared>>) target_semaphore(%run_scoped3A : memref<!tpu.dma_semaphore, #tpu.memory_space<semaphore_mem>>)
      %dma_wait3A = arith.constant 0 : i32
      %dma_wait3A_72 = tpu.memref_slice %arg10[%add3A_1, %dma_wait3A] : memref<10240x128xf32, #tpu.memory_space<vmem_shared>> -> memref<128x128xf32, #tpu.memory_space<vmem_shared>>
      %dma_wait3A_73 = arith.constant 0 : i32
      %dma_wait3A_74 = tpu.memref_slice %arg10[%add3A_1, %dma_wait3A_73] : memref<10240x128xf32, #tpu.memory_space<vmem_shared>> -> memref<128x128xf32, #tpu.memory_space<vmem_shared>>
      tpu.wait_dma2 semaphore(%run_scoped3A : memref<!tpu.dma_semaphore, #tpu.memory_space<semaphore_mem>>) src(%arg9 : memref<128x128xf32, #tpu.memory_space<vmem>>) dst(%dma_wait3A_74 : memref<128x128xf32, #tpu.memory_space<vmem_shared>>)
      tpu.yield
    }) : () -> ()
    %mul3A_2 = arith.constant 640 : i32
    %mul3A_3 = arith.muli %arg1, %mul3A_2 : i32
    %add3A_4 = arith.constant 128 : i32
    %add3A_5 = arith.addi %mul3A_3, %add3A_4 : i32
    "tpu.region"() ({
      %run_scoped3A = tpu.sem_alloc : memref<!tpu.dma_semaphore, #tpu.memory_space<semaphore_mem>>
      %dma_start3A = arith.constant 0 : i32
      %dma_start3A_69 = tpu.memref_slice %arg10[%add3A_5, %dma_start3A] : memref<10240x128xf32, #tpu.memory_space<vmem_shared>> -> memref<128x128xf32, #tpu.memory_space<vmem_shared>>
      %dma_start3A_70 = arith.constant 0 : i32
      %dma_start3A_71 = tpu.memref_slice %arg10[%add3A_5, %dma_start3A_70] : memref<10240x128xf32, #tpu.memory_space<vmem_shared>> -> memref<128x128xf32, #tpu.memory_space<vmem_shared>>
      tpu.enqueue_dma source(%arg9 : memref<128x128xf32, #tpu.memory_space<vmem>>) target(%dma_start3A_71 : memref<128x128xf32, #tpu.memory_space<vmem_shared>>) target_semaphore(%run_scoped3A : memref<!tpu.dma_semaphore, #tpu.memory_space<semaphore_mem>>)
      %dma_wait3A = arith.constant 0 : i32
      %dma_wait3A_72 = tpu.memref_slice %arg10[%add3A_5, %dma_wait3A] : memref<10240x128xf32, #tpu.memory_space<vmem_shared>> -> memref<128x128xf32, #tpu.memory_space<vmem_shared>>
      %dma_wait3A_73 = arith.constant 0 : i32
      %dma_wait3A_74 = tpu.memref_slice %arg10[%add3A_5, %dma_wait3A_73] : memref<10240x128xf32, #tpu.memory_space<vmem_shared>> -> memref<128x128xf32, #tpu.memory_space<vmem_shared>>
      tpu.wait_dma2 semaphore(%run_scoped3A : memref<!tpu.dma_semaphore, #tpu.memory_space<semaphore_mem>>) src(%arg9 : memref<128x128xf32, #tpu.memory_space<vmem>>) dst(%dma_wait3A_74 : memref<128x128xf32, #tpu.memory_space<vmem_shared>>)
      tpu.yield
    }) : () -> ()
    %mul3A_6 = arith.constant 640 : i32
    %mul3A_7 = arith.muli %arg1, %mul3A_6 : i32
    %add3A_8 = arith.constant 256 : i32
    %add3A_9 = arith.addi %mul3A_7, %add3A_8 : i32
    "tpu.region"() ({
      %run_scoped3A = tpu.sem_alloc : memref<!tpu.dma_semaphore, #tpu.memory_space<semaphore_mem>>
      %dma_start3A = arith.constant 0 : i32
      %dma_start3A_69 = tpu.memref_slice %arg10[%add3A_9, %dma_start3A] : memref<10240x128xf32, #tpu.memory_space<vmem_shared>> -> memref<128x128xf32, #tpu.memory_space<vmem_shared>>
      %dma_start3A_70 = arith.constant 0 : i32
      %dma_start3A_71 = tpu.memref_slice %arg10[%add3A_9, %dma_start3A_70] : memref<10240x128xf32, #tpu.memory_space<vmem_shared>> -> memref<128x128xf32, #tpu.memory_space<vmem_shared>>
      tpu.enqueue_dma source(%arg9 : memref<128x128xf32, #tpu.memory_space<vmem>>) target(%dma_start3A_71 : memref<128x128xf32, #tpu.memory_space<vmem_shared>>) target_semaphore(%run_scoped3A : memref<!tpu.dma_semaphore, #tpu.memory_space<semaphore_mem>>)
      %dma_wait3A = arith.constant 0 : i32
      %dma_wait3A_72 = tpu.memref_slice %arg10[%add3A_9, %dma_wait3A] : memref<10240x128xf32, #tpu.memory_space<vmem_shared>> -> memref<128x128xf32, #tpu.memory_space<vmem_shared>>
      %dma_wait3A_73 = arith.constant 0 : i32
      %dma_wait3A_74 = tpu.memref_slice %arg10[%add3A_9, %dma_wait3A_73] : memref<10240x128xf32, #tpu.memory_space<vmem_shared>> -> memref<128x128xf32, #tpu.memory_space<vmem_shared>>
      tpu.wait_dma2 semaphore(%run_scoped3A : memref<!tpu.dma_semaphore, #tpu.memory_space<semaphore_mem>>) src(%arg9 : memref<128x128xf32, #tpu.memory_space<vmem>>) dst(%dma_wait3A_74 : memref<128x128xf32, #tpu.memory_space<vmem_shared>>)
      tpu.yield
    }) : () -> ()
    %mul3A_10 = arith.constant 640 : i32
    %mul3A_11 = arith.muli %arg1, %mul3A_10 : i32
    %add3A_12 = arith.constant 384 : i32
    %add3A_13 = arith.addi %mul3A_11, %add3A_12 : i32
    "tpu.region"() ({
      %run_scoped3A = tpu.sem_alloc : memref<!tpu.dma_semaphore, #tpu.memory_space<semaphore_mem>>
      %dma_start3A = arith.constant 0 : i32
      %dma_start3A_69 = tpu.memref_slice %arg10[%add3A_13, %dma_start3A] : memref<10240x128xf32, #tpu.memory_space<vmem_shared>> -> memref<128x128xf32, #tpu.memory_space<vmem_shared>>
      %dma_start3A_70 = arith.constant 0 : i32
      %dma_start3A_71 = tpu.memref_slice %arg10[%add3A_13, %dma_start3A_70] : memref<10240x128xf32, #tpu.memory_space<vmem_shared>> -> memref<128x128xf32, #tpu.memory_space<vmem_shared>>
      tpu.enqueue_dma source(%arg9 : memref<128x128xf32, #tpu.memory_space<vmem>>) target(%dma_start3A_71 : memref<128x128xf32, #tpu.memory_space<vmem_shared>>) target_semaphore(%run_scoped3A : memref<!tpu.dma_semaphore, #tpu.memory_space<semaphore_mem>>)
      %dma_wait3A = arith.constant 0 : i32
      %dma_wait3A_72 = tpu.memref_slice %arg10[%add3A_13, %dma_wait3A] : memref<10240x128xf32, #tpu.memory_space<vmem_shared>> -> memref<128x128xf32, #tpu.memory_space<vmem_shared>>
      %dma_wait3A_73 = arith.constant 0 : i32
      %dma_wait3A_74 = tpu.memref_slice %arg10[%add3A_13, %dma_wait3A_73] : memref<10240x128xf32, #tpu.memory_space<vmem_shared>> -> memref<128x128xf32, #tpu.memory_space<vmem_shared>>
      tpu.wait_dma2 semaphore(%run_scoped3A : memref<!tpu.dma_semaphore, #tpu.memory_space<semaphore_mem>>) src(%arg9 : memref<128x128xf32, #tpu.memory_space<vmem>>) dst(%dma_wait3A_74 : memref<128x128xf32, #tpu.memory_space<vmem_shared>>)
      tpu.yield
    }) : () -> ()
    %mul3A_14 = arith.constant 640 : i32
    %mul3A_15 = arith.muli %arg1, %mul3A_14 : i32
    %add3A_16 = arith.constant 512 : i32
    %add3A_17 = arith.addi %mul3A_15, %add3A_16 : i32
    "tpu.region"() ({
      %run_scoped3A = tpu.sem_alloc : memref<!tpu.dma_semaphore, #tpu.memory_space<semaphore_mem>>
      %dma_start3A = arith.constant 0 : i32
      %dma_start3A_69 = tpu.memref_slice %arg10[%add3A_17, %dma_start3A] : memref<10240x128xf32, #tpu.memory_space<vmem_shared>> -> memref<128x128xf32, #tpu.memory_space<vmem_shared>>
      %dma_start3A_70 = arith.constant 0 : i32
      %dma_start3A_71 = tpu.memref_slice %arg10[%add3A_17, %dma_start3A_70] : memref<10240x128xf32, #tpu.memory_space<vmem_shared>> -> memref<128x128xf32, #tpu.memory_space<vmem_shared>>
      tpu.enqueue_dma source(%arg9 : memref<128x128xf32, #tpu.memory_space<vmem>>) target(%dma_start3A_71 : memref<128x128xf32, #tpu.memory_space<vmem_shared>>) target_semaphore(%run_scoped3A : memref<!tpu.dma_semaphore, #tpu.memory_space<semaphore_mem>>)
      %dma_wait3A = arith.constant 0 : i32
      %dma_wait3A_72 = tpu.memref_slice %arg10[%add3A_17, %dma_wait3A] : memref<10240x128xf32, #tpu.memory_space<vmem_shared>> -> memref<128x128xf32, #tpu.memory_space<vmem_shared>>
      %dma_wait3A_73 = arith.constant 0 : i32
      %dma_wait3A_74 = tpu.memref_slice %arg10[%add3A_17, %dma_wait3A_73] : memref<10240x128xf32, #tpu.memory_space<vmem_shared>> -> memref<128x128xf32, #tpu.memory_space<vmem_shared>>
      tpu.wait_dma2 semaphore(%run_scoped3A : memref<!tpu.dma_semaphore, #tpu.memory_space<semaphore_mem>>) src(%arg9 : memref<128x128xf32, #tpu.memory_space<vmem>>) dst(%dma_wait3A_74 : memref<128x128xf32, #tpu.memory_space<vmem_shared>>)
      tpu.yield
    }) : () -> ()
    %barrier3A = arith.constant 0 : index
    tpu.barrier barrier_id(%barrier3A)
    %mul3A_18 = arith.constant 1280 : i32
    %mul3A_19 = arith.muli %arg0, %mul3A_18 : i32
    %mul3A_20 = arith.constant 80 : i32
    %mul3A_21 = arith.muli %arg1, %mul3A_20 : i32
    %add3A_22 = arith.addi %mul3A_19, %mul3A_21 : i32
    %mul3A_23 = arith.constant 1280 : i32
    %mul3A_24 = arith.muli %arg0, %mul3A_23 : i32
    %mul3A_25 = arith.constant 80 : i32
    %mul3A_26 = arith.muli %arg1, %mul3A_25 : i32
    %add3A_27 = arith.addi %mul3A_24, %mul3A_26 : i32
    %scan3A = arith.constant 0 : i32
    %scan3A_28 = arith.constant 0 : i32
    %scan3A_29 = arith.constant 5 : i32
    %scan3A_30 = arith.addi %scan3A_28, %scan3A_29 : i32
    %scan3A_31 = arith.constant 1 : i32
    scf.for %scan3A_69 = %scan3A_28 to %scan3A_30 step %scan3A_31  : i32 {
      %mul3A_70 = arith.constant 16 : i32
      %mul3A_71 = arith.muli %scan3A_69, %mul3A_70 : i32
      %add3A_72 = arith.addi %add3A_22, %mul3A_71 : i32
      "tpu.region"() ({
        %run_scoped3A = tpu.sem_alloc : memref<!tpu.dma_semaphore, #tpu.memory_space<semaphore_mem>>
        %dma_start3A = arith.constant 0 : i32
        %dma_start3A_82 = tpu.memref_slice %arg3[%add3A_72, %dma_start3A] : memref<2560x128xi32, #tpu.memory_space<hbm>> -> memref<16x128xi32, #tpu.memory_space<hbm>>
        %dma_start3A_83 = arith.constant 0 : i32
        %dma_start3A_84 = tpu.memref_slice %arg3[%add3A_72, %dma_start3A_83] : memref<2560x128xi32, #tpu.memory_space<hbm>> -> memref<16x128xi32, #tpu.memory_space<hbm>>
        tpu.enqueue_dma source(%dma_start3A_84 : memref<16x128xi32, #tpu.memory_space<hbm>>) target(%arg7 : memref<16x128xi32, #tpu.memory_space<vmem>>) target_semaphore(%run_scoped3A : memref<!tpu.dma_semaphore, #tpu.memory_space<semaphore_mem>>)
        %dma_wait3A = arith.constant 0 : i32
        %dma_wait3A_85 = tpu.memref_slice %arg3[%add3A_72, %dma_wait3A] : memref<2560x128xi32, #tpu.memory_space<hbm>> -> memref<16x128xi32, #tpu.memory_space<hbm>>
        %dma_wait3A_86 = arith.constant 0 : i32
        %dma_wait3A_87 = tpu.memref_slice %arg3[%add3A_72, %dma_wait3A_86] : memref<2560x128xi32, #tpu.memory_space<hbm>> -> memref<16x128xi32, #tpu.memory_space<hbm>>
        tpu.wait_dma2 semaphore(%run_scoped3A : memref<!tpu.dma_semaphore, #tpu.memory_space<semaphore_mem>>) src(%dma_wait3A_87 : memref<16x128xi32, #tpu.memory_space<hbm>>) dst(%arg7 : memref<16x128xi32, #tpu.memory_space<vmem>>)
        tpu.yield
      }) : () -> ()
      %mul3A_73 = arith.constant 16 : i32
      %mul3A_74 = arith.muli %scan3A_69, %mul3A_73 : i32
      %add3A_75 = arith.addi %add3A_27, %mul3A_74 : i32
      "tpu.region"() ({
        %run_scoped3A = tpu.sem_alloc : memref<!tpu.dma_semaphore, #tpu.memory_space<semaphore_mem>>
        %dma_start3A = arith.constant 0 : i32
        %dma_start3A_82 = tpu.memref_slice %arg4[%add3A_75, %dma_start3A] : memref<2560x128xi32, #tpu.memory_space<hbm>> -> memref<16x128xi32, #tpu.memory_space<hbm>>
        %dma_start3A_83 = arith.constant 0 : i32
        %dma_start3A_84 = tpu.memref_slice %arg4[%add3A_75, %dma_start3A_83] : memref<2560x128xi32, #tpu.memory_space<hbm>> -> memref<16x128xi32, #tpu.memory_space<hbm>>
        tpu.enqueue_dma source(%dma_start3A_84 : memref<16x128xi32, #tpu.memory_space<hbm>>) target(%arg8 : memref<16x128xi32, #tpu.memory_space<vmem>>) target_semaphore(%run_scoped3A : memref<!tpu.dma_semaphore, #tpu.memory_space<semaphore_mem>>)
        %dma_wait3A = arith.constant 0 : i32
        %dma_wait3A_85 = tpu.memref_slice %arg4[%add3A_75, %dma_wait3A] : memref<2560x128xi32, #tpu.memory_space<hbm>> -> memref<16x128xi32, #tpu.memory_space<hbm>>
        %dma_wait3A_86 = arith.constant 0 : i32
        %dma_wait3A_87 = tpu.memref_slice %arg4[%add3A_75, %dma_wait3A_86] : memref<2560x128xi32, #tpu.memory_space<hbm>> -> memref<16x128xi32, #tpu.memory_space<hbm>>
        tpu.wait_dma2 semaphore(%run_scoped3A : memref<!tpu.dma_semaphore, #tpu.memory_space<semaphore_mem>>) src(%dma_wait3A_87 : memref<16x128xi32, #tpu.memory_space<hbm>>) dst(%arg8 : memref<16x128xi32, #tpu.memory_space<vmem>>)
        tpu.yield
      }) : () -> ()
      %scan3A_76 = arith.constant 0 : i32
      %scan3A_77 = arith.constant 0 : i32
      %scan3A_78 = arith.constant 16 : i32
      %scan3A_79 = arith.addi %scan3A_77, %scan3A_78 : i32
      %scan3A_80 = arith.constant 1 : i32
      scf.for %scan3A_82 = %scan3A_77 to %scan3A_79 step %scan3A_80  : i32 {
        %dma_start3A = arith.constant 0 : i32
        %dma_start3A_83 = tpu.memref_slice %arg7[%scan3A_82, %dma_start3A] : memref<16x128xi32, #tpu.memory_space<vmem>> -> memref<1x128xi32, #tpu.memory_space<vmem>>
        %dma_start3A_84 = tpu.memref_squeeze %dma_start3A_83 : memref<1x128xi32, #tpu.memory_space<vmem>> -> memref<128xi32, #tpu.memory_space<vmem>>
        %dma_start3A_85 = arith.constant 0 : i32
        %dma_start3A_86 = arith.constant 0 : i32
        %dma_start3A_87 = tpu.memref_slice %arg2[%dma_start3A_85, %dma_start3A_86] : memref<10240x128xf32, #tpu.memory_space<hbm>> -> memref<10240x128xf32, #tpu.memory_space<hbm>>
        tpu.enqueue_indirect_dma source(%dma_start3A_87 : memref<10240x128xf32, #tpu.memory_space<hbm>>) target(%arg9 : memref<128x128xf32, #tpu.memory_space<vmem>>) offsets(%dma_start3A_84 : memref<128xi32, #tpu.memory_space<vmem>>) semaphore(%arg11 : memref<!tpu.dma_semaphore, #tpu.memory_space<semaphore_mem>>)
        %dma_wait3A = arith.constant 0 : i32
        %dma_wait3A_88 = tpu.memref_slice %arg7[%scan3A_82, %dma_wait3A] : memref<16x128xi32, #tpu.memory_space<vmem>> -> memref<1x128xi32, #tpu.memory_space<vmem>>
        %dma_wait3A_89 = tpu.memref_squeeze %dma_wait3A_88 : memref<1x128xi32, #tpu.memory_space<vmem>> -> memref<128xi32, #tpu.memory_space<vmem>>
        %dma_wait3A_90 = arith.constant 0 : i32
        %dma_wait3A_91 = arith.constant 0 : i32
        %dma_wait3A_92 = tpu.memref_slice %arg2[%dma_wait3A_90, %dma_wait3A_91] : memref<10240x128xf32, #tpu.memory_space<hbm>> -> memref<10240x128xf32, #tpu.memory_space<hbm>>
        tpu.wait_indirect_dma semaphore(%arg11 : memref<!tpu.dma_semaphore, #tpu.memory_space<semaphore_mem>>) src(%dma_wait3A_92 : memref<10240x128xf32, #tpu.memory_space<hbm>>) dst(%arg9 : memref<128x128xf32, #tpu.memory_space<vmem>>)
        "tpu.region"() ({
          %run_scoped3A = tpu.sem_alloc : memref<!tpu.dma_semaphore, #tpu.memory_space<semaphore_mem>>
          %dma_start3A_93 = arith.constant 0 : i32
          %dma_start3A_94 = tpu.memref_slice %arg8[%scan3A_82, %dma_start3A_93] : memref<16x128xi32, #tpu.memory_space<vmem>> -> memref<1x128xi32, #tpu.memory_space<vmem>>
          %dma_start3A_95 = tpu.memref_squeeze %dma_start3A_94 : memref<1x128xi32, #tpu.memory_space<vmem>> -> memref<128xi32, #tpu.memory_space<vmem>>
          %dma_start3A_96 = arith.constant 0 : i32
          %dma_start3A_97 = arith.constant 0 : i32
          %dma_start3A_98 = tpu.memref_slice %arg10[%dma_start3A_96, %dma_start3A_97] : memref<10240x128xf32, #tpu.memory_space<vmem_shared>> -> memref<10240x128xf32, #tpu.memory_space<vmem_shared>>
          tpu.enqueue_indirect_dma source(%arg9 : memref<128x128xf32, #tpu.memory_space<vmem>>) target(%dma_start3A_98 : memref<10240x128xf32, #tpu.memory_space<vmem_shared>>) offsets(%dma_start3A_95 : memref<128xi32, #tpu.memory_space<vmem>>) semaphore(%run_scoped3A : memref<!tpu.dma_semaphore, #tpu.memory_space<semaphore_mem>>) {add = true}
          %dma_wait3A_99 = arith.constant 0 : i32
          %dma_wait3A_100 = tpu.memref_slice %arg8[%scan3A_82, %dma_wait3A_99] : memref<16x128xi32, #tpu.memory_space<vmem>> -> memref<1x128xi32, #tpu.memory_space<vmem>>
          %dma_wait3A_101 = tpu.memref_squeeze %dma_wait3A_100 : memref<1x128xi32, #tpu.memory_space<vmem>> -> memref<128xi32, #tpu.memory_space<vmem>>
          %dma_wait3A_102 = arith.constant 0 : i32
          %dma_wait3A_103 = arith.constant 0 : i32
          %dma_wait3A_104 = tpu.memref_slice %arg10[%dma_wait3A_102, %dma_wait3A_103] : memref<10240x128xf32, #tpu.memory_space<vmem_shared>> -> memref<10240x128xf32, #tpu.memory_space<vmem_shared>>
          tpu.wait_indirect_dma semaphore(%run_scoped3A : memref<!tpu.dma_semaphore, #tpu.memory_space<semaphore_mem>>) src(%arg9 : memref<128x128xf32, #tpu.memory_space<vmem>>) dst(%dma_wait3A_104 : memref<10240x128xf32, #tpu.memory_space<vmem_shared>>)
          tpu.yield
        }) : () -> ()
      }
      %scan3A_81 = arith.constant 16 : i32
    }
    %scan3A_32 = arith.constant 5 : i32
    %barrier3A_33 = arith.constant 0 : index
    tpu.barrier barrier_id(%barrier3A_33)
    %mul3A_34 = arith.constant 640 : i32
    %mul3A_35 = arith.muli %arg1, %mul3A_34 : i32
    %add3A_36 = arith.constant 0 : i32
    %add3A_37 = arith.addi %mul3A_35, %add3A_36 : i32
    "tpu.region"() ({
      %run_scoped3A = tpu.sem_alloc : memref<!tpu.dma_semaphore, #tpu.memory_space<semaphore_mem>>
      %dma_start3A = arith.constant 0 : i32
      %dma_start3A_69 = tpu.memref_slice %arg10[%add3A_37, %dma_start3A] : memref<10240x128xf32, #tpu.memory_space<vmem_shared>> -> memref<128x128xf32, #tpu.memory_space<vmem_shared>>
      %dma_start3A_70 = arith.constant 0 : i32
      %dma_start3A_71 = tpu.memref_slice %arg10[%add3A_37, %dma_start3A_70] : memref<10240x128xf32, #tpu.memory_space<vmem_shared>> -> memref<128x128xf32, #tpu.memory_space<vmem_shared>>
      tpu.enqueue_dma source(%dma_start3A_71 : memref<128x128xf32, #tpu.memory_space<vmem_shared>>) target(%arg9 : memref<128x128xf32, #tpu.memory_space<vmem>>) target_semaphore(%run_scoped3A : memref<!tpu.dma_semaphore, #tpu.memory_space<semaphore_mem>>)
      %dma_wait3A = arith.constant 0 : i32
      %dma_wait3A_72 = tpu.memref_slice %arg10[%add3A_37, %dma_wait3A] : memref<10240x128xf32, #tpu.memory_space<vmem_shared>> -> memref<128x128xf32, #tpu.memory_space<vmem_shared>>
      %dma_wait3A_73 = arith.constant 0 : i32
      %dma_wait3A_74 = tpu.memref_slice %arg10[%add3A_37, %dma_wait3A_73] : memref<10240x128xf32, #tpu.memory_space<vmem_shared>> -> memref<128x128xf32, #tpu.memory_space<vmem_shared>>
      tpu.wait_dma2 semaphore(%run_scoped3A : memref<!tpu.dma_semaphore, #tpu.memory_space<semaphore_mem>>) src(%dma_wait3A_74 : memref<128x128xf32, #tpu.memory_space<vmem_shared>>) dst(%arg9 : memref<128x128xf32, #tpu.memory_space<vmem>>)
      tpu.yield
    }) : () -> ()
    %mul3A_38 = arith.constant 10240 : i32
    %mul3A_39 = arith.muli %arg0, %mul3A_38 : i32
    %add3A_40 = arith.addi %mul3A_39, %add3A_37 : i32
    "tpu.region"() ({
      %run_scoped3A = tpu.sem_alloc : memref<!tpu.dma_semaphore, #tpu.memory_space<semaphore_mem>>
      %dma_start3A = arith.constant 0 : i32
      %dma_start3A_69 = tpu.memref_slice %arg6[%add3A_40, %dma_start3A] : memref<20480x128xf32, #tpu.memory_space<hbm>> -> memref<128x128xf32, #tpu.memory_space<hbm>>
      %dma_start3A_70 = arith.constant 0 : i32
      %dma_start3A_71 = tpu.memref_slice %arg6[%add3A_40, %dma_start3A_70] : memref<20480x128xf32, #tpu.memory_space<hbm>> -> memref<128x128xf32, #tpu.memory_space<hbm>>
      tpu.enqueue_dma source(%arg9 : memref<128x128xf32, #tpu.memory_space<vmem>>) target(%dma_start3A_71 : memref<128x128xf32, #tpu.memory_space<hbm>>) target_semaphore(%run_scoped3A : memref<!tpu.dma_semaphore, #tpu.memory_space<semaphore_mem>>)
      %dma_wait3A = arith.constant 0 : i32
      %dma_wait3A_72 = tpu.memref_slice %arg6[%add3A_40, %dma_wait3A] : memref<20480x128xf32, #tpu.memory_space<hbm>> -> memref<128x128xf32, #tpu.memory_space<hbm>>
      %dma_wait3A_73 = arith.constant 0 : i32
      %dma_wait3A_74 = tpu.memref_slice %arg6[%add3A_40, %dma_wait3A_73] : memref<20480x128xf32, #tpu.memory_space<hbm>> -> memref<128x128xf32, #tpu.memory_space<hbm>>
      tpu.wait_dma2 semaphore(%run_scoped3A : memref<!tpu.dma_semaphore, #tpu.memory_space<semaphore_mem>>) src(%arg9 : memref<128x128xf32, #tpu.memory_space<vmem>>) dst(%dma_wait3A_74 : memref<128x128xf32, #tpu.memory_space<hbm>>)
      tpu.yield
    }) : () -> ()
    %mul3A_41 = arith.constant 640 : i32
    %mul3A_42 = arith.muli %arg1, %mul3A_41 : i32
    %add3A_43 = arith.constant 128 : i32
    %add3A_44 = arith.addi %mul3A_42, %add3A_43 : i32
    "tpu.region"() ({
      %run_scoped3A = tpu.sem_alloc : memref<!tpu.dma_semaphore, #tpu.memory_space<semaphore_mem>>
      %dma_start3A = arith.constant 0 : i32
      %dma_start3A_69 = tpu.memref_slice %arg10[%add3A_44, %dma_start3A] : memref<10240x128xf32, #tpu.memory_space<vmem_shared>> -> memref<128x128xf32, #tpu.memory_space<vmem_shared>>
      %dma_start3A_70 = arith.constant 0 : i32
      %dma_start3A_71 = tpu.memref_slice %arg10[%add3A_44, %dma_start3A_70] : memref<10240x128xf32, #tpu.memory_space<vmem_shared>> -> memref<128x128xf32, #tpu.memory_space<vmem_shared>>
      tpu.enqueue_dma source(%dma_start3A_71 : memref<128x128xf32, #tpu.memory_space<vmem_shared>>) target(%arg9 : memref<128x128xf32, #tpu.memory_space<vmem>>) target_semaphore(%run_scoped3A : memref<!tpu.dma_semaphore, #tpu.memory_space<semaphore_mem>>)
      %dma_wait3A = arith.constant 0 : i32
      %dma_wait3A_72 = tpu.memref_slice %arg10[%add3A_44, %dma_wait3A] : memref<10240x128xf32, #tpu.memory_space<vmem_shared>> -> memref<128x128xf32, #tpu.memory_space<vmem_shared>>
      %dma_wait3A_73 = arith.constant 0 : i32
      %dma_wait3A_74 = tpu.memref_slice %arg10[%add3A_44, %dma_wait3A_73] : memref<10240x128xf32, #tpu.memory_space<vmem_shared>> -> memref<128x128xf32, #tpu.memory_space<vmem_shared>>
      tpu.wait_dma2 semaphore(%run_scoped3A : memref<!tpu.dma_semaphore, #tpu.memory_space<semaphore_mem>>) src(%dma_wait3A_74 : memref<128x128xf32, #tpu.memory_space<vmem_shared>>) dst(%arg9 : memref<128x128xf32, #tpu.memory_space<vmem>>)
      tpu.yield
    }) : () -> ()
    %mul3A_45 = arith.constant 10240 : i32
    %mul3A_46 = arith.muli %arg0, %mul3A_45 : i32
    %add3A_47 = arith.addi %mul3A_46, %add3A_44 : i32
    "tpu.region"() ({
      %run_scoped3A = tpu.sem_alloc : memref<!tpu.dma_semaphore, #tpu.memory_space<semaphore_mem>>
      %dma_start3A = arith.constant 0 : i32
      %dma_start3A_69 = tpu.memref_slice %arg6[%add3A_47, %dma_start3A] : memref<20480x128xf32, #tpu.memory_space<hbm>> -> memref<128x128xf32, #tpu.memory_space<hbm>>
      %dma_start3A_70 = arith.constant 0 : i32
      %dma_start3A_71 = tpu.memref_slice %arg6[%add3A_47, %dma_start3A_70] : memref<20480x128xf32, #tpu.memory_space<hbm>> -> memref<128x128xf32, #tpu.memory_space<hbm>>
      tpu.enqueue_dma source(%arg9 : memref<128x128xf32, #tpu.memory_space<vmem>>) target(%dma_start3A_71 : memref<128x128xf32, #tpu.memory_space<hbm>>) target_semaphore(%run_scoped3A : memref<!tpu.dma_semaphore, #tpu.memory_space<semaphore_mem>>)
      %dma_wait3A = arith.constant 0 : i32
      %dma_wait3A_72 = tpu.memref_slice %arg6[%add3A_47, %dma_wait3A] : memref<20480x128xf32, #tpu.memory_space<hbm>> -> memref<128x128xf32, #tpu.memory_space<hbm>>
      %dma_wait3A_73 = arith.constant 0 : i32
      %dma_wait3A_74 = tpu.memref_slice %arg6[%add3A_47, %dma_wait3A_73] : memref<20480x128xf32, #tpu.memory_space<hbm>> -> memref<128x128xf32, #tpu.memory_space<hbm>>
      tpu.wait_dma2 semaphore(%run_scoped3A : memref<!tpu.dma_semaphore, #tpu.memory_space<semaphore_mem>>) src(%arg9 : memref<128x128xf32, #tpu.memory_space<vmem>>) dst(%dma_wait3A_74 : memref<128x128xf32, #tpu.memory_space<hbm>>)
      tpu.yield
    }) : () -> ()
    %mul3A_48 = arith.constant 640 : i32
    %mul3A_49 = arith.muli %arg1, %mul3A_48 : i32
    %add3A_50 = arith.constant 256 : i32
    %add3A_51 = arith.addi %mul3A_49, %add3A_50 : i32
    "tpu.region"() ({
      %run_scoped3A = tpu.sem_alloc : memref<!tpu.dma_semaphore, #tpu.memory_space<semaphore_mem>>
      %dma_start3A = arith.constant 0 : i32
      %dma_start3A_69 = tpu.memref_slice %arg10[%add3A_51, %dma_start3A] : memref<10240x128xf32, #tpu.memory_space<vmem_shared>> -> memref<128x128xf32, #tpu.memory_space<vmem_shared>>
      %dma_start3A_70 = arith.constant 0 : i32
      %dma_start3A_71 = tpu.memref_slice %arg10[%add3A_51, %dma_start3A_70] : memref<10240x128xf32, #tpu.memory_space<vmem_shared>> -> memref<128x128xf32, #tpu.memory_space<vmem_shared>>
      tpu.enqueue_dma source(%dma_start3A_71 : memref<128x128xf32, #tpu.memory_space<vmem_shared>>) target(%arg9 : memref<128x128xf32, #tpu.memory_space<vmem>>) target_semaphore(%run_scoped3A : memref<!tpu.dma_semaphore, #tpu.memory_space<semaphore_mem>>)
      %dma_wait3A = arith.constant 0 : i32
      %dma_wait3A_72 = tpu.memref_slice %arg10[%add3A_51, %dma_wait3A] : memref<10240x128xf32, #tpu.memory_space<vmem_shared>> -> memref<128x128xf32, #tpu.memory_space<vmem_shared>>
      %dma_wait3A_73 = arith.constant 0 : i32
      %dma_wait3A_74 = tpu.memref_slice %arg10[%add3A_51, %dma_wait3A_73] : memref<10240x128xf32, #tpu.memory_space<vmem_shared>> -> memref<128x128xf32, #tpu.memory_space<vmem_shared>>
      tpu.wait_dma2 semaphore(%run_scoped3A : memref<!tpu.dma_semaphore, #tpu.memory_space<semaphore_mem>>) src(%dma_wait3A_74 : memref<128x128xf32, #tpu.memory_space<vmem_shared>>) dst(%arg9 : memref<128x128xf32, #tpu.memory_space<vmem>>)
      tpu.yield
    }) : () -> ()
    %mul3A_52 = arith.constant 10240 : i32
    %mul3A_53 = arith.muli %arg0, %mul3A_52 : i32
    %add3A_54 = arith.addi %mul3A_53, %add3A_51 : i32
    "tpu.region"() ({
      %run_scoped3A = tpu.sem_alloc : memref<!tpu.dma_semaphore, #tpu.memory_space<semaphore_mem>>
      %dma_start3A = arith.constant 0 : i32
      %dma_start3A_69 = tpu.memref_slice %arg6[%add3A_54, %dma_start3A] : memref<20480x128xf32, #tpu.memory_space<hbm>> -> memref<128x128xf32, #tpu.memory_space<hbm>>
      %dma_start3A_70 = arith.constant 0 : i32
      %dma_start3A_71 = tpu.memref_slice %arg6[%add3A_54, %dma_start3A_70] : memref<20480x128xf32, #tpu.memory_space<hbm>> -> memref<128x128xf32, #tpu.memory_space<hbm>>
      tpu.enqueue_dma source(%arg9 : memref<128x128xf32, #tpu.memory_space<vmem>>) target(%dma_start3A_71 : memref<128x128xf32, #tpu.memory_space<hbm>>) target_semaphore(%run_scoped3A : memref<!tpu.dma_semaphore, #tpu.memory_space<semaphore_mem>>)
      %dma_wait3A = arith.constant 0 : i32
      %dma_wait3A_72 = tpu.memref_slice %arg6[%add3A_54, %dma_wait3A] : memref<20480x128xf32, #tpu.memory_space<hbm>> -> memref<128x128xf32, #tpu.memory_space<hbm>>
      %dma_wait3A_73 = arith.constant 0 : i32
      %dma_wait3A_74 = tpu.memref_slice %arg6[%add3A_54, %dma_wait3A_73] : memref<20480x128xf32, #tpu.memory_space<hbm>> -> memref<128x128xf32, #tpu.memory_space<hbm>>
      tpu.wait_dma2 semaphore(%run_scoped3A : memref<!tpu.dma_semaphore, #tpu.memory_space<semaphore_mem>>) src(%arg9 : memref<128x128xf32, #tpu.memory_space<vmem>>) dst(%dma_wait3A_74 : memref<128x128xf32, #tpu.memory_space<hbm>>)
      tpu.yield
    }) : () -> ()
    %mul3A_55 = arith.constant 640 : i32
    %mul3A_56 = arith.muli %arg1, %mul3A_55 : i32
    %add3A_57 = arith.constant 384 : i32
    %add3A_58 = arith.addi %mul3A_56, %add3A_57 : i32
    "tpu.region"() ({
      %run_scoped3A = tpu.sem_alloc : memref<!tpu.dma_semaphore, #tpu.memory_space<semaphore_mem>>
      %dma_start3A = arith.constant 0 : i32
      %dma_start3A_69 = tpu.memref_slice %arg10[%add3A_58, %dma_start3A] : memref<10240x128xf32, #tpu.memory_space<vmem_shared>> -> memref<128x128xf32, #tpu.memory_space<vmem_shared>>
      %dma_start3A_70 = arith.constant 0 : i32
      %dma_start3A_71 = tpu.memref_slice %arg10[%add3A_58, %dma_start3A_70] : memref<10240x128xf32, #tpu.memory_space<vmem_shared>> -> memref<128x128xf32, #tpu.memory_space<vmem_shared>>
      tpu.enqueue_dma source(%dma_start3A_71 : memref<128x128xf32, #tpu.memory_space<vmem_shared>>) target(%arg9 : memref<128x128xf32, #tpu.memory_space<vmem>>) target_semaphore(%run_scoped3A : memref<!tpu.dma_semaphore, #tpu.memory_space<semaphore_mem>>)
      %dma_wait3A = arith.constant 0 : i32
      %dma_wait3A_72 = tpu.memref_slice %arg10[%add3A_58, %dma_wait3A] : memref<10240x128xf32, #tpu.memory_space<vmem_shared>> -> memref<128x128xf32, #tpu.memory_space<vmem_shared>>
      %dma_wait3A_73 = arith.constant 0 : i32
      %dma_wait3A_74 = tpu.memref_slice %arg10[%add3A_58, %dma_wait3A_73] : memref<10240x128xf32, #tpu.memory_space<vmem_shared>> -> memref<128x128xf32, #tpu.memory_space<vmem_shared>>
      tpu.wait_dma2 semaphore(%run_scoped3A : memref<!tpu.dma_semaphore, #tpu.memory_space<semaphore_mem>>) src(%dma_wait3A_74 : memref<128x128xf32, #tpu.memory_space<vmem_shared>>) dst(%arg9 : memref<128x128xf32, #tpu.memory_space<vmem>>)
      tpu.yield
    }) : () -> ()
    %mul3A_59 = arith.constant 10240 : i32
    %mul3A_60 = arith.muli %arg0, %mul3A_59 : i32
    %add3A_61 = arith.addi %mul3A_60, %add3A_58 : i32
    "tpu.region"() ({
      %run_scoped3A = tpu.sem_alloc : memref<!tpu.dma_semaphore, #tpu.memory_space<semaphore_mem>>
      %dma_start3A = arith.constant 0 : i32
      %dma_start3A_69 = tpu.memref_slice %arg6[%add3A_61, %dma_start3A] : memref<20480x128xf32, #tpu.memory_space<hbm>> -> memref<128x128xf32, #tpu.memory_space<hbm>>
      %dma_start3A_70 = arith.constant 0 : i32
      %dma_start3A_71 = tpu.memref_slice %arg6[%add3A_61, %dma_start3A_70] : memref<20480x128xf32, #tpu.memory_space<hbm>> -> memref<128x128xf32, #tpu.memory_space<hbm>>
      tpu.enqueue_dma source(%arg9 : memref<128x128xf32, #tpu.memory_space<vmem>>) target(%dma_start3A_71 : memref<128x128xf32, #tpu.memory_space<hbm>>) target_semaphore(%run_scoped3A : memref<!tpu.dma_semaphore, #tpu.memory_space<semaphore_mem>>)
      %dma_wait3A = arith.constant 0 : i32
      %dma_wait3A_72 = tpu.memref_slice %arg6[%add3A_61, %dma_wait3A] : memref<20480x128xf32, #tpu.memory_space<hbm>> -> memref<128x128xf32, #tpu.memory_space<hbm>>
      %dma_wait3A_73 = arith.constant 0 : i32
      %dma_wait3A_74 = tpu.memref_slice %arg6[%add3A_61, %dma_wait3A_73] : memref<20480x128xf32, #tpu.memory_space<hbm>> -> memref<128x128xf32, #tpu.memory_space<hbm>>
      tpu.wait_dma2 semaphore(%run_scoped3A : memref<!tpu.dma_semaphore, #tpu.memory_space<semaphore_mem>>) src(%arg9 : memref<128x128xf32, #tpu.memory_space<vmem>>) dst(%dma_wait3A_74 : memref<128x128xf32, #tpu.memory_space<hbm>>)
      tpu.yield
    }) : () -> ()
    %mul3A_62 = arith.constant 640 : i32
    %mul3A_63 = arith.muli %arg1, %mul3A_62 : i32
    %add3A_64 = arith.constant 512 : i32
    %add3A_65 = arith.addi %mul3A_63, %add3A_64 : i32
    "tpu.region"() ({
      %run_scoped3A = tpu.sem_alloc : memref<!tpu.dma_semaphore, #tpu.memory_space<semaphore_mem>>
      %dma_start3A = arith.constant 0 : i32
      %dma_start3A_69 = tpu.memref_slice %arg10[%add3A_65, %dma_start3A] : memref<10240x128xf32, #tpu.memory_space<vmem_shared>> -> memref<128x128xf32, #tpu.memory_space<vmem_shared>>
      %dma_start3A_70 = arith.constant 0 : i32
      %dma_start3A_71 = tpu.memref_slice %arg10[%add3A_65, %dma_start3A_70] : memref<10240x128xf32, #tpu.memory_space<vmem_shared>> -> memref<128x128xf32, #tpu.memory_space<vmem_shared>>
      tpu.enqueue_dma source(%dma_start3A_71 : memref<128x128xf32, #tpu.memory_space<vmem_shared>>) target(%arg9 : memref<128x128xf32, #tpu.memory_space<vmem>>) target_semaphore(%run_scoped3A : memref<!tpu.dma_semaphore, #tpu.memory_space<semaphore_mem>>)
      %dma_wait3A = arith.constant 0 : i32
      %dma_wait3A_72 = tpu.memref_slice %arg10[%add3A_65, %dma_wait3A] : memref<10240x128xf32, #tpu.memory_space<vmem_shared>> -> memref<128x128xf32, #tpu.memory_space<vmem_shared>>
      %dma_wait3A_73 = arith.constant 0 : i32
      %dma_wait3A_74 = tpu.memref_slice %arg10[%add3A_65, %dma_wait3A_73] : memref<10240x128xf32, #tpu.memory_space<vmem_shared>> -> memref<128x128xf32, #tpu.memory_space<vmem_shared>>
      tpu.wait_dma2 semaphore(%run_scoped3A : memref<!tpu.dma_semaphore, #tpu.memory_space<semaphore_mem>>) src(%dma_wait3A_74 : memref<128x128xf32, #tpu.memory_space<vmem_shared>>) dst(%arg9 : memref<128x128xf32, #tpu.memory_space<vmem>>)
      tpu.yield
    }) : () -> ()
    %mul3A_66 = arith.constant 10240 : i32
    %mul3A_67 = arith.muli %arg0, %mul3A_66 : i32
    %add3A_68 = arith.addi %mul3A_67, %add3A_65 : i32
    "tpu.region"() ({
      %run_scoped3A = tpu.sem_alloc : memref<!tpu.dma_semaphore, #tpu.memory_space<semaphore_mem>>
      %dma_start3A = arith.constant 0 : i32
      %dma_start3A_69 = tpu.memref_slice %arg6[%add3A_68, %dma_start3A] : memref<20480x128xf32, #tpu.memory_space<hbm>> -> memref<128x128xf32, #tpu.memory_space<hbm>>
      %dma_start3A_70 = arith.constant 0 : i32
      %dma_start3A_71 = tpu.memref_slice %arg6[%add3A_68, %dma_start3A_70] : memref<20480x128xf32, #tpu.memory_space<hbm>> -> memref<128x128xf32, #tpu.memory_space<hbm>>
      tpu.enqueue_dma source(%arg9 : memref<128x128xf32, #tpu.memory_space<vmem>>) target(%dma_start3A_71 : memref<128x128xf32, #tpu.memory_space<hbm>>) target_semaphore(%run_scoped3A : memref<!tpu.dma_semaphore, #tpu.memory_space<semaphore_mem>>)
      %dma_wait3A = arith.constant 0 : i32
      %dma_wait3A_72 = tpu.memref_slice %arg6[%add3A_68, %dma_wait3A] : memref<20480x128xf32, #tpu.memory_space<hbm>> -> memref<128x128xf32, #tpu.memory_space<hbm>>
      %dma_wait3A_73 = arith.constant 0 : i32
      %dma_wait3A_74 = tpu.memref_slice %arg6[%add3A_68, %dma_wait3A_73] : memref<20480x128xf32, #tpu.memory_space<hbm>> -> memref<128x128xf32, #tpu.memory_space<hbm>>
      tpu.wait_dma2 semaphore(%run_scoped3A : memref<!tpu.dma_semaphore, #tpu.memory_space<semaphore_mem>>) src(%arg9 : memref<128x128xf32, #tpu.memory_space<vmem>>) dst(%dma_wait3A_74 : memref<128x128xf32, #tpu.memory_space<hbm>>)
      tpu.yield
    }) : () -> ()
    return
  }
}

#map = affine_map<(d0, d1) -> (0, 0)>
#map1 = affine_map<(d0, d1) -> (0)>
module attributes {stable_mosaic.version = 14 : i64} {
  func.func @deg_kernel(%arg0: i32, %arg1: i32, %arg2: memref<2560x128xi32, #tpu.memory_space<hbm>>, %arg3: memref<128xf32, #tpu.memory_space<hbm>>, %arg4: memref<640xf32, #tpu.memory_space<hbm>>, %arg5: memref<20480xf32, #tpu.memory_space<hbm>>, %arg6: memref<80x128xi32, #tpu.memory_space<vmem>>, %arg7: memref<128xf32, #tpu.memory_space<vmem>>, %arg8: memref<640xf32, #tpu.memory_space<vmem>>, %arg9: memref<10240xf32, #tpu.memory_space<vmem_shared>>) attributes {dimension_semantics = [#tpu.dimension_semantics<core_parallel>, #tpu.dimension_semantics<subcore_parallel>], iteration_bounds = array<i64: 2, 16>, scalar_prefetch = 0 : i64, scratch_operands = 4 : i64, tpu.core_type = #tpu.core_type<sc_vector_subcore>, window_params = [{transform_indices = #map}, {transform_indices = #map1}, {transform_indices = #map1}, {transform_indices = #map1}]} {
    "tpu.region"() ({
      %run_scoped3A = tpu.sem_alloc : memref<!tpu.dma_semaphore, #tpu.memory_space<semaphore_mem>>
      tpu.enqueue_dma source(%arg4 : memref<640xf32, #tpu.memory_space<hbm>>) target(%arg8 : memref<640xf32, #tpu.memory_space<vmem>>) target_semaphore(%run_scoped3A : memref<!tpu.dma_semaphore, #tpu.memory_space<semaphore_mem>>)
      tpu.wait_dma2 semaphore(%run_scoped3A : memref<!tpu.dma_semaphore, #tpu.memory_space<semaphore_mem>>) src(%arg4 : memref<640xf32, #tpu.memory_space<hbm>>) dst(%arg8 : memref<640xf32, #tpu.memory_space<vmem>>)
      tpu.yield
    }) : () -> ()
    %mul3A = arith.constant 640 : i32
    %mul3A_0 = arith.muli %arg1, %mul3A : i32
    "tpu.region"() ({
      %run_scoped3A = tpu.sem_alloc : memref<!tpu.dma_semaphore, #tpu.memory_space<semaphore_mem>>
      %dma_start3A = tpu.memref_slice %arg9[%mul3A_0] : memref<10240xf32, #tpu.memory_space<vmem_shared>> -> memref<640xf32, #tpu.memory_space<vmem_shared>>
      %dma_start3A_18 = tpu.memref_slice %arg9[%mul3A_0] : memref<10240xf32, #tpu.memory_space<vmem_shared>> -> memref<640xf32, #tpu.memory_space<vmem_shared>>
      tpu.enqueue_dma source(%arg8 : memref<640xf32, #tpu.memory_space<vmem>>) target(%dma_start3A_18 : memref<640xf32, #tpu.memory_space<vmem_shared>>) target_semaphore(%run_scoped3A : memref<!tpu.dma_semaphore, #tpu.memory_space<semaphore_mem>>)
      %dma_wait3A = tpu.memref_slice %arg9[%mul3A_0] : memref<10240xf32, #tpu.memory_space<vmem_shared>> -> memref<640xf32, #tpu.memory_space<vmem_shared>>
      %dma_wait3A_19 = tpu.memref_slice %arg9[%mul3A_0] : memref<10240xf32, #tpu.memory_space<vmem_shared>> -> memref<640xf32, #tpu.memory_space<vmem_shared>>
      tpu.wait_dma2 semaphore(%run_scoped3A : memref<!tpu.dma_semaphore, #tpu.memory_space<semaphore_mem>>) src(%arg8 : memref<640xf32, #tpu.memory_space<vmem>>) dst(%dma_wait3A_19 : memref<640xf32, #tpu.memory_space<vmem_shared>>)
      tpu.yield
    }) : () -> ()
    "tpu.region"() ({
      %run_scoped3A = tpu.sem_alloc : memref<!tpu.dma_semaphore, #tpu.memory_space<semaphore_mem>>
      tpu.enqueue_dma source(%arg3 : memref<128xf32, #tpu.memory_space<hbm>>) target(%arg7 : memref<128xf32, #tpu.memory_space<vmem>>) target_semaphore(%run_scoped3A : memref<!tpu.dma_semaphore, #tpu.memory_space<semaphore_mem>>)
      tpu.wait_dma2 semaphore(%run_scoped3A : memref<!tpu.dma_semaphore, #tpu.memory_space<semaphore_mem>>) src(%arg3 : memref<128xf32, #tpu.memory_space<hbm>>) dst(%arg7 : memref<128xf32, #tpu.memory_space<vmem>>)
      tpu.yield
    }) : () -> ()
    %mul3A_1 = arith.constant 16 : i32
    %mul3A_2 = arith.muli %arg0, %mul3A_1 : i32
    %add3A = arith.addi %mul3A_2, %arg1 : i32
    %mul3A_3 = arith.constant 80 : i32
    %mul3A_4 = arith.muli %add3A, %mul3A_3 : i32
    "tpu.region"() ({
      %run_scoped3A = tpu.sem_alloc : memref<!tpu.dma_semaphore, #tpu.memory_space<semaphore_mem>>
      %dma_start3A = arith.constant 0 : i32
      %dma_start3A_18 = tpu.memref_slice %arg2[%mul3A_4, %dma_start3A] : memref<2560x128xi32, #tpu.memory_space<hbm>> -> memref<80x128xi32, #tpu.memory_space<hbm>>
      %dma_start3A_19 = arith.constant 0 : i32
      %dma_start3A_20 = tpu.memref_slice %arg2[%mul3A_4, %dma_start3A_19] : memref<2560x128xi32, #tpu.memory_space<hbm>> -> memref<80x128xi32, #tpu.memory_space<hbm>>
      tpu.enqueue_dma source(%dma_start3A_20 : memref<80x128xi32, #tpu.memory_space<hbm>>) target(%arg6 : memref<80x128xi32, #tpu.memory_space<vmem>>) target_semaphore(%run_scoped3A : memref<!tpu.dma_semaphore, #tpu.memory_space<semaphore_mem>>)
      %dma_wait3A = arith.constant 0 : i32
      %dma_wait3A_21 = tpu.memref_slice %arg2[%mul3A_4, %dma_wait3A] : memref<2560x128xi32, #tpu.memory_space<hbm>> -> memref<80x128xi32, #tpu.memory_space<hbm>>
      %dma_wait3A_22 = arith.constant 0 : i32
      %dma_wait3A_23 = tpu.memref_slice %arg2[%mul3A_4, %dma_wait3A_22] : memref<2560x128xi32, #tpu.memory_space<hbm>> -> memref<80x128xi32, #tpu.memory_space<hbm>>
      tpu.wait_dma2 semaphore(%run_scoped3A : memref<!tpu.dma_semaphore, #tpu.memory_space<semaphore_mem>>) src(%dma_wait3A_23 : memref<80x128xi32, #tpu.memory_space<hbm>>) dst(%arg6 : memref<80x128xi32, #tpu.memory_space<vmem>>)
      tpu.yield
    }) : () -> ()
    %barrier3A = arith.constant 0 : index
    tpu.barrier barrier_id(%barrier3A)
    %scan3A = arith.constant 0 : i32
    %scan3A_5 = arith.constant 0 : i32
    %scan3A_6 = arith.constant 80 : i32
    %scan3A_7 = arith.addi %scan3A_5, %scan3A_6 : i32
    %scan3A_8 = arith.constant 1 : i32
    scf.for %scan3A_18 = %scan3A_5 to %scan3A_7 step %scan3A_8  : i32 {
      "tpu.region"() ({
        %run_scoped3A = tpu.sem_alloc : memref<!tpu.dma_semaphore, #tpu.memory_space<semaphore_mem>>
        %dma_start3A = arith.constant 0 : i32
        %dma_start3A_19 = tpu.memref_slice %arg6[%scan3A_18, %dma_start3A] : memref<80x128xi32, #tpu.memory_space<vmem>> -> memref<1x128xi32, #tpu.memory_space<vmem>>
        %dma_start3A_20 = tpu.memref_squeeze %dma_start3A_19 : memref<1x128xi32, #tpu.memory_space<vmem>> -> memref<128xi32, #tpu.memory_space<vmem>>
        %dma_start3A_21 = arith.constant 0 : i32
        %dma_start3A_22 = tpu.memref_slice %arg9[%dma_start3A_21] : memref<10240xf32, #tpu.memory_space<vmem_shared>> -> memref<10240xf32, #tpu.memory_space<vmem_shared>>
        tpu.enqueue_indirect_dma source(%arg7 : memref<128xf32, #tpu.memory_space<vmem>>) target(%dma_start3A_22 : memref<10240xf32, #tpu.memory_space<vmem_shared>>) offsets(%dma_start3A_20 : memref<128xi32, #tpu.memory_space<vmem>>) semaphore(%run_scoped3A : memref<!tpu.dma_semaphore, #tpu.memory_space<semaphore_mem>>) {add = true}
        %dma_wait3A = arith.constant 0 : i32
        %dma_wait3A_23 = tpu.memref_slice %arg6[%scan3A_18, %dma_wait3A] : memref<80x128xi32, #tpu.memory_space<vmem>> -> memref<1x128xi32, #tpu.memory_space<vmem>>
        %dma_wait3A_24 = tpu.memref_squeeze %dma_wait3A_23 : memref<1x128xi32, #tpu.memory_space<vmem>> -> memref<128xi32, #tpu.memory_space<vmem>>
        %dma_wait3A_25 = arith.constant 0 : i32
        %dma_wait3A_26 = tpu.memref_slice %arg9[%dma_wait3A_25] : memref<10240xf32, #tpu.memory_space<vmem_shared>> -> memref<10240xf32, #tpu.memory_space<vmem_shared>>
        tpu.wait_indirect_dma semaphore(%run_scoped3A : memref<!tpu.dma_semaphore, #tpu.memory_space<semaphore_mem>>) src(%arg7 : memref<128xf32, #tpu.memory_space<vmem>>) dst(%dma_wait3A_26 : memref<10240xf32, #tpu.memory_space<vmem_shared>>)
        tpu.yield
      }) : () -> ()
    }
    %scan3A_9 = arith.constant 80 : i32
    %barrier3A_10 = arith.constant 0 : index
    tpu.barrier barrier_id(%barrier3A_10)
    %mul3A_11 = arith.constant 640 : i32
    %mul3A_12 = arith.muli %arg1, %mul3A_11 : i32
    "tpu.region"() ({
      %run_scoped3A = tpu.sem_alloc : memref<!tpu.dma_semaphore, #tpu.memory_space<semaphore_mem>>
      %dma_start3A = tpu.memref_slice %arg9[%mul3A_12] : memref<10240xf32, #tpu.memory_space<vmem_shared>> -> memref<640xf32, #tpu.memory_space<vmem_shared>>
      %dma_start3A_18 = tpu.memref_slice %arg9[%mul3A_12] : memref<10240xf32, #tpu.memory_space<vmem_shared>> -> memref<640xf32, #tpu.memory_space<vmem_shared>>
      tpu.enqueue_dma source(%dma_start3A_18 : memref<640xf32, #tpu.memory_space<vmem_shared>>) target(%arg8 : memref<640xf32, #tpu.memory_space<vmem>>) target_semaphore(%run_scoped3A : memref<!tpu.dma_semaphore, #tpu.memory_space<semaphore_mem>>)
      %dma_wait3A = tpu.memref_slice %arg9[%mul3A_12] : memref<10240xf32, #tpu.memory_space<vmem_shared>> -> memref<640xf32, #tpu.memory_space<vmem_shared>>
      %dma_wait3A_19 = tpu.memref_slice %arg9[%mul3A_12] : memref<10240xf32, #tpu.memory_space<vmem_shared>> -> memref<640xf32, #tpu.memory_space<vmem_shared>>
      tpu.wait_dma2 semaphore(%run_scoped3A : memref<!tpu.dma_semaphore, #tpu.memory_space<semaphore_mem>>) src(%dma_wait3A_19 : memref<640xf32, #tpu.memory_space<vmem_shared>>) dst(%arg8 : memref<640xf32, #tpu.memory_space<vmem>>)
      tpu.yield
    }) : () -> ()
    %mul3A_13 = arith.constant 10240 : i32
    %mul3A_14 = arith.muli %arg0, %mul3A_13 : i32
    %mul3A_15 = arith.constant 640 : i32
    %mul3A_16 = arith.muli %arg1, %mul3A_15 : i32
    %add3A_17 = arith.addi %mul3A_14, %mul3A_16 : i32
    "tpu.region"() ({
      %run_scoped3A = tpu.sem_alloc : memref<!tpu.dma_semaphore, #tpu.memory_space<semaphore_mem>>
      %dma_start3A = tpu.memref_slice %arg5[%add3A_17] : memref<20480xf32, #tpu.memory_space<hbm>> -> memref<640xf32, #tpu.memory_space<hbm>>
      %dma_start3A_18 = tpu.memref_slice %arg5[%add3A_17] : memref<20480xf32, #tpu.memory_space<hbm>> -> memref<640xf32, #tpu.memory_space<hbm>>
      tpu.enqueue_dma source(%arg8 : memref<640xf32, #tpu.memory_space<vmem>>) target(%dma_start3A_18 : memref<640xf32, #tpu.memory_space<hbm>>) target_semaphore(%run_scoped3A : memref<!tpu.dma_semaphore, #tpu.memory_space<semaphore_mem>>)
      %dma_wait3A = tpu.memref_slice %arg5[%add3A_17] : memref<20480xf32, #tpu.memory_space<hbm>> -> memref<640xf32, #tpu.memory_space<hbm>>
      %dma_wait3A_19 = tpu.memref_slice %arg5[%add3A_17] : memref<20480xf32, #tpu.memory_space<hbm>> -> memref<640xf32, #tpu.memory_space<hbm>>
      tpu.wait_dma2 semaphore(%run_scoped3A : memref<!tpu.dma_semaphore, #tpu.memory_space<semaphore_mem>>) src(%arg8 : memref<640xf32, #tpu.memory_space<vmem>>) dst(%dma_wait3A_19 : memref<640xf32, #tpu.memory_space<hbm>>)
      tpu.yield
    }) : () -> ()
    return
  }
}

#map = affine_map<(d0, d1) -> (0, 0)>
module attributes {stable_mosaic.version = 14 : i64} {
  func.func @agg(%arg0: i32, %arg1: i32, %arg2: memref<10240x128xf32, #tpu.memory_space<hbm>>, %arg3: memref<2560x128xi32, #tpu.memory_space<hbm>>, %arg4: memref<2560x128xi32, #tpu.memory_space<hbm>>, %arg5: memref<128x128xf32, #tpu.memory_space<hbm>>, %arg6: memref<20480x128xf32, #tpu.memory_space<hbm>>, %arg7: memref<16x128xi32, #tpu.memory_space<vmem>>, %arg8: memref<16x128xi32, #tpu.memory_space<vmem>>, %arg9: memref<128x128xf32, #tpu.memory_space<vmem>>, %arg10: memref<10240x128xf32, #tpu.memory_space<vmem_shared>>, %arg11: memref<!tpu.dma_semaphore, #tpu.memory_space<semaphore_mem>>) attributes {dimension_semantics = [#tpu.dimension_semantics<core_parallel>, #tpu.dimension_semantics<subcore_parallel>], iteration_bounds = array<i64: 2, 16>, scalar_prefetch = 0 : i64, scratch_operands = 5 : i64, tpu.core_type = #tpu.core_type<sc_vector_subcore>, window_params = [{transform_indices = #map}, {transform_indices = #map}, {transform_indices = #map}, {transform_indices = #map}, {transform_indices = #map}]} {
    "tpu.region"() ({
      %run_scoped3A = tpu.sem_alloc : memref<!tpu.dma_semaphore, #tpu.memory_space<semaphore_mem>>
      tpu.enqueue_dma source(%arg5 : memref<128x128xf32, #tpu.memory_space<hbm>>) target(%arg9 : memref<128x128xf32, #tpu.memory_space<vmem>>) target_semaphore(%run_scoped3A : memref<!tpu.dma_semaphore, #tpu.memory_space<semaphore_mem>>)
      tpu.wait_dma2 semaphore(%run_scoped3A : memref<!tpu.dma_semaphore, #tpu.memory_space<semaphore_mem>>) src(%arg5 : memref<128x128xf32, #tpu.memory_space<hbm>>) dst(%arg9 : memref<128x128xf32, #tpu.memory_space<vmem>>)
      tpu.yield
    }) : () -> ()
    %mul3A = arith.constant 640 : i32
    %mul3A_0 = arith.muli %arg1, %mul3A : i32
    %add3A = arith.constant 0 : i32
    %add3A_1 = arith.addi %mul3A_0, %add3A : i32
    "tpu.region"() ({
      %run_scoped3A = tpu.sem_alloc : memref<!tpu.dma_semaphore, #tpu.memory_space<semaphore_mem>>
      %dma_start3A = arith.constant 0 : i32
      %dma_start3A_69 = tpu.memref_slice %arg10[%add3A_1, %dma_start3A] : memref<10240x128xf32, #tpu.memory_space<vmem_shared>> -> memref<128x128xf32, #tpu.memory_space<vmem_shared>>
      %dma_start3A_70 = arith.constant 0 : i32
      %dma_start3A_71 = tpu.memref_slice %arg10[%add3A_1, %dma_start3A_70] : memref<10240x128xf32, #tpu.memory_space<vmem_shared>> -> memref<128x128xf32, #tpu.memory_space<vmem_shared>>
      tpu.enqueue_dma source(%arg9 : memref<128x128xf32, #tpu.memory_space<vmem>>) target(%dma_start3A_71 : memref<128x128xf32, #tpu.memory_space<vmem_shared>>) target_semaphore(%run_scoped3A : memref<!tpu.dma_semaphore, #tpu.memory_space<semaphore_mem>>)
      %dma_wait3A = arith.constant 0 : i32
      %dma_wait3A_72 = tpu.memref_slice %arg10[%add3A_1, %dma_wait3A] : memref<10240x128xf32, #tpu.memory_space<vmem_shared>> -> memref<128x128xf32, #tpu.memory_space<vmem_shared>>
      %dma_wait3A_73 = arith.constant 0 : i32
      %dma_wait3A_74 = tpu.memref_slice %arg10[%add3A_1, %dma_wait3A_73] : memref<10240x128xf32, #tpu.memory_space<vmem_shared>> -> memref<128x128xf32, #tpu.memory_space<vmem_shared>>
      tpu.wait_dma2 semaphore(%run_scoped3A : memref<!tpu.dma_semaphore, #tpu.memory_space<semaphore_mem>>) src(%arg9 : memref<128x128xf32, #tpu.memory_space<vmem>>) dst(%dma_wait3A_74 : memref<128x128xf32, #tpu.memory_space<vmem_shared>>)
      tpu.yield
    }) : () -> ()
    %mul3A_2 = arith.constant 640 : i32
    %mul3A_3 = arith.muli %arg1, %mul3A_2 : i32
    %add3A_4 = arith.constant 128 : i32
    %add3A_5 = arith.addi %mul3A_3, %add3A_4 : i32
    "tpu.region"() ({
      %run_scoped3A = tpu.sem_alloc : memref<!tpu.dma_semaphore, #tpu.memory_space<semaphore_mem>>
      %dma_start3A = arith.constant 0 : i32
      %dma_start3A_69 = tpu.memref_slice %arg10[%add3A_5, %dma_start3A] : memref<10240x128xf32, #tpu.memory_space<vmem_shared>> -> memref<128x128xf32, #tpu.memory_space<vmem_shared>>
      %dma_start3A_70 = arith.constant 0 : i32
      %dma_start3A_71 = tpu.memref_slice %arg10[%add3A_5, %dma_start3A_70] : memref<10240x128xf32, #tpu.memory_space<vmem_shared>> -> memref<128x128xf32, #tpu.memory_space<vmem_shared>>
      tpu.enqueue_dma source(%arg9 : memref<128x128xf32, #tpu.memory_space<vmem>>) target(%dma_start3A_71 : memref<128x128xf32, #tpu.memory_space<vmem_shared>>) target_semaphore(%run_scoped3A : memref<!tpu.dma_semaphore, #tpu.memory_space<semaphore_mem>>)
      %dma_wait3A = arith.constant 0 : i32
      %dma_wait3A_72 = tpu.memref_slice %arg10[%add3A_5, %dma_wait3A] : memref<10240x128xf32, #tpu.memory_space<vmem_shared>> -> memref<128x128xf32, #tpu.memory_space<vmem_shared>>
      %dma_wait3A_73 = arith.constant 0 : i32
      %dma_wait3A_74 = tpu.memref_slice %arg10[%add3A_5, %dma_wait3A_73] : memref<10240x128xf32, #tpu.memory_space<vmem_shared>> -> memref<128x128xf32, #tpu.memory_space<vmem_shared>>
      tpu.wait_dma2 semaphore(%run_scoped3A : memref<!tpu.dma_semaphore, #tpu.memory_space<semaphore_mem>>) src(%arg9 : memref<128x128xf32, #tpu.memory_space<vmem>>) dst(%dma_wait3A_74 : memref<128x128xf32, #tpu.memory_space<vmem_shared>>)
      tpu.yield
    }) : () -> ()
    %mul3A_6 = arith.constant 640 : i32
    %mul3A_7 = arith.muli %arg1, %mul3A_6 : i32
    %add3A_8 = arith.constant 256 : i32
    %add3A_9 = arith.addi %mul3A_7, %add3A_8 : i32
    "tpu.region"() ({
      %run_scoped3A = tpu.sem_alloc : memref<!tpu.dma_semaphore, #tpu.memory_space<semaphore_mem>>
      %dma_start3A = arith.constant 0 : i32
      %dma_start3A_69 = tpu.memref_slice %arg10[%add3A_9, %dma_start3A] : memref<10240x128xf32, #tpu.memory_space<vmem_shared>> -> memref<128x128xf32, #tpu.memory_space<vmem_shared>>
      %dma_start3A_70 = arith.constant 0 : i32
      %dma_start3A_71 = tpu.memref_slice %arg10[%add3A_9, %dma_start3A_70] : memref<10240x128xf32, #tpu.memory_space<vmem_shared>> -> memref<128x128xf32, #tpu.memory_space<vmem_shared>>
      tpu.enqueue_dma source(%arg9 : memref<128x128xf32, #tpu.memory_space<vmem>>) target(%dma_start3A_71 : memref<128x128xf32, #tpu.memory_space<vmem_shared>>) target_semaphore(%run_scoped3A : memref<!tpu.dma_semaphore, #tpu.memory_space<semaphore_mem>>)
      %dma_wait3A = arith.constant 0 : i32
      %dma_wait3A_72 = tpu.memref_slice %arg10[%add3A_9, %dma_wait3A] : memref<10240x128xf32, #tpu.memory_space<vmem_shared>> -> memref<128x128xf32, #tpu.memory_space<vmem_shared>>
      %dma_wait3A_73 = arith.constant 0 : i32
      %dma_wait3A_74 = tpu.memref_slice %arg10[%add3A_9, %dma_wait3A_73] : memref<10240x128xf32, #tpu.memory_space<vmem_shared>> -> memref<128x128xf32, #tpu.memory_space<vmem_shared>>
      tpu.wait_dma2 semaphore(%run_scoped3A : memref<!tpu.dma_semaphore, #tpu.memory_space<semaphore_mem>>) src(%arg9 : memref<128x128xf32, #tpu.memory_space<vmem>>) dst(%dma_wait3A_74 : memref<128x128xf32, #tpu.memory_space<vmem_shared>>)
      tpu.yield
    }) : () -> ()
    %mul3A_10 = arith.constant 640 : i32
    %mul3A_11 = arith.muli %arg1, %mul3A_10 : i32
    %add3A_12 = arith.constant 384 : i32
    %add3A_13 = arith.addi %mul3A_11, %add3A_12 : i32
    "tpu.region"() ({
      %run_scoped3A = tpu.sem_alloc : memref<!tpu.dma_semaphore, #tpu.memory_space<semaphore_mem>>
      %dma_start3A = arith.constant 0 : i32
      %dma_start3A_69 = tpu.memref_slice %arg10[%add3A_13, %dma_start3A] : memref<10240x128xf32, #tpu.memory_space<vmem_shared>> -> memref<128x128xf32, #tpu.memory_space<vmem_shared>>
      %dma_start3A_70 = arith.constant 0 : i32
      %dma_start3A_71 = tpu.memref_slice %arg10[%add3A_13, %dma_start3A_70] : memref<10240x128xf32, #tpu.memory_space<vmem_shared>> -> memref<128x128xf32, #tpu.memory_space<vmem_shared>>
      tpu.enqueue_dma source(%arg9 : memref<128x128xf32, #tpu.memory_space<vmem>>) target(%dma_start3A_71 : memref<128x128xf32, #tpu.memory_space<vmem_shared>>) target_semaphore(%run_scoped3A : memref<!tpu.dma_semaphore, #tpu.memory_space<semaphore_mem>>)
      %dma_wait3A = arith.constant 0 : i32
      %dma_wait3A_72 = tpu.memref_slice %arg10[%add3A_13, %dma_wait3A] : memref<10240x128xf32, #tpu.memory_space<vmem_shared>> -> memref<128x128xf32, #tpu.memory_space<vmem_shared>>
      %dma_wait3A_73 = arith.constant 0 : i32
      %dma_wait3A_74 = tpu.memref_slice %arg10[%add3A_13, %dma_wait3A_73] : memref<10240x128xf32, #tpu.memory_space<vmem_shared>> -> memref<128x128xf32, #tpu.memory_space<vmem_shared>>
      tpu.wait_dma2 semaphore(%run_scoped3A : memref<!tpu.dma_semaphore, #tpu.memory_space<semaphore_mem>>) src(%arg9 : memref<128x128xf32, #tpu.memory_space<vmem>>) dst(%dma_wait3A_74 : memref<128x128xf32, #tpu.memory_space<vmem_shared>>)
      tpu.yield
    }) : () -> ()
    %mul3A_14 = arith.constant 640 : i32
    %mul3A_15 = arith.muli %arg1, %mul3A_14 : i32
    %add3A_16 = arith.constant 512 : i32
    %add3A_17 = arith.addi %mul3A_15, %add3A_16 : i32
    "tpu.region"() ({
      %run_scoped3A = tpu.sem_alloc : memref<!tpu.dma_semaphore, #tpu.memory_space<semaphore_mem>>
      %dma_start3A = arith.constant 0 : i32
      %dma_start3A_69 = tpu.memref_slice %arg10[%add3A_17, %dma_start3A] : memref<10240x128xf32, #tpu.memory_space<vmem_shared>> -> memref<128x128xf32, #tpu.memory_space<vmem_shared>>
      %dma_start3A_70 = arith.constant 0 : i32
      %dma_start3A_71 = tpu.memref_slice %arg10[%add3A_17, %dma_start3A_70] : memref<10240x128xf32, #tpu.memory_space<vmem_shared>> -> memref<128x128xf32, #tpu.memory_space<vmem_shared>>
      tpu.enqueue_dma source(%arg9 : memref<128x128xf32, #tpu.memory_space<vmem>>) target(%dma_start3A_71 : memref<128x128xf32, #tpu.memory_space<vmem_shared>>) target_semaphore(%run_scoped3A : memref<!tpu.dma_semaphore, #tpu.memory_space<semaphore_mem>>)
      %dma_wait3A = arith.constant 0 : i32
      %dma_wait3A_72 = tpu.memref_slice %arg10[%add3A_17, %dma_wait3A] : memref<10240x128xf32, #tpu.memory_space<vmem_shared>> -> memref<128x128xf32, #tpu.memory_space<vmem_shared>>
      %dma_wait3A_73 = arith.constant 0 : i32
      %dma_wait3A_74 = tpu.memref_slice %arg10[%add3A_17, %dma_wait3A_73] : memref<10240x128xf32, #tpu.memory_space<vmem_shared>> -> memref<128x128xf32, #tpu.memory_space<vmem_shared>>
      tpu.wait_dma2 semaphore(%run_scoped3A : memref<!tpu.dma_semaphore, #tpu.memory_space<semaphore_mem>>) src(%arg9 : memref<128x128xf32, #tpu.memory_space<vmem>>) dst(%dma_wait3A_74 : memref<128x128xf32, #tpu.memory_space<vmem_shared>>)
      tpu.yield
    }) : () -> ()
    %barrier3A = arith.constant 0 : index
    tpu.barrier barrier_id(%barrier3A)
    %mul3A_18 = arith.constant 1280 : i32
    %mul3A_19 = arith.muli %arg0, %mul3A_18 : i32
    %mul3A_20 = arith.constant 80 : i32
    %mul3A_21 = arith.muli %arg1, %mul3A_20 : i32
    %add3A_22 = arith.addi %mul3A_19, %mul3A_21 : i32
    %mul3A_23 = arith.constant 1280 : i32
    %mul3A_24 = arith.muli %arg0, %mul3A_23 : i32
    %mul3A_25 = arith.constant 80 : i32
    %mul3A_26 = arith.muli %arg1, %mul3A_25 : i32
    %add3A_27 = arith.addi %mul3A_24, %mul3A_26 : i32
    %scan3A = arith.constant 0 : i32
    %scan3A_28 = arith.constant 0 : i32
    %scan3A_29 = arith.constant 5 : i32
    %scan3A_30 = arith.addi %scan3A_28, %scan3A_29 : i32
    %scan3A_31 = arith.constant 1 : i32
    scf.for %scan3A_69 = %scan3A_28 to %scan3A_30 step %scan3A_31  : i32 {
      %mul3A_70 = arith.constant 16 : i32
      %mul3A_71 = arith.muli %scan3A_69, %mul3A_70 : i32
      %add3A_72 = arith.addi %add3A_22, %mul3A_71 : i32
      "tpu.region"() ({
        %run_scoped3A = tpu.sem_alloc : memref<!tpu.dma_semaphore, #tpu.memory_space<semaphore_mem>>
        %dma_start3A = arith.constant 0 : i32
        %dma_start3A_82 = tpu.memref_slice %arg3[%add3A_72, %dma_start3A] : memref<2560x128xi32, #tpu.memory_space<hbm>> -> memref<16x128xi32, #tpu.memory_space<hbm>>
        %dma_start3A_83 = arith.constant 0 : i32
        %dma_start3A_84 = tpu.memref_slice %arg3[%add3A_72, %dma_start3A_83] : memref<2560x128xi32, #tpu.memory_space<hbm>> -> memref<16x128xi32, #tpu.memory_space<hbm>>
        tpu.enqueue_dma source(%dma_start3A_84 : memref<16x128xi32, #tpu.memory_space<hbm>>) target(%arg7 : memref<16x128xi32, #tpu.memory_space<vmem>>) target_semaphore(%run_scoped3A : memref<!tpu.dma_semaphore, #tpu.memory_space<semaphore_mem>>)
        %dma_wait3A = arith.constant 0 : i32
        %dma_wait3A_85 = tpu.memref_slice %arg3[%add3A_72, %dma_wait3A] : memref<2560x128xi32, #tpu.memory_space<hbm>> -> memref<16x128xi32, #tpu.memory_space<hbm>>
        %dma_wait3A_86 = arith.constant 0 : i32
        %dma_wait3A_87 = tpu.memref_slice %arg3[%add3A_72, %dma_wait3A_86] : memref<2560x128xi32, #tpu.memory_space<hbm>> -> memref<16x128xi32, #tpu.memory_space<hbm>>
        tpu.wait_dma2 semaphore(%run_scoped3A : memref<!tpu.dma_semaphore, #tpu.memory_space<semaphore_mem>>) src(%dma_wait3A_87 : memref<16x128xi32, #tpu.memory_space<hbm>>) dst(%arg7 : memref<16x128xi32, #tpu.memory_space<vmem>>)
        tpu.yield
      }) : () -> ()
      %mul3A_73 = arith.constant 16 : i32
      %mul3A_74 = arith.muli %scan3A_69, %mul3A_73 : i32
      %add3A_75 = arith.addi %add3A_27, %mul3A_74 : i32
      "tpu.region"() ({
        %run_scoped3A = tpu.sem_alloc : memref<!tpu.dma_semaphore, #tpu.memory_space<semaphore_mem>>
        %dma_start3A = arith.constant 0 : i32
        %dma_start3A_82 = tpu.memref_slice %arg4[%add3A_75, %dma_start3A] : memref<2560x128xi32, #tpu.memory_space<hbm>> -> memref<16x128xi32, #tpu.memory_space<hbm>>
        %dma_start3A_83 = arith.constant 0 : i32
        %dma_start3A_84 = tpu.memref_slice %arg4[%add3A_75, %dma_start3A_83] : memref<2560x128xi32, #tpu.memory_space<hbm>> -> memref<16x128xi32, #tpu.memory_space<hbm>>
        tpu.enqueue_dma source(%dma_start3A_84 : memref<16x128xi32, #tpu.memory_space<hbm>>) target(%arg8 : memref<16x128xi32, #tpu.memory_space<vmem>>) target_semaphore(%run_scoped3A : memref<!tpu.dma_semaphore, #tpu.memory_space<semaphore_mem>>)
        %dma_wait3A = arith.constant 0 : i32
        %dma_wait3A_85 = tpu.memref_slice %arg4[%add3A_75, %dma_wait3A] : memref<2560x128xi32, #tpu.memory_space<hbm>> -> memref<16x128xi32, #tpu.memory_space<hbm>>
        %dma_wait3A_86 = arith.constant 0 : i32
        %dma_wait3A_87 = tpu.memref_slice %arg4[%add3A_75, %dma_wait3A_86] : memref<2560x128xi32, #tpu.memory_space<hbm>> -> memref<16x128xi32, #tpu.memory_space<hbm>>
        tpu.wait_dma2 semaphore(%run_scoped3A : memref<!tpu.dma_semaphore, #tpu.memory_space<semaphore_mem>>) src(%dma_wait3A_87 : memref<16x128xi32, #tpu.memory_space<hbm>>) dst(%arg8 : memref<16x128xi32, #tpu.memory_space<vmem>>)
        tpu.yield
      }) : () -> ()
      %scan3A_76 = arith.constant 0 : i32
      %scan3A_77 = arith.constant 0 : i32
      %scan3A_78 = arith.constant 16 : i32
      %scan3A_79 = arith.addi %scan3A_77, %scan3A_78 : i32
      %scan3A_80 = arith.constant 1 : i32
      scf.for %scan3A_82 = %scan3A_77 to %scan3A_79 step %scan3A_80  : i32 {
        %dma_start3A = arith.constant 0 : i32
        %dma_start3A_83 = tpu.memref_slice %arg7[%scan3A_82, %dma_start3A] : memref<16x128xi32, #tpu.memory_space<vmem>> -> memref<1x128xi32, #tpu.memory_space<vmem>>
        %dma_start3A_84 = tpu.memref_squeeze %dma_start3A_83 : memref<1x128xi32, #tpu.memory_space<vmem>> -> memref<128xi32, #tpu.memory_space<vmem>>
        %dma_start3A_85 = arith.constant 0 : i32
        %dma_start3A_86 = arith.constant 0 : i32
        %dma_start3A_87 = tpu.memref_slice %arg2[%dma_start3A_85, %dma_start3A_86] : memref<10240x128xf32, #tpu.memory_space<hbm>> -> memref<10240x128xf32, #tpu.memory_space<hbm>>
        tpu.enqueue_indirect_dma source(%dma_start3A_87 : memref<10240x128xf32, #tpu.memory_space<hbm>>) target(%arg9 : memref<128x128xf32, #tpu.memory_space<vmem>>) offsets(%dma_start3A_84 : memref<128xi32, #tpu.memory_space<vmem>>) semaphore(%arg11 : memref<!tpu.dma_semaphore, #tpu.memory_space<semaphore_mem>>)
        %dma_wait3A = arith.constant 0 : i32
        %dma_wait3A_88 = tpu.memref_slice %arg7[%scan3A_82, %dma_wait3A] : memref<16x128xi32, #tpu.memory_space<vmem>> -> memref<1x128xi32, #tpu.memory_space<vmem>>
        %dma_wait3A_89 = tpu.memref_squeeze %dma_wait3A_88 : memref<1x128xi32, #tpu.memory_space<vmem>> -> memref<128xi32, #tpu.memory_space<vmem>>
        %dma_wait3A_90 = arith.constant 0 : i32
        %dma_wait3A_91 = arith.constant 0 : i32
        %dma_wait3A_92 = tpu.memref_slice %arg2[%dma_wait3A_90, %dma_wait3A_91] : memref<10240x128xf32, #tpu.memory_space<hbm>> -> memref<10240x128xf32, #tpu.memory_space<hbm>>
        tpu.wait_indirect_dma semaphore(%arg11 : memref<!tpu.dma_semaphore, #tpu.memory_space<semaphore_mem>>) src(%dma_wait3A_92 : memref<10240x128xf32, #tpu.memory_space<hbm>>) dst(%arg9 : memref<128x128xf32, #tpu.memory_space<vmem>>)
        "tpu.region"() ({
          %run_scoped3A = tpu.sem_alloc : memref<!tpu.dma_semaphore, #tpu.memory_space<semaphore_mem>>
          %dma_start3A_93 = arith.constant 0 : i32
          %dma_start3A_94 = tpu.memref_slice %arg8[%scan3A_82, %dma_start3A_93] : memref<16x128xi32, #tpu.memory_space<vmem>> -> memref<1x128xi32, #tpu.memory_space<vmem>>
          %dma_start3A_95 = tpu.memref_squeeze %dma_start3A_94 : memref<1x128xi32, #tpu.memory_space<vmem>> -> memref<128xi32, #tpu.memory_space<vmem>>
          %dma_start3A_96 = arith.constant 0 : i32
          %dma_start3A_97 = arith.constant 0 : i32
          %dma_start3A_98 = tpu.memref_slice %arg10[%dma_start3A_96, %dma_start3A_97] : memref<10240x128xf32, #tpu.memory_space<vmem_shared>> -> memref<10240x128xf32, #tpu.memory_space<vmem_shared>>
          tpu.enqueue_indirect_dma source(%arg9 : memref<128x128xf32, #tpu.memory_space<vmem>>) target(%dma_start3A_98 : memref<10240x128xf32, #tpu.memory_space<vmem_shared>>) offsets(%dma_start3A_95 : memref<128xi32, #tpu.memory_space<vmem>>) semaphore(%run_scoped3A : memref<!tpu.dma_semaphore, #tpu.memory_space<semaphore_mem>>) {add = true}
          %dma_wait3A_99 = arith.constant 0 : i32
          %dma_wait3A_100 = tpu.memref_slice %arg8[%scan3A_82, %dma_wait3A_99] : memref<16x128xi32, #tpu.memory_space<vmem>> -> memref<1x128xi32, #tpu.memory_space<vmem>>
          %dma_wait3A_101 = tpu.memref_squeeze %dma_wait3A_100 : memref<1x128xi32, #tpu.memory_space<vmem>> -> memref<128xi32, #tpu.memory_space<vmem>>
          %dma_wait3A_102 = arith.constant 0 : i32
          %dma_wait3A_103 = arith.constant 0 : i32
          %dma_wait3A_104 = tpu.memref_slice %arg10[%dma_wait3A_102, %dma_wait3A_103] : memref<10240x128xf32, #tpu.memory_space<vmem_shared>> -> memref<10240x128xf32, #tpu.memory_space<vmem_shared>>
          tpu.wait_indirect_dma semaphore(%run_scoped3A : memref<!tpu.dma_semaphore, #tpu.memory_space<semaphore_mem>>) src(%arg9 : memref<128x128xf32, #tpu.memory_space<vmem>>) dst(%dma_wait3A_104 : memref<10240x128xf32, #tpu.memory_space<vmem_shared>>)
          tpu.yield
        }) : () -> ()
      }
      %scan3A_81 = arith.constant 16 : i32
    }
    %scan3A_32 = arith.constant 5 : i32
    %barrier3A_33 = arith.constant 0 : index
    tpu.barrier barrier_id(%barrier3A_33)
    %mul3A_34 = arith.constant 640 : i32
    %mul3A_35 = arith.muli %arg1, %mul3A_34 : i32
    %add3A_36 = arith.constant 0 : i32
    %add3A_37 = arith.addi %mul3A_35, %add3A_36 : i32
    "tpu.region"() ({
      %run_scoped3A = tpu.sem_alloc : memref<!tpu.dma_semaphore, #tpu.memory_space<semaphore_mem>>
      %dma_start3A = arith.constant 0 : i32
      %dma_start3A_69 = tpu.memref_slice %arg10[%add3A_37, %dma_start3A] : memref<10240x128xf32, #tpu.memory_space<vmem_shared>> -> memref<128x128xf32, #tpu.memory_space<vmem_shared>>
      %dma_start3A_70 = arith.constant 0 : i32
      %dma_start3A_71 = tpu.memref_slice %arg10[%add3A_37, %dma_start3A_70] : memref<10240x128xf32, #tpu.memory_space<vmem_shared>> -> memref<128x128xf32, #tpu.memory_space<vmem_shared>>
      tpu.enqueue_dma source(%dma_start3A_71 : memref<128x128xf32, #tpu.memory_space<vmem_shared>>) target(%arg9 : memref<128x128xf32, #tpu.memory_space<vmem>>) target_semaphore(%run_scoped3A : memref<!tpu.dma_semaphore, #tpu.memory_space<semaphore_mem>>)
      %dma_wait3A = arith.constant 0 : i32
      %dma_wait3A_72 = tpu.memref_slice %arg10[%add3A_37, %dma_wait3A] : memref<10240x128xf32, #tpu.memory_space<vmem_shared>> -> memref<128x128xf32, #tpu.memory_space<vmem_shared>>
      %dma_wait3A_73 = arith.constant 0 : i32
      %dma_wait3A_74 = tpu.memref_slice %arg10[%add3A_37, %dma_wait3A_73] : memref<10240x128xf32, #tpu.memory_space<vmem_shared>> -> memref<128x128xf32, #tpu.memory_space<vmem_shared>>
      tpu.wait_dma2 semaphore(%run_scoped3A : memref<!tpu.dma_semaphore, #tpu.memory_space<semaphore_mem>>) src(%dma_wait3A_74 : memref<128x128xf32, #tpu.memory_space<vmem_shared>>) dst(%arg9 : memref<128x128xf32, #tpu.memory_space<vmem>>)
      tpu.yield
    }) : () -> ()
    %mul3A_38 = arith.constant 10240 : i32
    %mul3A_39 = arith.muli %arg0, %mul3A_38 : i32
    %add3A_40 = arith.addi %mul3A_39, %add3A_37 : i32
    "tpu.region"() ({
      %run_scoped3A = tpu.sem_alloc : memref<!tpu.dma_semaphore, #tpu.memory_space<semaphore_mem>>
      %dma_start3A = arith.constant 0 : i32
      %dma_start3A_69 = tpu.memref_slice %arg6[%add3A_40, %dma_start3A] : memref<20480x128xf32, #tpu.memory_space<hbm>> -> memref<128x128xf32, #tpu.memory_space<hbm>>
      %dma_start3A_70 = arith.constant 0 : i32
      %dma_start3A_71 = tpu.memref_slice %arg6[%add3A_40, %dma_start3A_70] : memref<20480x128xf32, #tpu.memory_space<hbm>> -> memref<128x128xf32, #tpu.memory_space<hbm>>
      tpu.enqueue_dma source(%arg9 : memref<128x128xf32, #tpu.memory_space<vmem>>) target(%dma_start3A_71 : memref<128x128xf32, #tpu.memory_space<hbm>>) target_semaphore(%run_scoped3A : memref<!tpu.dma_semaphore, #tpu.memory_space<semaphore_mem>>)
      %dma_wait3A = arith.constant 0 : i32
      %dma_wait3A_72 = tpu.memref_slice %arg6[%add3A_40, %dma_wait3A] : memref<20480x128xf32, #tpu.memory_space<hbm>> -> memref<128x128xf32, #tpu.memory_space<hbm>>
      %dma_wait3A_73 = arith.constant 0 : i32
      %dma_wait3A_74 = tpu.memref_slice %arg6[%add3A_40, %dma_wait3A_73] : memref<20480x128xf32, #tpu.memory_space<hbm>> -> memref<128x128xf32, #tpu.memory_space<hbm>>
      tpu.wait_dma2 semaphore(%run_scoped3A : memref<!tpu.dma_semaphore, #tpu.memory_space<semaphore_mem>>) src(%arg9 : memref<128x128xf32, #tpu.memory_space<vmem>>) dst(%dma_wait3A_74 : memref<128x128xf32, #tpu.memory_space<hbm>>)
      tpu.yield
    }) : () -> ()
    %mul3A_41 = arith.constant 640 : i32
    %mul3A_42 = arith.muli %arg1, %mul3A_41 : i32
    %add3A_43 = arith.constant 128 : i32
    %add3A_44 = arith.addi %mul3A_42, %add3A_43 : i32
    "tpu.region"() ({
      %run_scoped3A = tpu.sem_alloc : memref<!tpu.dma_semaphore, #tpu.memory_space<semaphore_mem>>
      %dma_start3A = arith.constant 0 : i32
      %dma_start3A_69 = tpu.memref_slice %arg10[%add3A_44, %dma_start3A] : memref<10240x128xf32, #tpu.memory_space<vmem_shared>> -> memref<128x128xf32, #tpu.memory_space<vmem_shared>>
      %dma_start3A_70 = arith.constant 0 : i32
      %dma_start3A_71 = tpu.memref_slice %arg10[%add3A_44, %dma_start3A_70] : memref<10240x128xf32, #tpu.memory_space<vmem_shared>> -> memref<128x128xf32, #tpu.memory_space<vmem_shared>>
      tpu.enqueue_dma source(%dma_start3A_71 : memref<128x128xf32, #tpu.memory_space<vmem_shared>>) target(%arg9 : memref<128x128xf32, #tpu.memory_space<vmem>>) target_semaphore(%run_scoped3A : memref<!tpu.dma_semaphore, #tpu.memory_space<semaphore_mem>>)
      %dma_wait3A = arith.constant 0 : i32
      %dma_wait3A_72 = tpu.memref_slice %arg10[%add3A_44, %dma_wait3A] : memref<10240x128xf32, #tpu.memory_space<vmem_shared>> -> memref<128x128xf32, #tpu.memory_space<vmem_shared>>
      %dma_wait3A_73 = arith.constant 0 : i32
      %dma_wait3A_74 = tpu.memref_slice %arg10[%add3A_44, %dma_wait3A_73] : memref<10240x128xf32, #tpu.memory_space<vmem_shared>> -> memref<128x128xf32, #tpu.memory_space<vmem_shared>>
      tpu.wait_dma2 semaphore(%run_scoped3A : memref<!tpu.dma_semaphore, #tpu.memory_space<semaphore_mem>>) src(%dma_wait3A_74 : memref<128x128xf32, #tpu.memory_space<vmem_shared>>) dst(%arg9 : memref<128x128xf32, #tpu.memory_space<vmem>>)
      tpu.yield
    }) : () -> ()
    %mul3A_45 = arith.constant 10240 : i32
    %mul3A_46 = arith.muli %arg0, %mul3A_45 : i32
    %add3A_47 = arith.addi %mul3A_46, %add3A_44 : i32
    "tpu.region"() ({
      %run_scoped3A = tpu.sem_alloc : memref<!tpu.dma_semaphore, #tpu.memory_space<semaphore_mem>>
      %dma_start3A = arith.constant 0 : i32
      %dma_start3A_69 = tpu.memref_slice %arg6[%add3A_47, %dma_start3A] : memref<20480x128xf32, #tpu.memory_space<hbm>> -> memref<128x128xf32, #tpu.memory_space<hbm>>
      %dma_start3A_70 = arith.constant 0 : i32
      %dma_start3A_71 = tpu.memref_slice %arg6[%add3A_47, %dma_start3A_70] : memref<20480x128xf32, #tpu.memory_space<hbm>> -> memref<128x128xf32, #tpu.memory_space<hbm>>
      tpu.enqueue_dma source(%arg9 : memref<128x128xf32, #tpu.memory_space<vmem>>) target(%dma_start3A_71 : memref<128x128xf32, #tpu.memory_space<hbm>>) target_semaphore(%run_scoped3A : memref<!tpu.dma_semaphore, #tpu.memory_space<semaphore_mem>>)
      %dma_wait3A = arith.constant 0 : i32
      %dma_wait3A_72 = tpu.memref_slice %arg6[%add3A_47, %dma_wait3A] : memref<20480x128xf32, #tpu.memory_space<hbm>> -> memref<128x128xf32, #tpu.memory_space<hbm>>
      %dma_wait3A_73 = arith.constant 0 : i32
      %dma_wait3A_74 = tpu.memref_slice %arg6[%add3A_47, %dma_wait3A_73] : memref<20480x128xf32, #tpu.memory_space<hbm>> -> memref<128x128xf32, #tpu.memory_space<hbm>>
      tpu.wait_dma2 semaphore(%run_scoped3A : memref<!tpu.dma_semaphore, #tpu.memory_space<semaphore_mem>>) src(%arg9 : memref<128x128xf32, #tpu.memory_space<vmem>>) dst(%dma_wait3A_74 : memref<128x128xf32, #tpu.memory_space<hbm>>)
      tpu.yield
    }) : () -> ()
    %mul3A_48 = arith.constant 640 : i32
    %mul3A_49 = arith.muli %arg1, %mul3A_48 : i32
    %add3A_50 = arith.constant 256 : i32
    %add3A_51 = arith.addi %mul3A_49, %add3A_50 : i32
    "tpu.region"() ({
      %run_scoped3A = tpu.sem_alloc : memref<!tpu.dma_semaphore, #tpu.memory_space<semaphore_mem>>
      %dma_start3A = arith.constant 0 : i32
      %dma_start3A_69 = tpu.memref_slice %arg10[%add3A_51, %dma_start3A] : memref<10240x128xf32, #tpu.memory_space<vmem_shared>> -> memref<128x128xf32, #tpu.memory_space<vmem_shared>>
      %dma_start3A_70 = arith.constant 0 : i32
      %dma_start3A_71 = tpu.memref_slice %arg10[%add3A_51, %dma_start3A_70] : memref<10240x128xf32, #tpu.memory_space<vmem_shared>> -> memref<128x128xf32, #tpu.memory_space<vmem_shared>>
      tpu.enqueue_dma source(%dma_start3A_71 : memref<128x128xf32, #tpu.memory_space<vmem_shared>>) target(%arg9 : memref<128x128xf32, #tpu.memory_space<vmem>>) target_semaphore(%run_scoped3A : memref<!tpu.dma_semaphore, #tpu.memory_space<semaphore_mem>>)
      %dma_wait3A = arith.constant 0 : i32
      %dma_wait3A_72 = tpu.memref_slice %arg10[%add3A_51, %dma_wait3A] : memref<10240x128xf32, #tpu.memory_space<vmem_shared>> -> memref<128x128xf32, #tpu.memory_space<vmem_shared>>
      %dma_wait3A_73 = arith.constant 0 : i32
      %dma_wait3A_74 = tpu.memref_slice %arg10[%add3A_51, %dma_wait3A_73] : memref<10240x128xf32, #tpu.memory_space<vmem_shared>> -> memref<128x128xf32, #tpu.memory_space<vmem_shared>>
      tpu.wait_dma2 semaphore(%run_scoped3A : memref<!tpu.dma_semaphore, #tpu.memory_space<semaphore_mem>>) src(%dma_wait3A_74 : memref<128x128xf32, #tpu.memory_space<vmem_shared>>) dst(%arg9 : memref<128x128xf32, #tpu.memory_space<vmem>>)
      tpu.yield
    }) : () -> ()
    %mul3A_52 = arith.constant 10240 : i32
    %mul3A_53 = arith.muli %arg0, %mul3A_52 : i32
    %add3A_54 = arith.addi %mul3A_53, %add3A_51 : i32
    "tpu.region"() ({
      %run_scoped3A = tpu.sem_alloc : memref<!tpu.dma_semaphore, #tpu.memory_space<semaphore_mem>>
      %dma_start3A = arith.constant 0 : i32
      %dma_start3A_69 = tpu.memref_slice %arg6[%add3A_54, %dma_start3A] : memref<20480x128xf32, #tpu.memory_space<hbm>> -> memref<128x128xf32, #tpu.memory_space<hbm>>
      %dma_start3A_70 = arith.constant 0 : i32
      %dma_start3A_71 = tpu.memref_slice %arg6[%add3A_54, %dma_start3A_70] : memref<20480x128xf32, #tpu.memory_space<hbm>> -> memref<128x128xf32, #tpu.memory_space<hbm>>
      tpu.enqueue_dma source(%arg9 : memref<128x128xf32, #tpu.memory_space<vmem>>) target(%dma_start3A_71 : memref<128x128xf32, #tpu.memory_space<hbm>>) target_semaphore(%run_scoped3A : memref<!tpu.dma_semaphore, #tpu.memory_space<semaphore_mem>>)
      %dma_wait3A = arith.constant 0 : i32
      %dma_wait3A_72 = tpu.memref_slice %arg6[%add3A_54, %dma_wait3A] : memref<20480x128xf32, #tpu.memory_space<hbm>> -> memref<128x128xf32, #tpu.memory_space<hbm>>
      %dma_wait3A_73 = arith.constant 0 : i32
      %dma_wait3A_74 = tpu.memref_slice %arg6[%add3A_54, %dma_wait3A_73] : memref<20480x128xf32, #tpu.memory_space<hbm>> -> memref<128x128xf32, #tpu.memory_space<hbm>>
      tpu.wait_dma2 semaphore(%run_scoped3A : memref<!tpu.dma_semaphore, #tpu.memory_space<semaphore_mem>>) src(%arg9 : memref<128x128xf32, #tpu.memory_space<vmem>>) dst(%dma_wait3A_74 : memref<128x128xf32, #tpu.memory_space<hbm>>)
      tpu.yield
    }) : () -> ()
    %mul3A_55 = arith.constant 640 : i32
    %mul3A_56 = arith.muli %arg1, %mul3A_55 : i32
    %add3A_57 = arith.constant 384 : i32
    %add3A_58 = arith.addi %mul3A_56, %add3A_57 : i32
    "tpu.region"() ({
      %run_scoped3A = tpu.sem_alloc : memref<!tpu.dma_semaphore, #tpu.memory_space<semaphore_mem>>
      %dma_start3A = arith.constant 0 : i32
      %dma_start3A_69 = tpu.memref_slice %arg10[%add3A_58, %dma_start3A] : memref<10240x128xf32, #tpu.memory_space<vmem_shared>> -> memref<128x128xf32, #tpu.memory_space<vmem_shared>>
      %dma_start3A_70 = arith.constant 0 : i32
      %dma_start3A_71 = tpu.memref_slice %arg10[%add3A_58, %dma_start3A_70] : memref<10240x128xf32, #tpu.memory_space<vmem_shared>> -> memref<128x128xf32, #tpu.memory_space<vmem_shared>>
      tpu.enqueue_dma source(%dma_start3A_71 : memref<128x128xf32, #tpu.memory_space<vmem_shared>>) target(%arg9 : memref<128x128xf32, #tpu.memory_space<vmem>>) target_semaphore(%run_scoped3A : memref<!tpu.dma_semaphore, #tpu.memory_space<semaphore_mem>>)
      %dma_wait3A = arith.constant 0 : i32
      %dma_wait3A_72 = tpu.memref_slice %arg10[%add3A_58, %dma_wait3A] : memref<10240x128xf32, #tpu.memory_space<vmem_shared>> -> memref<128x128xf32, #tpu.memory_space<vmem_shared>>
      %dma_wait3A_73 = arith.constant 0 : i32
      %dma_wait3A_74 = tpu.memref_slice %arg10[%add3A_58, %dma_wait3A_73] : memref<10240x128xf32, #tpu.memory_space<vmem_shared>> -> memref<128x128xf32, #tpu.memory_space<vmem_shared>>
      tpu.wait_dma2 semaphore(%run_scoped3A : memref<!tpu.dma_semaphore, #tpu.memory_space<semaphore_mem>>) src(%dma_wait3A_74 : memref<128x128xf32, #tpu.memory_space<vmem_shared>>) dst(%arg9 : memref<128x128xf32, #tpu.memory_space<vmem>>)
      tpu.yield
    }) : () -> ()
    %mul3A_59 = arith.constant 10240 : i32
    %mul3A_60 = arith.muli %arg0, %mul3A_59 : i32
    %add3A_61 = arith.addi %mul3A_60, %add3A_58 : i32
    "tpu.region"() ({
      %run_scoped3A = tpu.sem_alloc : memref<!tpu.dma_semaphore, #tpu.memory_space<semaphore_mem>>
      %dma_start3A = arith.constant 0 : i32
      %dma_start3A_69 = tpu.memref_slice %arg6[%add3A_61, %dma_start3A] : memref<20480x128xf32, #tpu.memory_space<hbm>> -> memref<128x128xf32, #tpu.memory_space<hbm>>
      %dma_start3A_70 = arith.constant 0 : i32
      %dma_start3A_71 = tpu.memref_slice %arg6[%add3A_61, %dma_start3A_70] : memref<20480x128xf32, #tpu.memory_space<hbm>> -> memref<128x128xf32, #tpu.memory_space<hbm>>
      tpu.enqueue_dma source(%arg9 : memref<128x128xf32, #tpu.memory_space<vmem>>) target(%dma_start3A_71 : memref<128x128xf32, #tpu.memory_space<hbm>>) target_semaphore(%run_scoped3A : memref<!tpu.dma_semaphore, #tpu.memory_space<semaphore_mem>>)
      %dma_wait3A = arith.constant 0 : i32
      %dma_wait3A_72 = tpu.memref_slice %arg6[%add3A_61, %dma_wait3A] : memref<20480x128xf32, #tpu.memory_space<hbm>> -> memref<128x128xf32, #tpu.memory_space<hbm>>
      %dma_wait3A_73 = arith.constant 0 : i32
      %dma_wait3A_74 = tpu.memref_slice %arg6[%add3A_61, %dma_wait3A_73] : memref<20480x128xf32, #tpu.memory_space<hbm>> -> memref<128x128xf32, #tpu.memory_space<hbm>>
      tpu.wait_dma2 semaphore(%run_scoped3A : memref<!tpu.dma_semaphore, #tpu.memory_space<semaphore_mem>>) src(%arg9 : memref<128x128xf32, #tpu.memory_space<vmem>>) dst(%dma_wait3A_74 : memref<128x128xf32, #tpu.memory_space<hbm>>)
      tpu.yield
    }) : () -> ()
    %mul3A_62 = arith.constant 640 : i32
    %mul3A_63 = arith.muli %arg1, %mul3A_62 : i32
    %add3A_64 = arith.constant 512 : i32
    %add3A_65 = arith.addi %mul3A_63, %add3A_64 : i32
    "tpu.region"() ({
      %run_scoped3A = tpu.sem_alloc : memref<!tpu.dma_semaphore, #tpu.memory_space<semaphore_mem>>
      %dma_start3A = arith.constant 0 : i32
      %dma_start3A_69 = tpu.memref_slice %arg10[%add3A_65, %dma_start3A] : memref<10240x128xf32, #tpu.memory_space<vmem_shared>> -> memref<128x128xf32, #tpu.memory_space<vmem_shared>>
      %dma_start3A_70 = arith.constant 0 : i32
      %dma_start3A_71 = tpu.memref_slice %arg10[%add3A_65, %dma_start3A_70] : memref<10240x128xf32, #tpu.memory_space<vmem_shared>> -> memref<128x128xf32, #tpu.memory_space<vmem_shared>>
      tpu.enqueue_dma source(%dma_start3A_71 : memref<128x128xf32, #tpu.memory_space<vmem_shared>>) target(%arg9 : memref<128x128xf32, #tpu.memory_space<vmem>>) target_semaphore(%run_scoped3A : memref<!tpu.dma_semaphore, #tpu.memory_space<semaphore_mem>>)
      %dma_wait3A = arith.constant 0 : i32
      %dma_wait3A_72 = tpu.memref_slice %arg10[%add3A_65, %dma_wait3A] : memref<10240x128xf32, #tpu.memory_space<vmem_shared>> -> memref<128x128xf32, #tpu.memory_space<vmem_shared>>
      %dma_wait3A_73 = arith.constant 0 : i32
      %dma_wait3A_74 = tpu.memref_slice %arg10[%add3A_65, %dma_wait3A_73] : memref<10240x128xf32, #tpu.memory_space<vmem_shared>> -> memref<128x128xf32, #tpu.memory_space<vmem_shared>>
      tpu.wait_dma2 semaphore(%run_scoped3A : memref<!tpu.dma_semaphore, #tpu.memory_space<semaphore_mem>>) src(%dma_wait3A_74 : memref<128x128xf32, #tpu.memory_space<vmem_shared>>) dst(%arg9 : memref<128x128xf32, #tpu.memory_space<vmem>>)
      tpu.yield
    }) : () -> ()
    %mul3A_66 = arith.constant 10240 : i32
    %mul3A_67 = arith.muli %arg0, %mul3A_66 : i32
    %add3A_68 = arith.addi %mul3A_67, %add3A_65 : i32
    "tpu.region"() ({
      %run_scoped3A = tpu.sem_alloc : memref<!tpu.dma_semaphore, #tpu.memory_space<semaphore_mem>>
      %dma_start3A = arith.constant 0 : i32
      %dma_start3A_69 = tpu.memref_slice %arg6[%add3A_68, %dma_start3A] : memref<20480x128xf32, #tpu.memory_space<hbm>> -> memref<128x128xf32, #tpu.memory_space<hbm>>
      %dma_start3A_70 = arith.constant 0 : i32
      %dma_start3A_71 = tpu.memref_slice %arg6[%add3A_68, %dma_start3A_70] : memref<20480x128xf32, #tpu.memory_space<hbm>> -> memref<128x128xf32, #tpu.memory_space<hbm>>
      tpu.enqueue_dma source(%arg9 : memref<128x128xf32, #tpu.memory_space<vmem>>) target(%dma_start3A_71 : memref<128x128xf32, #tpu.memory_space<hbm>>) target_semaphore(%run_scoped3A : memref<!tpu.dma_semaphore, #tpu.memory_space<semaphore_mem>>)
      %dma_wait3A = arith.constant 0 : i32
      %dma_wait3A_72 = tpu.memref_slice %arg6[%add3A_68, %dma_wait3A] : memref<20480x128xf32, #tpu.memory_space<hbm>> -> memref<128x128xf32, #tpu.memory_space<hbm>>
      %dma_wait3A_73 = arith.constant 0 : i32
      %dma_wait3A_74 = tpu.memref_slice %arg6[%add3A_68, %dma_wait3A_73] : memref<20480x128xf32, #tpu.memory_space<hbm>> -> memref<128x128xf32, #tpu.memory_space<hbm>>
      tpu.wait_dma2 semaphore(%run_scoped3A : memref<!tpu.dma_semaphore, #tpu.memory_space<semaphore_mem>>) src(%arg9 : memref<128x128xf32, #tpu.memory_space<vmem>>) dst(%dma_wait3A_74 : memref<128x128xf32, #tpu.memory_space<hbm>>)
      tpu.yield
    }) : () -> ()
    return
  }
}

#map = affine_map<(d0, d1) -> (0, 0)>
module attributes {stable_mosaic.version = 14 : i64} {
  func.func @agg(%arg0: i32, %arg1: i32, %arg2: memref<20480x128xf32, #tpu.memory_space<hbm>>, %arg3: memref<5120x128xi32, #tpu.memory_space<hbm>>, %arg4: memref<2560x128xi32, #tpu.memory_space<hbm>>, %arg5: memref<128x128xf32, #tpu.memory_space<hbm>>, %arg6: memref<20480x128xf32, #tpu.memory_space<hbm>>, %arg7: memref<16x128xi32, #tpu.memory_space<vmem>>, %arg8: memref<16x128xi32, #tpu.memory_space<vmem>>, %arg9: memref<128x128xf32, #tpu.memory_space<vmem>>, %arg10: memref<10240x128xf32, #tpu.memory_space<vmem_shared>>, %arg11: memref<!tpu.dma_semaphore, #tpu.memory_space<semaphore_mem>>) attributes {dimension_semantics = [#tpu.dimension_semantics<core_parallel>, #tpu.dimension_semantics<subcore_parallel>], iteration_bounds = array<i64: 2, 16>, scalar_prefetch = 0 : i64, scratch_operands = 5 : i64, tpu.core_type = #tpu.core_type<sc_vector_subcore>, window_params = [{transform_indices = #map}, {transform_indices = #map}, {transform_indices = #map}, {transform_indices = #map}, {transform_indices = #map}]} {
    "tpu.region"() ({
      %run_scoped3A = tpu.sem_alloc : memref<!tpu.dma_semaphore, #tpu.memory_space<semaphore_mem>>
      tpu.enqueue_dma source(%arg5 : memref<128x128xf32, #tpu.memory_space<hbm>>) target(%arg9 : memref<128x128xf32, #tpu.memory_space<vmem>>) target_semaphore(%run_scoped3A : memref<!tpu.dma_semaphore, #tpu.memory_space<semaphore_mem>>)
      tpu.wait_dma2 semaphore(%run_scoped3A : memref<!tpu.dma_semaphore, #tpu.memory_space<semaphore_mem>>) src(%arg5 : memref<128x128xf32, #tpu.memory_space<hbm>>) dst(%arg9 : memref<128x128xf32, #tpu.memory_space<vmem>>)
      tpu.yield
    }) : () -> ()
    %mul3A = arith.constant 640 : i32
    %mul3A_0 = arith.muli %arg1, %mul3A : i32
    %add3A = arith.constant 0 : i32
    %add3A_1 = arith.addi %mul3A_0, %add3A : i32
    "tpu.region"() ({
      %run_scoped3A = tpu.sem_alloc : memref<!tpu.dma_semaphore, #tpu.memory_space<semaphore_mem>>
      %dma_start3A = arith.constant 0 : i32
      %dma_start3A_69 = tpu.memref_slice %arg10[%add3A_1, %dma_start3A] : memref<10240x128xf32, #tpu.memory_space<vmem_shared>> -> memref<128x128xf32, #tpu.memory_space<vmem_shared>>
      %dma_start3A_70 = arith.constant 0 : i32
      %dma_start3A_71 = tpu.memref_slice %arg10[%add3A_1, %dma_start3A_70] : memref<10240x128xf32, #tpu.memory_space<vmem_shared>> -> memref<128x128xf32, #tpu.memory_space<vmem_shared>>
      tpu.enqueue_dma source(%arg9 : memref<128x128xf32, #tpu.memory_space<vmem>>) target(%dma_start3A_71 : memref<128x128xf32, #tpu.memory_space<vmem_shared>>) target_semaphore(%run_scoped3A : memref<!tpu.dma_semaphore, #tpu.memory_space<semaphore_mem>>)
      %dma_wait3A = arith.constant 0 : i32
      %dma_wait3A_72 = tpu.memref_slice %arg10[%add3A_1, %dma_wait3A] : memref<10240x128xf32, #tpu.memory_space<vmem_shared>> -> memref<128x128xf32, #tpu.memory_space<vmem_shared>>
      %dma_wait3A_73 = arith.constant 0 : i32
      %dma_wait3A_74 = tpu.memref_slice %arg10[%add3A_1, %dma_wait3A_73] : memref<10240x128xf32, #tpu.memory_space<vmem_shared>> -> memref<128x128xf32, #tpu.memory_space<vmem_shared>>
      tpu.wait_dma2 semaphore(%run_scoped3A : memref<!tpu.dma_semaphore, #tpu.memory_space<semaphore_mem>>) src(%arg9 : memref<128x128xf32, #tpu.memory_space<vmem>>) dst(%dma_wait3A_74 : memref<128x128xf32, #tpu.memory_space<vmem_shared>>)
      tpu.yield
    }) : () -> ()
    %mul3A_2 = arith.constant 640 : i32
    %mul3A_3 = arith.muli %arg1, %mul3A_2 : i32
    %add3A_4 = arith.constant 128 : i32
    %add3A_5 = arith.addi %mul3A_3, %add3A_4 : i32
    "tpu.region"() ({
      %run_scoped3A = tpu.sem_alloc : memref<!tpu.dma_semaphore, #tpu.memory_space<semaphore_mem>>
      %dma_start3A = arith.constant 0 : i32
      %dma_start3A_69 = tpu.memref_slice %arg10[%add3A_5, %dma_start3A] : memref<10240x128xf32, #tpu.memory_space<vmem_shared>> -> memref<128x128xf32, #tpu.memory_space<vmem_shared>>
      %dma_start3A_70 = arith.constant 0 : i32
      %dma_start3A_71 = tpu.memref_slice %arg10[%add3A_5, %dma_start3A_70] : memref<10240x128xf32, #tpu.memory_space<vmem_shared>> -> memref<128x128xf32, #tpu.memory_space<vmem_shared>>
      tpu.enqueue_dma source(%arg9 : memref<128x128xf32, #tpu.memory_space<vmem>>) target(%dma_start3A_71 : memref<128x128xf32, #tpu.memory_space<vmem_shared>>) target_semaphore(%run_scoped3A : memref<!tpu.dma_semaphore, #tpu.memory_space<semaphore_mem>>)
      %dma_wait3A = arith.constant 0 : i32
      %dma_wait3A_72 = tpu.memref_slice %arg10[%add3A_5, %dma_wait3A] : memref<10240x128xf32, #tpu.memory_space<vmem_shared>> -> memref<128x128xf32, #tpu.memory_space<vmem_shared>>
      %dma_wait3A_73 = arith.constant 0 : i32
      %dma_wait3A_74 = tpu.memref_slice %arg10[%add3A_5, %dma_wait3A_73] : memref<10240x128xf32, #tpu.memory_space<vmem_shared>> -> memref<128x128xf32, #tpu.memory_space<vmem_shared>>
      tpu.wait_dma2 semaphore(%run_scoped3A : memref<!tpu.dma_semaphore, #tpu.memory_space<semaphore_mem>>) src(%arg9 : memref<128x128xf32, #tpu.memory_space<vmem>>) dst(%dma_wait3A_74 : memref<128x128xf32, #tpu.memory_space<vmem_shared>>)
      tpu.yield
    }) : () -> ()
    %mul3A_6 = arith.constant 640 : i32
    %mul3A_7 = arith.muli %arg1, %mul3A_6 : i32
    %add3A_8 = arith.constant 256 : i32
    %add3A_9 = arith.addi %mul3A_7, %add3A_8 : i32
    "tpu.region"() ({
      %run_scoped3A = tpu.sem_alloc : memref<!tpu.dma_semaphore, #tpu.memory_space<semaphore_mem>>
      %dma_start3A = arith.constant 0 : i32
      %dma_start3A_69 = tpu.memref_slice %arg10[%add3A_9, %dma_start3A] : memref<10240x128xf32, #tpu.memory_space<vmem_shared>> -> memref<128x128xf32, #tpu.memory_space<vmem_shared>>
      %dma_start3A_70 = arith.constant 0 : i32
      %dma_start3A_71 = tpu.memref_slice %arg10[%add3A_9, %dma_start3A_70] : memref<10240x128xf32, #tpu.memory_space<vmem_shared>> -> memref<128x128xf32, #tpu.memory_space<vmem_shared>>
      tpu.enqueue_dma source(%arg9 : memref<128x128xf32, #tpu.memory_space<vmem>>) target(%dma_start3A_71 : memref<128x128xf32, #tpu.memory_space<vmem_shared>>) target_semaphore(%run_scoped3A : memref<!tpu.dma_semaphore, #tpu.memory_space<semaphore_mem>>)
      %dma_wait3A = arith.constant 0 : i32
      %dma_wait3A_72 = tpu.memref_slice %arg10[%add3A_9, %dma_wait3A] : memref<10240x128xf32, #tpu.memory_space<vmem_shared>> -> memref<128x128xf32, #tpu.memory_space<vmem_shared>>
      %dma_wait3A_73 = arith.constant 0 : i32
      %dma_wait3A_74 = tpu.memref_slice %arg10[%add3A_9, %dma_wait3A_73] : memref<10240x128xf32, #tpu.memory_space<vmem_shared>> -> memref<128x128xf32, #tpu.memory_space<vmem_shared>>
      tpu.wait_dma2 semaphore(%run_scoped3A : memref<!tpu.dma_semaphore, #tpu.memory_space<semaphore_mem>>) src(%arg9 : memref<128x128xf32, #tpu.memory_space<vmem>>) dst(%dma_wait3A_74 : memref<128x128xf32, #tpu.memory_space<vmem_shared>>)
      tpu.yield
    }) : () -> ()
    %mul3A_10 = arith.constant 640 : i32
    %mul3A_11 = arith.muli %arg1, %mul3A_10 : i32
    %add3A_12 = arith.constant 384 : i32
    %add3A_13 = arith.addi %mul3A_11, %add3A_12 : i32
    "tpu.region"() ({
      %run_scoped3A = tpu.sem_alloc : memref<!tpu.dma_semaphore, #tpu.memory_space<semaphore_mem>>
      %dma_start3A = arith.constant 0 : i32
      %dma_start3A_69 = tpu.memref_slice %arg10[%add3A_13, %dma_start3A] : memref<10240x128xf32, #tpu.memory_space<vmem_shared>> -> memref<128x128xf32, #tpu.memory_space<vmem_shared>>
      %dma_start3A_70 = arith.constant 0 : i32
      %dma_start3A_71 = tpu.memref_slice %arg10[%add3A_13, %dma_start3A_70] : memref<10240x128xf32, #tpu.memory_space<vmem_shared>> -> memref<128x128xf32, #tpu.memory_space<vmem_shared>>
      tpu.enqueue_dma source(%arg9 : memref<128x128xf32, #tpu.memory_space<vmem>>) target(%dma_start3A_71 : memref<128x128xf32, #tpu.memory_space<vmem_shared>>) target_semaphore(%run_scoped3A : memref<!tpu.dma_semaphore, #tpu.memory_space<semaphore_mem>>)
      %dma_wait3A = arith.constant 0 : i32
      %dma_wait3A_72 = tpu.memref_slice %arg10[%add3A_13, %dma_wait3A] : memref<10240x128xf32, #tpu.memory_space<vmem_shared>> -> memref<128x128xf32, #tpu.memory_space<vmem_shared>>
      %dma_wait3A_73 = arith.constant 0 : i32
      %dma_wait3A_74 = tpu.memref_slice %arg10[%add3A_13, %dma_wait3A_73] : memref<10240x128xf32, #tpu.memory_space<vmem_shared>> -> memref<128x128xf32, #tpu.memory_space<vmem_shared>>
      tpu.wait_dma2 semaphore(%run_scoped3A : memref<!tpu.dma_semaphore, #tpu.memory_space<semaphore_mem>>) src(%arg9 : memref<128x128xf32, #tpu.memory_space<vmem>>) dst(%dma_wait3A_74 : memref<128x128xf32, #tpu.memory_space<vmem_shared>>)
      tpu.yield
    }) : () -> ()
    %mul3A_14 = arith.constant 640 : i32
    %mul3A_15 = arith.muli %arg1, %mul3A_14 : i32
    %add3A_16 = arith.constant 512 : i32
    %add3A_17 = arith.addi %mul3A_15, %add3A_16 : i32
    "tpu.region"() ({
      %run_scoped3A = tpu.sem_alloc : memref<!tpu.dma_semaphore, #tpu.memory_space<semaphore_mem>>
      %dma_start3A = arith.constant 0 : i32
      %dma_start3A_69 = tpu.memref_slice %arg10[%add3A_17, %dma_start3A] : memref<10240x128xf32, #tpu.memory_space<vmem_shared>> -> memref<128x128xf32, #tpu.memory_space<vmem_shared>>
      %dma_start3A_70 = arith.constant 0 : i32
      %dma_start3A_71 = tpu.memref_slice %arg10[%add3A_17, %dma_start3A_70] : memref<10240x128xf32, #tpu.memory_space<vmem_shared>> -> memref<128x128xf32, #tpu.memory_space<vmem_shared>>
      tpu.enqueue_dma source(%arg9 : memref<128x128xf32, #tpu.memory_space<vmem>>) target(%dma_start3A_71 : memref<128x128xf32, #tpu.memory_space<vmem_shared>>) target_semaphore(%run_scoped3A : memref<!tpu.dma_semaphore, #tpu.memory_space<semaphore_mem>>)
      %dma_wait3A = arith.constant 0 : i32
      %dma_wait3A_72 = tpu.memref_slice %arg10[%add3A_17, %dma_wait3A] : memref<10240x128xf32, #tpu.memory_space<vmem_shared>> -> memref<128x128xf32, #tpu.memory_space<vmem_shared>>
      %dma_wait3A_73 = arith.constant 0 : i32
      %dma_wait3A_74 = tpu.memref_slice %arg10[%add3A_17, %dma_wait3A_73] : memref<10240x128xf32, #tpu.memory_space<vmem_shared>> -> memref<128x128xf32, #tpu.memory_space<vmem_shared>>
      tpu.wait_dma2 semaphore(%run_scoped3A : memref<!tpu.dma_semaphore, #tpu.memory_space<semaphore_mem>>) src(%arg9 : memref<128x128xf32, #tpu.memory_space<vmem>>) dst(%dma_wait3A_74 : memref<128x128xf32, #tpu.memory_space<vmem_shared>>)
      tpu.yield
    }) : () -> ()
    %barrier3A = arith.constant 0 : index
    tpu.barrier barrier_id(%barrier3A)
    %mul3A_18 = arith.constant 2560 : i32
    %mul3A_19 = arith.muli %arg0, %mul3A_18 : i32
    %mul3A_20 = arith.constant 160 : i32
    %mul3A_21 = arith.muli %arg1, %mul3A_20 : i32
    %add3A_22 = arith.addi %mul3A_19, %mul3A_21 : i32
    %mul3A_23 = arith.constant 0 : i32
    %mul3A_24 = arith.muli %arg0, %mul3A_23 : i32
    %mul3A_25 = arith.constant 160 : i32
    %mul3A_26 = arith.muli %arg1, %mul3A_25 : i32
    %add3A_27 = arith.addi %mul3A_24, %mul3A_26 : i32
    %scan3A = arith.constant 0 : i32
    %scan3A_28 = arith.constant 0 : i32
    %scan3A_29 = arith.constant 10 : i32
    %scan3A_30 = arith.addi %scan3A_28, %scan3A_29 : i32
    %scan3A_31 = arith.constant 1 : i32
    scf.for %scan3A_69 = %scan3A_28 to %scan3A_30 step %scan3A_31  : i32 {
      %mul3A_70 = arith.constant 16 : i32
      %mul3A_71 = arith.muli %scan3A_69, %mul3A_70 : i32
      %add3A_72 = arith.addi %add3A_22, %mul3A_71 : i32
      "tpu.region"() ({
        %run_scoped3A = tpu.sem_alloc : memref<!tpu.dma_semaphore, #tpu.memory_space<semaphore_mem>>
        %dma_start3A = arith.constant 0 : i32
        %dma_start3A_82 = tpu.memref_slice %arg3[%add3A_72, %dma_start3A] : memref<5120x128xi32, #tpu.memory_space<hbm>> -> memref<16x128xi32, #tpu.memory_space<hbm>>
        %dma_start3A_83 = arith.constant 0 : i32
        %dma_start3A_84 = tpu.memref_slice %arg3[%add3A_72, %dma_start3A_83] : memref<5120x128xi32, #tpu.memory_space<hbm>> -> memref<16x128xi32, #tpu.memory_space<hbm>>
        tpu.enqueue_dma source(%dma_start3A_84 : memref<16x128xi32, #tpu.memory_space<hbm>>) target(%arg7 : memref<16x128xi32, #tpu.memory_space<vmem>>) target_semaphore(%run_scoped3A : memref<!tpu.dma_semaphore, #tpu.memory_space<semaphore_mem>>)
        %dma_wait3A = arith.constant 0 : i32
        %dma_wait3A_85 = tpu.memref_slice %arg3[%add3A_72, %dma_wait3A] : memref<5120x128xi32, #tpu.memory_space<hbm>> -> memref<16x128xi32, #tpu.memory_space<hbm>>
        %dma_wait3A_86 = arith.constant 0 : i32
        %dma_wait3A_87 = tpu.memref_slice %arg3[%add3A_72, %dma_wait3A_86] : memref<5120x128xi32, #tpu.memory_space<hbm>> -> memref<16x128xi32, #tpu.memory_space<hbm>>
        tpu.wait_dma2 semaphore(%run_scoped3A : memref<!tpu.dma_semaphore, #tpu.memory_space<semaphore_mem>>) src(%dma_wait3A_87 : memref<16x128xi32, #tpu.memory_space<hbm>>) dst(%arg7 : memref<16x128xi32, #tpu.memory_space<vmem>>)
        tpu.yield
      }) : () -> ()
      %mul3A_73 = arith.constant 16 : i32
      %mul3A_74 = arith.muli %scan3A_69, %mul3A_73 : i32
      %add3A_75 = arith.addi %add3A_27, %mul3A_74 : i32
      "tpu.region"() ({
        %run_scoped3A = tpu.sem_alloc : memref<!tpu.dma_semaphore, #tpu.memory_space<semaphore_mem>>
        %dma_start3A = arith.constant 0 : i32
        %dma_start3A_82 = tpu.memref_slice %arg4[%add3A_75, %dma_start3A] : memref<2560x128xi32, #tpu.memory_space<hbm>> -> memref<16x128xi32, #tpu.memory_space<hbm>>
        %dma_start3A_83 = arith.constant 0 : i32
        %dma_start3A_84 = tpu.memref_slice %arg4[%add3A_75, %dma_start3A_83] : memref<2560x128xi32, #tpu.memory_space<hbm>> -> memref<16x128xi32, #tpu.memory_space<hbm>>
        tpu.enqueue_dma source(%dma_start3A_84 : memref<16x128xi32, #tpu.memory_space<hbm>>) target(%arg8 : memref<16x128xi32, #tpu.memory_space<vmem>>) target_semaphore(%run_scoped3A : memref<!tpu.dma_semaphore, #tpu.memory_space<semaphore_mem>>)
        %dma_wait3A = arith.constant 0 : i32
        %dma_wait3A_85 = tpu.memref_slice %arg4[%add3A_75, %dma_wait3A] : memref<2560x128xi32, #tpu.memory_space<hbm>> -> memref<16x128xi32, #tpu.memory_space<hbm>>
        %dma_wait3A_86 = arith.constant 0 : i32
        %dma_wait3A_87 = tpu.memref_slice %arg4[%add3A_75, %dma_wait3A_86] : memref<2560x128xi32, #tpu.memory_space<hbm>> -> memref<16x128xi32, #tpu.memory_space<hbm>>
        tpu.wait_dma2 semaphore(%run_scoped3A : memref<!tpu.dma_semaphore, #tpu.memory_space<semaphore_mem>>) src(%dma_wait3A_87 : memref<16x128xi32, #tpu.memory_space<hbm>>) dst(%arg8 : memref<16x128xi32, #tpu.memory_space<vmem>>)
        tpu.yield
      }) : () -> ()
      %scan3A_76 = arith.constant 0 : i32
      %scan3A_77 = arith.constant 0 : i32
      %scan3A_78 = arith.constant 16 : i32
      %scan3A_79 = arith.addi %scan3A_77, %scan3A_78 : i32
      %scan3A_80 = arith.constant 1 : i32
      scf.for %scan3A_82 = %scan3A_77 to %scan3A_79 step %scan3A_80  : i32 {
        %dma_start3A = arith.constant 0 : i32
        %dma_start3A_83 = tpu.memref_slice %arg7[%scan3A_82, %dma_start3A] : memref<16x128xi32, #tpu.memory_space<vmem>> -> memref<1x128xi32, #tpu.memory_space<vmem>>
        %dma_start3A_84 = tpu.memref_squeeze %dma_start3A_83 : memref<1x128xi32, #tpu.memory_space<vmem>> -> memref<128xi32, #tpu.memory_space<vmem>>
        %dma_start3A_85 = arith.constant 0 : i32
        %dma_start3A_86 = arith.constant 0 : i32
        %dma_start3A_87 = tpu.memref_slice %arg2[%dma_start3A_85, %dma_start3A_86] : memref<20480x128xf32, #tpu.memory_space<hbm>> -> memref<20480x128xf32, #tpu.memory_space<hbm>>
        tpu.enqueue_indirect_dma source(%dma_start3A_87 : memref<20480x128xf32, #tpu.memory_space<hbm>>) target(%arg9 : memref<128x128xf32, #tpu.memory_space<vmem>>) offsets(%dma_start3A_84 : memref<128xi32, #tpu.memory_space<vmem>>) semaphore(%arg11 : memref<!tpu.dma_semaphore, #tpu.memory_space<semaphore_mem>>)
        %dma_wait3A = arith.constant 0 : i32
        %dma_wait3A_88 = tpu.memref_slice %arg7[%scan3A_82, %dma_wait3A] : memref<16x128xi32, #tpu.memory_space<vmem>> -> memref<1x128xi32, #tpu.memory_space<vmem>>
        %dma_wait3A_89 = tpu.memref_squeeze %dma_wait3A_88 : memref<1x128xi32, #tpu.memory_space<vmem>> -> memref<128xi32, #tpu.memory_space<vmem>>
        %dma_wait3A_90 = arith.constant 0 : i32
        %dma_wait3A_91 = arith.constant 0 : i32
        %dma_wait3A_92 = tpu.memref_slice %arg2[%dma_wait3A_90, %dma_wait3A_91] : memref<20480x128xf32, #tpu.memory_space<hbm>> -> memref<20480x128xf32, #tpu.memory_space<hbm>>
        tpu.wait_indirect_dma semaphore(%arg11 : memref<!tpu.dma_semaphore, #tpu.memory_space<semaphore_mem>>) src(%dma_wait3A_92 : memref<20480x128xf32, #tpu.memory_space<hbm>>) dst(%arg9 : memref<128x128xf32, #tpu.memory_space<vmem>>)
        "tpu.region"() ({
          %run_scoped3A = tpu.sem_alloc : memref<!tpu.dma_semaphore, #tpu.memory_space<semaphore_mem>>
          %dma_start3A_93 = arith.constant 0 : i32
          %dma_start3A_94 = tpu.memref_slice %arg8[%scan3A_82, %dma_start3A_93] : memref<16x128xi32, #tpu.memory_space<vmem>> -> memref<1x128xi32, #tpu.memory_space<vmem>>
          %dma_start3A_95 = tpu.memref_squeeze %dma_start3A_94 : memref<1x128xi32, #tpu.memory_space<vmem>> -> memref<128xi32, #tpu.memory_space<vmem>>
          %dma_start3A_96 = arith.constant 0 : i32
          %dma_start3A_97 = arith.constant 0 : i32
          %dma_start3A_98 = tpu.memref_slice %arg10[%dma_start3A_96, %dma_start3A_97] : memref<10240x128xf32, #tpu.memory_space<vmem_shared>> -> memref<10240x128xf32, #tpu.memory_space<vmem_shared>>
          tpu.enqueue_indirect_dma source(%arg9 : memref<128x128xf32, #tpu.memory_space<vmem>>) target(%dma_start3A_98 : memref<10240x128xf32, #tpu.memory_space<vmem_shared>>) offsets(%dma_start3A_95 : memref<128xi32, #tpu.memory_space<vmem>>) semaphore(%run_scoped3A : memref<!tpu.dma_semaphore, #tpu.memory_space<semaphore_mem>>) {add = true}
          %dma_wait3A_99 = arith.constant 0 : i32
          %dma_wait3A_100 = tpu.memref_slice %arg8[%scan3A_82, %dma_wait3A_99] : memref<16x128xi32, #tpu.memory_space<vmem>> -> memref<1x128xi32, #tpu.memory_space<vmem>>
          %dma_wait3A_101 = tpu.memref_squeeze %dma_wait3A_100 : memref<1x128xi32, #tpu.memory_space<vmem>> -> memref<128xi32, #tpu.memory_space<vmem>>
          %dma_wait3A_102 = arith.constant 0 : i32
          %dma_wait3A_103 = arith.constant 0 : i32
          %dma_wait3A_104 = tpu.memref_slice %arg10[%dma_wait3A_102, %dma_wait3A_103] : memref<10240x128xf32, #tpu.memory_space<vmem_shared>> -> memref<10240x128xf32, #tpu.memory_space<vmem_shared>>
          tpu.wait_indirect_dma semaphore(%run_scoped3A : memref<!tpu.dma_semaphore, #tpu.memory_space<semaphore_mem>>) src(%arg9 : memref<128x128xf32, #tpu.memory_space<vmem>>) dst(%dma_wait3A_104 : memref<10240x128xf32, #tpu.memory_space<vmem_shared>>)
          tpu.yield
        }) : () -> ()
      }
      %scan3A_81 = arith.constant 16 : i32
    }
    %scan3A_32 = arith.constant 10 : i32
    %barrier3A_33 = arith.constant 0 : index
    tpu.barrier barrier_id(%barrier3A_33)
    %mul3A_34 = arith.constant 640 : i32
    %mul3A_35 = arith.muli %arg1, %mul3A_34 : i32
    %add3A_36 = arith.constant 0 : i32
    %add3A_37 = arith.addi %mul3A_35, %add3A_36 : i32
    "tpu.region"() ({
      %run_scoped3A = tpu.sem_alloc : memref<!tpu.dma_semaphore, #tpu.memory_space<semaphore_mem>>
      %dma_start3A = arith.constant 0 : i32
      %dma_start3A_69 = tpu.memref_slice %arg10[%add3A_37, %dma_start3A] : memref<10240x128xf32, #tpu.memory_space<vmem_shared>> -> memref<128x128xf32, #tpu.memory_space<vmem_shared>>
      %dma_start3A_70 = arith.constant 0 : i32
      %dma_start3A_71 = tpu.memref_slice %arg10[%add3A_37, %dma_start3A_70] : memref<10240x128xf32, #tpu.memory_space<vmem_shared>> -> memref<128x128xf32, #tpu.memory_space<vmem_shared>>
      tpu.enqueue_dma source(%dma_start3A_71 : memref<128x128xf32, #tpu.memory_space<vmem_shared>>) target(%arg9 : memref<128x128xf32, #tpu.memory_space<vmem>>) target_semaphore(%run_scoped3A : memref<!tpu.dma_semaphore, #tpu.memory_space<semaphore_mem>>)
      %dma_wait3A = arith.constant 0 : i32
      %dma_wait3A_72 = tpu.memref_slice %arg10[%add3A_37, %dma_wait3A] : memref<10240x128xf32, #tpu.memory_space<vmem_shared>> -> memref<128x128xf32, #tpu.memory_space<vmem_shared>>
      %dma_wait3A_73 = arith.constant 0 : i32
      %dma_wait3A_74 = tpu.memref_slice %arg10[%add3A_37, %dma_wait3A_73] : memref<10240x128xf32, #tpu.memory_space<vmem_shared>> -> memref<128x128xf32, #tpu.memory_space<vmem_shared>>
      tpu.wait_dma2 semaphore(%run_scoped3A : memref<!tpu.dma_semaphore, #tpu.memory_space<semaphore_mem>>) src(%dma_wait3A_74 : memref<128x128xf32, #tpu.memory_space<vmem_shared>>) dst(%arg9 : memref<128x128xf32, #tpu.memory_space<vmem>>)
      tpu.yield
    }) : () -> ()
    %mul3A_38 = arith.constant 10240 : i32
    %mul3A_39 = arith.muli %arg0, %mul3A_38 : i32
    %add3A_40 = arith.addi %mul3A_39, %add3A_37 : i32
    "tpu.region"() ({
      %run_scoped3A = tpu.sem_alloc : memref<!tpu.dma_semaphore, #tpu.memory_space<semaphore_mem>>
      %dma_start3A = arith.constant 0 : i32
      %dma_start3A_69 = tpu.memref_slice %arg6[%add3A_40, %dma_start3A] : memref<20480x128xf32, #tpu.memory_space<hbm>> -> memref<128x128xf32, #tpu.memory_space<hbm>>
      %dma_start3A_70 = arith.constant 0 : i32
      %dma_start3A_71 = tpu.memref_slice %arg6[%add3A_40, %dma_start3A_70] : memref<20480x128xf32, #tpu.memory_space<hbm>> -> memref<128x128xf32, #tpu.memory_space<hbm>>
      tpu.enqueue_dma source(%arg9 : memref<128x128xf32, #tpu.memory_space<vmem>>) target(%dma_start3A_71 : memref<128x128xf32, #tpu.memory_space<hbm>>) target_semaphore(%run_scoped3A : memref<!tpu.dma_semaphore, #tpu.memory_space<semaphore_mem>>)
      %dma_wait3A = arith.constant 0 : i32
      %dma_wait3A_72 = tpu.memref_slice %arg6[%add3A_40, %dma_wait3A] : memref<20480x128xf32, #tpu.memory_space<hbm>> -> memref<128x128xf32, #tpu.memory_space<hbm>>
      %dma_wait3A_73 = arith.constant 0 : i32
      %dma_wait3A_74 = tpu.memref_slice %arg6[%add3A_40, %dma_wait3A_73] : memref<20480x128xf32, #tpu.memory_space<hbm>> -> memref<128x128xf32, #tpu.memory_space<hbm>>
      tpu.wait_dma2 semaphore(%run_scoped3A : memref<!tpu.dma_semaphore, #tpu.memory_space<semaphore_mem>>) src(%arg9 : memref<128x128xf32, #tpu.memory_space<vmem>>) dst(%dma_wait3A_74 : memref<128x128xf32, #tpu.memory_space<hbm>>)
      tpu.yield
    }) : () -> ()
    %mul3A_41 = arith.constant 640 : i32
    %mul3A_42 = arith.muli %arg1, %mul3A_41 : i32
    %add3A_43 = arith.constant 128 : i32
    %add3A_44 = arith.addi %mul3A_42, %add3A_43 : i32
    "tpu.region"() ({
      %run_scoped3A = tpu.sem_alloc : memref<!tpu.dma_semaphore, #tpu.memory_space<semaphore_mem>>
      %dma_start3A = arith.constant 0 : i32
      %dma_start3A_69 = tpu.memref_slice %arg10[%add3A_44, %dma_start3A] : memref<10240x128xf32, #tpu.memory_space<vmem_shared>> -> memref<128x128xf32, #tpu.memory_space<vmem_shared>>
      %dma_start3A_70 = arith.constant 0 : i32
      %dma_start3A_71 = tpu.memref_slice %arg10[%add3A_44, %dma_start3A_70] : memref<10240x128xf32, #tpu.memory_space<vmem_shared>> -> memref<128x128xf32, #tpu.memory_space<vmem_shared>>
      tpu.enqueue_dma source(%dma_start3A_71 : memref<128x128xf32, #tpu.memory_space<vmem_shared>>) target(%arg9 : memref<128x128xf32, #tpu.memory_space<vmem>>) target_semaphore(%run_scoped3A : memref<!tpu.dma_semaphore, #tpu.memory_space<semaphore_mem>>)
      %dma_wait3A = arith.constant 0 : i32
      %dma_wait3A_72 = tpu.memref_slice %arg10[%add3A_44, %dma_wait3A] : memref<10240x128xf32, #tpu.memory_space<vmem_shared>> -> memref<128x128xf32, #tpu.memory_space<vmem_shared>>
      %dma_wait3A_73 = arith.constant 0 : i32
      %dma_wait3A_74 = tpu.memref_slice %arg10[%add3A_44, %dma_wait3A_73] : memref<10240x128xf32, #tpu.memory_space<vmem_shared>> -> memref<128x128xf32, #tpu.memory_space<vmem_shared>>
      tpu.wait_dma2 semaphore(%run_scoped3A : memref<!tpu.dma_semaphore, #tpu.memory_space<semaphore_mem>>) src(%dma_wait3A_74 : memref<128x128xf32, #tpu.memory_space<vmem_shared>>) dst(%arg9 : memref<128x128xf32, #tpu.memory_space<vmem>>)
      tpu.yield
    }) : () -> ()
    %mul3A_45 = arith.constant 10240 : i32
    %mul3A_46 = arith.muli %arg0, %mul3A_45 : i32
    %add3A_47 = arith.addi %mul3A_46, %add3A_44 : i32
    "tpu.region"() ({
      %run_scoped3A = tpu.sem_alloc : memref<!tpu.dma_semaphore, #tpu.memory_space<semaphore_mem>>
      %dma_start3A = arith.constant 0 : i32
      %dma_start3A_69 = tpu.memref_slice %arg6[%add3A_47, %dma_start3A] : memref<20480x128xf32, #tpu.memory_space<hbm>> -> memref<128x128xf32, #tpu.memory_space<hbm>>
      %dma_start3A_70 = arith.constant 0 : i32
      %dma_start3A_71 = tpu.memref_slice %arg6[%add3A_47, %dma_start3A_70] : memref<20480x128xf32, #tpu.memory_space<hbm>> -> memref<128x128xf32, #tpu.memory_space<hbm>>
      tpu.enqueue_dma source(%arg9 : memref<128x128xf32, #tpu.memory_space<vmem>>) target(%dma_start3A_71 : memref<128x128xf32, #tpu.memory_space<hbm>>) target_semaphore(%run_scoped3A : memref<!tpu.dma_semaphore, #tpu.memory_space<semaphore_mem>>)
      %dma_wait3A = arith.constant 0 : i32
      %dma_wait3A_72 = tpu.memref_slice %arg6[%add3A_47, %dma_wait3A] : memref<20480x128xf32, #tpu.memory_space<hbm>> -> memref<128x128xf32, #tpu.memory_space<hbm>>
      %dma_wait3A_73 = arith.constant 0 : i32
      %dma_wait3A_74 = tpu.memref_slice %arg6[%add3A_47, %dma_wait3A_73] : memref<20480x128xf32, #tpu.memory_space<hbm>> -> memref<128x128xf32, #tpu.memory_space<hbm>>
      tpu.wait_dma2 semaphore(%run_scoped3A : memref<!tpu.dma_semaphore, #tpu.memory_space<semaphore_mem>>) src(%arg9 : memref<128x128xf32, #tpu.memory_space<vmem>>) dst(%dma_wait3A_74 : memref<128x128xf32, #tpu.memory_space<hbm>>)
      tpu.yield
    }) : () -> ()
    %mul3A_48 = arith.constant 640 : i32
    %mul3A_49 = arith.muli %arg1, %mul3A_48 : i32
    %add3A_50 = arith.constant 256 : i32
    %add3A_51 = arith.addi %mul3A_49, %add3A_50 : i32
    "tpu.region"() ({
      %run_scoped3A = tpu.sem_alloc : memref<!tpu.dma_semaphore, #tpu.memory_space<semaphore_mem>>
      %dma_start3A = arith.constant 0 : i32
      %dma_start3A_69 = tpu.memref_slice %arg10[%add3A_51, %dma_start3A] : memref<10240x128xf32, #tpu.memory_space<vmem_shared>> -> memref<128x128xf32, #tpu.memory_space<vmem_shared>>
      %dma_start3A_70 = arith.constant 0 : i32
      %dma_start3A_71 = tpu.memref_slice %arg10[%add3A_51, %dma_start3A_70] : memref<10240x128xf32, #tpu.memory_space<vmem_shared>> -> memref<128x128xf32, #tpu.memory_space<vmem_shared>>
      tpu.enqueue_dma source(%dma_start3A_71 : memref<128x128xf32, #tpu.memory_space<vmem_shared>>) target(%arg9 : memref<128x128xf32, #tpu.memory_space<vmem>>) target_semaphore(%run_scoped3A : memref<!tpu.dma_semaphore, #tpu.memory_space<semaphore_mem>>)
      %dma_wait3A = arith.constant 0 : i32
      %dma_wait3A_72 = tpu.memref_slice %arg10[%add3A_51, %dma_wait3A] : memref<10240x128xf32, #tpu.memory_space<vmem_shared>> -> memref<128x128xf32, #tpu.memory_space<vmem_shared>>
      %dma_wait3A_73 = arith.constant 0 : i32
      %dma_wait3A_74 = tpu.memref_slice %arg10[%add3A_51, %dma_wait3A_73] : memref<10240x128xf32, #tpu.memory_space<vmem_shared>> -> memref<128x128xf32, #tpu.memory_space<vmem_shared>>
      tpu.wait_dma2 semaphore(%run_scoped3A : memref<!tpu.dma_semaphore, #tpu.memory_space<semaphore_mem>>) src(%dma_wait3A_74 : memref<128x128xf32, #tpu.memory_space<vmem_shared>>) dst(%arg9 : memref<128x128xf32, #tpu.memory_space<vmem>>)
      tpu.yield
    }) : () -> ()
    %mul3A_52 = arith.constant 10240 : i32
    %mul3A_53 = arith.muli %arg0, %mul3A_52 : i32
    %add3A_54 = arith.addi %mul3A_53, %add3A_51 : i32
    "tpu.region"() ({
      %run_scoped3A = tpu.sem_alloc : memref<!tpu.dma_semaphore, #tpu.memory_space<semaphore_mem>>
      %dma_start3A = arith.constant 0 : i32
      %dma_start3A_69 = tpu.memref_slice %arg6[%add3A_54, %dma_start3A] : memref<20480x128xf32, #tpu.memory_space<hbm>> -> memref<128x128xf32, #tpu.memory_space<hbm>>
      %dma_start3A_70 = arith.constant 0 : i32
      %dma_start3A_71 = tpu.memref_slice %arg6[%add3A_54, %dma_start3A_70] : memref<20480x128xf32, #tpu.memory_space<hbm>> -> memref<128x128xf32, #tpu.memory_space<hbm>>
      tpu.enqueue_dma source(%arg9 : memref<128x128xf32, #tpu.memory_space<vmem>>) target(%dma_start3A_71 : memref<128x128xf32, #tpu.memory_space<hbm>>) target_semaphore(%run_scoped3A : memref<!tpu.dma_semaphore, #tpu.memory_space<semaphore_mem>>)
      %dma_wait3A = arith.constant 0 : i32
      %dma_wait3A_72 = tpu.memref_slice %arg6[%add3A_54, %dma_wait3A] : memref<20480x128xf32, #tpu.memory_space<hbm>> -> memref<128x128xf32, #tpu.memory_space<hbm>>
      %dma_wait3A_73 = arith.constant 0 : i32
      %dma_wait3A_74 = tpu.memref_slice %arg6[%add3A_54, %dma_wait3A_73] : memref<20480x128xf32, #tpu.memory_space<hbm>> -> memref<128x128xf32, #tpu.memory_space<hbm>>
      tpu.wait_dma2 semaphore(%run_scoped3A : memref<!tpu.dma_semaphore, #tpu.memory_space<semaphore_mem>>) src(%arg9 : memref<128x128xf32, #tpu.memory_space<vmem>>) dst(%dma_wait3A_74 : memref<128x128xf32, #tpu.memory_space<hbm>>)
      tpu.yield
    }) : () -> ()
    %mul3A_55 = arith.constant 640 : i32
    %mul3A_56 = arith.muli %arg1, %mul3A_55 : i32
    %add3A_57 = arith.constant 384 : i32
    %add3A_58 = arith.addi %mul3A_56, %add3A_57 : i32
    "tpu.region"() ({
      %run_scoped3A = tpu.sem_alloc : memref<!tpu.dma_semaphore, #tpu.memory_space<semaphore_mem>>
      %dma_start3A = arith.constant 0 : i32
      %dma_start3A_69 = tpu.memref_slice %arg10[%add3A_58, %dma_start3A] : memref<10240x128xf32, #tpu.memory_space<vmem_shared>> -> memref<128x128xf32, #tpu.memory_space<vmem_shared>>
      %dma_start3A_70 = arith.constant 0 : i32
      %dma_start3A_71 = tpu.memref_slice %arg10[%add3A_58, %dma_start3A_70] : memref<10240x128xf32, #tpu.memory_space<vmem_shared>> -> memref<128x128xf32, #tpu.memory_space<vmem_shared>>
      tpu.enqueue_dma source(%dma_start3A_71 : memref<128x128xf32, #tpu.memory_space<vmem_shared>>) target(%arg9 : memref<128x128xf32, #tpu.memory_space<vmem>>) target_semaphore(%run_scoped3A : memref<!tpu.dma_semaphore, #tpu.memory_space<semaphore_mem>>)
      %dma_wait3A = arith.constant 0 : i32
      %dma_wait3A_72 = tpu.memref_slice %arg10[%add3A_58, %dma_wait3A] : memref<10240x128xf32, #tpu.memory_space<vmem_shared>> -> memref<128x128xf32, #tpu.memory_space<vmem_shared>>
      %dma_wait3A_73 = arith.constant 0 : i32
      %dma_wait3A_74 = tpu.memref_slice %arg10[%add3A_58, %dma_wait3A_73] : memref<10240x128xf32, #tpu.memory_space<vmem_shared>> -> memref<128x128xf32, #tpu.memory_space<vmem_shared>>
      tpu.wait_dma2 semaphore(%run_scoped3A : memref<!tpu.dma_semaphore, #tpu.memory_space<semaphore_mem>>) src(%dma_wait3A_74 : memref<128x128xf32, #tpu.memory_space<vmem_shared>>) dst(%arg9 : memref<128x128xf32, #tpu.memory_space<vmem>>)
      tpu.yield
    }) : () -> ()
    %mul3A_59 = arith.constant 10240 : i32
    %mul3A_60 = arith.muli %arg0, %mul3A_59 : i32
    %add3A_61 = arith.addi %mul3A_60, %add3A_58 : i32
    "tpu.region"() ({
      %run_scoped3A = tpu.sem_alloc : memref<!tpu.dma_semaphore, #tpu.memory_space<semaphore_mem>>
      %dma_start3A = arith.constant 0 : i32
      %dma_start3A_69 = tpu.memref_slice %arg6[%add3A_61, %dma_start3A] : memref<20480x128xf32, #tpu.memory_space<hbm>> -> memref<128x128xf32, #tpu.memory_space<hbm>>
      %dma_start3A_70 = arith.constant 0 : i32
      %dma_start3A_71 = tpu.memref_slice %arg6[%add3A_61, %dma_start3A_70] : memref<20480x128xf32, #tpu.memory_space<hbm>> -> memref<128x128xf32, #tpu.memory_space<hbm>>
      tpu.enqueue_dma source(%arg9 : memref<128x128xf32, #tpu.memory_space<vmem>>) target(%dma_start3A_71 : memref<128x128xf32, #tpu.memory_space<hbm>>) target_semaphore(%run_scoped3A : memref<!tpu.dma_semaphore, #tpu.memory_space<semaphore_mem>>)
      %dma_wait3A = arith.constant 0 : i32
      %dma_wait3A_72 = tpu.memref_slice %arg6[%add3A_61, %dma_wait3A] : memref<20480x128xf32, #tpu.memory_space<hbm>> -> memref<128x128xf32, #tpu.memory_space<hbm>>
      %dma_wait3A_73 = arith.constant 0 : i32
      %dma_wait3A_74 = tpu.memref_slice %arg6[%add3A_61, %dma_wait3A_73] : memref<20480x128xf32, #tpu.memory_space<hbm>> -> memref<128x128xf32, #tpu.memory_space<hbm>>
      tpu.wait_dma2 semaphore(%run_scoped3A : memref<!tpu.dma_semaphore, #tpu.memory_space<semaphore_mem>>) src(%arg9 : memref<128x128xf32, #tpu.memory_space<vmem>>) dst(%dma_wait3A_74 : memref<128x128xf32, #tpu.memory_space<hbm>>)
      tpu.yield
    }) : () -> ()
    %mul3A_62 = arith.constant 640 : i32
    %mul3A_63 = arith.muli %arg1, %mul3A_62 : i32
    %add3A_64 = arith.constant 512 : i32
    %add3A_65 = arith.addi %mul3A_63, %add3A_64 : i32
    "tpu.region"() ({
      %run_scoped3A = tpu.sem_alloc : memref<!tpu.dma_semaphore, #tpu.memory_space<semaphore_mem>>
      %dma_start3A = arith.constant 0 : i32
      %dma_start3A_69 = tpu.memref_slice %arg10[%add3A_65, %dma_start3A] : memref<10240x128xf32, #tpu.memory_space<vmem_shared>> -> memref<128x128xf32, #tpu.memory_space<vmem_shared>>
      %dma_start3A_70 = arith.constant 0 : i32
      %dma_start3A_71 = tpu.memref_slice %arg10[%add3A_65, %dma_start3A_70] : memref<10240x128xf32, #tpu.memory_space<vmem_shared>> -> memref<128x128xf32, #tpu.memory_space<vmem_shared>>
      tpu.enqueue_dma source(%dma_start3A_71 : memref<128x128xf32, #tpu.memory_space<vmem_shared>>) target(%arg9 : memref<128x128xf32, #tpu.memory_space<vmem>>) target_semaphore(%run_scoped3A : memref<!tpu.dma_semaphore, #tpu.memory_space<semaphore_mem>>)
      %dma_wait3A = arith.constant 0 : i32
      %dma_wait3A_72 = tpu.memref_slice %arg10[%add3A_65, %dma_wait3A] : memref<10240x128xf32, #tpu.memory_space<vmem_shared>> -> memref<128x128xf32, #tpu.memory_space<vmem_shared>>
      %dma_wait3A_73 = arith.constant 0 : i32
      %dma_wait3A_74 = tpu.memref_slice %arg10[%add3A_65, %dma_wait3A_73] : memref<10240x128xf32, #tpu.memory_space<vmem_shared>> -> memref<128x128xf32, #tpu.memory_space<vmem_shared>>
      tpu.wait_dma2 semaphore(%run_scoped3A : memref<!tpu.dma_semaphore, #tpu.memory_space<semaphore_mem>>) src(%dma_wait3A_74 : memref<128x128xf32, #tpu.memory_space<vmem_shared>>) dst(%arg9 : memref<128x128xf32, #tpu.memory_space<vmem>>)
      tpu.yield
    }) : () -> ()
    %mul3A_66 = arith.constant 10240 : i32
    %mul3A_67 = arith.muli %arg0, %mul3A_66 : i32
    %add3A_68 = arith.addi %mul3A_67, %add3A_65 : i32
    "tpu.region"() ({
      %run_scoped3A = tpu.sem_alloc : memref<!tpu.dma_semaphore, #tpu.memory_space<semaphore_mem>>
      %dma_start3A = arith.constant 0 : i32
      %dma_start3A_69 = tpu.memref_slice %arg6[%add3A_68, %dma_start3A] : memref<20480x128xf32, #tpu.memory_space<hbm>> -> memref<128x128xf32, #tpu.memory_space<hbm>>
      %dma_start3A_70 = arith.constant 0 : i32
      %dma_start3A_71 = tpu.memref_slice %arg6[%add3A_68, %dma_start3A_70] : memref<20480x128xf32, #tpu.memory_space<hbm>> -> memref<128x128xf32, #tpu.memory_space<hbm>>
      tpu.enqueue_dma source(%arg9 : memref<128x128xf32, #tpu.memory_space<vmem>>) target(%dma_start3A_71 : memref<128x128xf32, #tpu.memory_space<hbm>>) target_semaphore(%run_scoped3A : memref<!tpu.dma_semaphore, #tpu.memory_space<semaphore_mem>>)
      %dma_wait3A = arith.constant 0 : i32
      %dma_wait3A_72 = tpu.memref_slice %arg6[%add3A_68, %dma_wait3A] : memref<20480x128xf32, #tpu.memory_space<hbm>> -> memref<128x128xf32, #tpu.memory_space<hbm>>
      %dma_wait3A_73 = arith.constant 0 : i32
      %dma_wait3A_74 = tpu.memref_slice %arg6[%add3A_68, %dma_wait3A_73] : memref<20480x128xf32, #tpu.memory_space<hbm>> -> memref<128x128xf32, #tpu.memory_space<hbm>>
      tpu.wait_dma2 semaphore(%run_scoped3A : memref<!tpu.dma_semaphore, #tpu.memory_space<semaphore_mem>>) src(%arg9 : memref<128x128xf32, #tpu.memory_space<vmem>>) dst(%dma_wait3A_74 : memref<128x128xf32, #tpu.memory_space<hbm>>)
      tpu.yield
    }) : () -> ()
    return
  }
}

module attributes {stable_mosaic.version = 14 : i64} {
  func.func @_k0_body(%arg0: i32, %arg1: memref<1024x1xf32, #tpu.memory_space<vmem>>, %arg2: memref<1024x1xf32, #tpu.memory_space<vmem>>, %arg3: memref<1024x128xf32, #tpu.memory_space<vmem>>, %arg4: memref<1024x1xf32, #tpu.memory_space<vmem>>, %arg5: memref<1024x128xf32, #tpu.memory_space<vmem>>) attributes {dimension_semantics = [#tpu.dimension_semantics<arbitrary>], iteration_bounds = array<i64: 10>, scalar_prefetch = 0 : i64, scratch_operands = 0 : i64, tpu.core_type = #tpu.core_type<tc>, window_params = [{transform_indices = @transform_0, window_bounds = array<i64: 1024, 1>}, {transform_indices = @transform_1, window_bounds = array<i64: 1024, 1>}, {transform_indices = @transform_2, window_bounds = array<i64: 1024, 128>}, {transform_indices = @transform_3, window_bounds = array<i64: 1024, 1>}, {transform_indices = @transform_4, window_bounds = array<i64: 1024, 128>}]} {
    %get3A = arith.constant 0 : index
    %get3A_0 = arith.constant 0 : index
    %get3A_1 = vector.load %arg1[%get3A, %get3A_0] : memref<1024x1xf32, #tpu.memory_space<vmem>>, vector<1024x1xf32>
    %get3A_2 = arith.constant 0 : index
    %get3A_3 = arith.constant 0 : index
    %get3A_4 = vector.load %arg2[%get3A_2, %get3A_3] : memref<1024x1xf32, #tpu.memory_space<vmem>>, vector<1024x1xf32>
    %add3A = arith.addf %get3A_1, %get3A_4 : vector<1024x1xf32>
    %add3A_5 = arith.constant 1.000000e+00 : f32
    %add3A_6 = vector.broadcast %add3A_5 : f32 to vector<1024x1xf32>
    %add3A_7 = arith.addf %add3A, %add3A_6 : vector<1024x1xf32>
    %rsqrt3A = math.rsqrt %add3A_7 : vector<1024x1xf32>
    %swap3A = arith.constant 0 : index
    %swap3A_8 = arith.constant 0 : index
    %swap3A_9 = vector.load %arg4[%swap3A, %swap3A_8] : memref<1024x1xf32, #tpu.memory_space<vmem>>, vector<1024x1xf32>
    tpu.vector_store %arg4[%swap3A, %swap3A_8], %rsqrt3A {strides = array<i32>} : memref<1024x1xf32, #tpu.memory_space<vmem>>, vector<1024x1xf32>,
    %get3A_10 = arith.constant 0 : index
    %get3A_11 = arith.constant 0 : index
    %get3A_12 = vector.load %arg3[%get3A_10, %get3A_11] : memref<1024x128xf32, #tpu.memory_space<vmem>>, vector<1024x128xf32>
    %mul3A = vector.broadcast %rsqrt3A : vector<1024x1xf32> to vector<1024x128xf32>
    %mul3A_13 = arith.mulf %get3A_12, %mul3A : vector<1024x128xf32>
    %swap3A_14 = arith.constant 0 : index
    %swap3A_15 = arith.constant 0 : index
    %swap3A_16 = vector.load %arg5[%swap3A_14, %swap3A_15] : memref<1024x128xf32, #tpu.memory_space<vmem>>, vector<1024x128xf32>
    tpu.vector_store %arg5[%swap3A_14, %swap3A_15], %mul3A_13 {strides = array<i32>} : memref<1024x128xf32, #tpu.memory_space<vmem>>, vector<1024x128xf32>,
    return
  }
  func.func @transform_0(%arg0: i32) -> (i32, i32) {
    %c0_i32 = arith.constant 0 : i32
    %c0_i32_0 = arith.constant 0 : i32
    return %arg0, %c0_i32 : i32, i32
  }
  func.func @transform_1(%arg0: i32) -> (i32, i32) {
    %c0_i32 = arith.constant 0 : i32
    %c0_i32_0 = arith.constant 0 : i32
    return %arg0, %c0_i32 : i32, i32
  }
  func.func @transform_2(%arg0: i32) -> (i32, i32) {
    %c0_i32 = arith.constant 0 : i32
    %c0_i32_0 = arith.constant 0 : i32
    return %arg0, %c0_i32 : i32, i32
  }
  func.func @transform_3(%arg0: i32) -> (i32, i32) {
    %c0_i32 = arith.constant 0 : i32
    %c0_i32_0 = arith.constant 0 : i32
    return %arg0, %c0_i32 : i32, i32
  }
  func.func @transform_4(%arg0: i32) -> (i32, i32) {
    %c0_i32 = arith.constant 0 : i32
    %c0_i32_0 = arith.constant 0 : i32
    return %arg0, %c0_i32 : i32, i32
  }
}

module attributes {stable_mosaic.version = 14 : i64} {
  func.func @_k1_body(%arg0: i32, %arg1: memref<1024x1xf32, #tpu.memory_space<vmem>>, %arg2: memref<1024x128xf32, #tpu.memory_space<vmem>>, %arg3: memref<2x1024x128xf32, #tpu.memory_space<vmem>>, %arg4: memref<128x512xf32, #tpu.memory_space<vmem>>, %arg5: memref<1x512xf32, #tpu.memory_space<vmem>>, %arg6: memref<512x256xf32, #tpu.memory_space<vmem>>, %arg7: memref<1024x512xf32, #tpu.memory_space<vmem>>, %arg8: memref<2x1024x128xf32, #tpu.memory_space<vmem>>) attributes {dimension_semantics = [#tpu.dimension_semantics<arbitrary>], iteration_bounds = array<i64: 10>, scalar_prefetch = 0 : i64, scratch_operands = 0 : i64, tpu.core_type = #tpu.core_type<tc>, window_params = [{transform_indices = @transform_0, window_bounds = array<i64: 1024, 1>}, {transform_indices = @transform_1, window_bounds = array<i64: 1024, 128>}, {transform_indices = @transform_2, window_bounds = array<i64: 2, 1024, 128>}, {pipeline_mode = #tpu.pipeline_mode<synchronous>, transform_indices = @transform_3, window_bounds = array<i64: 128, 512>}, {pipeline_mode = #tpu.pipeline_mode<synchronous>, transform_indices = @transform_4, window_bounds = array<i64: 1, 512>}, {pipeline_mode = #tpu.pipeline_mode<synchronous>, transform_indices = @transform_5, window_bounds = array<i64: 512, 256>}, {transform_indices = @transform_6, window_bounds = array<i64: 1024, 512>}, {transform_indices = @transform_7, window_bounds = array<i64: 2, 1024, 128>}]} {
    %get3A = arith.constant 0 : index
    %get3A_0 = arith.constant 0 : index
    %get3A_1 = vector.load %arg1[%get3A, %get3A_0] : memref<1024x1xf32, #tpu.memory_space<vmem>>, vector<1024x1xf32>
    %get3A_2 = arith.constant 0 : index
    %get3A_3 = arith.constant 0 : index
    %get3A_4 = vector.load %arg2[%get3A_2, %get3A_3] : memref<1024x128xf32, #tpu.memory_space<vmem>>, vector<1024x128xf32>
    %get3A_5 = arith.constant 0 : index
    %get3A_6 = arith.constant 0 : index
    %get3A_7 = arith.constant 0 : index
    %get3A_8 = vector.load %arg3[%get3A_5, %get3A_6, %get3A_7] : memref<2x1024x128xf32, #tpu.memory_space<vmem>>, vector<1x1024x128xf32>
    %get3A_9 = vector.shape_cast %get3A_8 : vector<1x1024x128xf32> to vector<1024x128xf32>
    %add3A = arith.addf %get3A_4, %get3A_9 : vector<1024x128xf32>
    %get3A_10 = arith.constant 1 : index
    %get3A_11 = arith.constant 0 : index
    %get3A_12 = arith.constant 0 : index
    %get3A_13 = vector.load %arg3[%get3A_10, %get3A_11, %get3A_12] : memref<2x1024x128xf32, #tpu.memory_space<vmem>>, vector<1x1024x128xf32>
    %get3A_14 = vector.shape_cast %get3A_13 : vector<1x1024x128xf32> to vector<1024x128xf32>
    %add3A_15 = arith.addf %add3A, %get3A_14 : vector<1024x128xf32>
    %mul3A = vector.broadcast %get3A_1 : vector<1024x1xf32> to vector<1024x128xf32>
    %mul3A_16 = arith.mulf %add3A_15, %mul3A : vector<1024x128xf32>
    %get3A_17 = arith.constant 0 : index
    %get3A_18 = arith.constant 0 : index
    %get3A_19 = vector.load %arg4[%get3A_17, %get3A_18] : memref<128x512xf32, #tpu.memory_space<vmem>>, vector<128x512xf32>
    %dot_general3A = arith.constant dense<0.000000e+00> : vector<1024x512xf32>
    %dot_general3A_20 = tpu.matmul %mul3A_16, %get3A_19, %dot_general3A {dimension_numbers = #tpu.dot_dimension_numbers<[1], [0], [0], [1], [0, 0, 1, 1], [], []>, transpose_lhs_hint = false} : vector<1024x128xf32>, vector<128x512xf32>, vector<1024x512xf32> -> vector<1024x512xf32>
    %get3A_21 = arith.constant 0 : index
    %get3A_22 = arith.constant 0 : index
    %get3A_23 = vector.load %arg5[%get3A_21, %get3A_22] : memref<1x512xf32, #tpu.memory_space<vmem>>, vector<1x512xf32>
    %add3A_24 = vector.broadcast %get3A_23 : vector<1x512xf32> to vector<1024x512xf32>
    %add3A_25 = arith.addf %dot_general3A_20, %add3A_24 : vector<1024x512xf32>
    %max3A = arith.constant 0.000000e+00 : f32
    %max3A_26 = vector.broadcast %max3A : f32 to vector<1024x512xf32>
    %max3A_27 = arith.maximumf %add3A_25, %max3A_26 : vector<1024x512xf32>
    %swap3A = arith.constant 0 : index
    %swap3A_28 = arith.constant 0 : index
    %swap3A_29 = vector.load %arg7[%swap3A, %swap3A_28] : memref<1024x512xf32, #tpu.memory_space<vmem>>, vector<1024x512xf32>
    tpu.vector_store %arg7[%swap3A, %swap3A_28], %max3A_27 {strides = array<i32>} : memref<1024x512xf32, #tpu.memory_space<vmem>>, vector<1024x512xf32>,
    %mul3A_30 = vector.broadcast %get3A_1 : vector<1024x1xf32> to vector<1024x512xf32>
    %mul3A_31 = arith.mulf %max3A_27, %mul3A_30 : vector<1024x512xf32>
    %get3A_32 = arith.constant 0 : index
    %get3A_33 = arith.constant 0 : index
    %get3A_34 = vector.load %arg6[%get3A_32, %get3A_33] : memref<512x256xf32, #tpu.memory_space<vmem>>, vector<512x256xf32>
    %dot_general3A_35 = arith.constant dense<0.000000e+00> : vector<1024x256xf32>
    %dot_general3A_36 = tpu.matmul %mul3A_31, %get3A_34, %dot_general3A_35 {dimension_numbers = #tpu.dot_dimension_numbers<[1], [0], [0], [1], [0, 0, 1, 1], [], []>, transpose_lhs_hint = false} : vector<1024x512xf32>, vector<512x256xf32>, vector<1024x256xf32> -> vector<1024x256xf32>
    %slice3A = vector.extract_strided_slice %dot_general3A_36 {offsets = [0, 0], sizes = [1024, 128], strides = [1, 1]} : vector<1024x256xf32> to vector<1024x128xf32>
    %swap3A_37 = arith.constant 0 : index
    %swap3A_38 = arith.constant 0 : index
    %swap3A_39 = arith.constant 0 : index
    %swap3A_40 = vector.load %arg8[%swap3A_37, %swap3A_38, %swap3A_39] : memref<2x1024x128xf32, #tpu.memory_space<vmem>>, vector<1x1024x128xf32>
    %swap3A_41 = vector.shape_cast %swap3A_40 : vector<1x1024x128xf32> to vector<1024x128xf32>
    %swap3A_42 = vector.shape_cast %slice3A : vector<1024x128xf32> to vector<1x1024x128xf32>
    tpu.vector_store %arg8[%swap3A_37, %swap3A_38, %swap3A_39], %swap3A_42 {strides = array<i32>} : memref<2x1024x128xf32, #tpu.memory_space<vmem>>, vector<1x1024x128xf32>,
    %slice3A_43 = vector.extract_strided_slice %dot_general3A_36 {offsets = [0, 128], sizes = [1024, 128], strides = [1, 1]} : vector<1024x256xf32> to vector<1024x128xf32>
    %swap3A_44 = arith.constant 1 : index
    %swap3A_45 = arith.constant 0 : index
    %swap3A_46 = arith.constant 0 : index
    %swap3A_47 = vector.load %arg8[%swap3A_44, %swap3A_45, %swap3A_46] : memref<2x1024x128xf32, #tpu.memory_space<vmem>>, vector<1x1024x128xf32>
    %swap3A_48 = vector.shape_cast %swap3A_47 : vector<1x1024x128xf32> to vector<1024x128xf32>
    %swap3A_49 = vector.shape_cast %slice3A_43 : vector<1024x128xf32> to vector<1x1024x128xf32>
    tpu.vector_store %arg8[%swap3A_44, %swap3A_45, %swap3A_46], %swap3A_49 {strides = array<i32>} : memref<2x1024x128xf32, #tpu.memory_space<vmem>>, vector<1x1024x128xf32>,
    return
  }
  func.func @transform_0(%arg0: i32) -> (i32, i32) {
    %c0_i32 = arith.constant 0 : i32
    %c0_i32_0 = arith.constant 0 : i32
    return %arg0, %c0_i32 : i32, i32
  }
  func.func @transform_1(%arg0: i32) -> (i32, i32) {
    %c0_i32 = arith.constant 0 : i32
    %c0_i32_0 = arith.constant 0 : i32
    return %arg0, %c0_i32 : i32, i32
  }
  func.func @transform_2(%arg0: i32) -> (i32, i32, i32) {
    %c0_i32 = arith.constant 0 : i32
    %c0_i32_0 = arith.constant 0 : i32
    %c0_i32_1 = arith.constant 0 : i32
    return %c0_i32, %arg0, %c0_i32_0 : i32, i32, i32
  }
  func.func @transform_3(%arg0: i32) -> (i32, i32) {
    %c0_i32 = arith.constant 0 : i32
    %c0_i32_0 = arith.constant 0 : i32
    %c0_i32_1 = arith.constant 0 : i32
    return %c0_i32, %c0_i32_0 : i32, i32
  }
  func.func @transform_4(%arg0: i32) -> (i32, i32) {
    %c0_i32 = arith.constant 0 : i32
    %c0_i32_0 = arith.constant 0 : i32
    %c0_i32_1 = arith.constant 0 : i32
    return %c0_i32, %c0_i32_0 : i32, i32
  }
  func.func @transform_5(%arg0: i32) -> (i32, i32) {
    %c0_i32 = arith.constant 0 : i32
    %c0_i32_0 = arith.constant 0 : i32
    %c0_i32_1 = arith.constant 0 : i32
    return %c0_i32, %c0_i32_0 : i32, i32
  }
  func.func @transform_6(%arg0: i32) -> (i32, i32) {
    %c0_i32 = arith.constant 0 : i32
    %c0_i32_0 = arith.constant 0 : i32
    return %arg0, %c0_i32 : i32, i32
  }
  func.func @transform_7(%arg0: i32) -> (i32, i32, i32) {
    %c0_i32 = arith.constant 0 : i32
    %c0_i32_0 = arith.constant 0 : i32
    %c0_i32_1 = arith.constant 0 : i32
    return %c0_i32, %arg0, %c0_i32_0 : i32, i32, i32
  }
}

module attributes {stable_mosaic.version = 14 : i64} {
  func.func @_k2_body(%arg0: i32, %arg1: memref<1024x1xf32, #tpu.memory_space<vmem>>, %arg2: memref<2x1024x128xf32, #tpu.memory_space<vmem>>, %arg3: memref<2x1024x128xf32, #tpu.memory_space<vmem>>, %arg4: memref<2x1x128xf32, #tpu.memory_space<vmem>>, %arg5: memref<2x128x128xf32, #tpu.memory_space<vmem>>, %arg6: memref<1024x256xf32, #tpu.memory_space<vmem>>, %arg7: memref<1024x128xf32, #tpu.memory_space<vmem>>) attributes {dimension_semantics = [#tpu.dimension_semantics<arbitrary>], iteration_bounds = array<i64: 10>, scalar_prefetch = 0 : i64, scratch_operands = 0 : i64, tpu.core_type = #tpu.core_type<tc>, window_params = [{transform_indices = @transform_0, window_bounds = array<i64: 1024, 1>}, {transform_indices = @transform_1, window_bounds = array<i64: 2, 1024, 128>}, {transform_indices = @transform_2, window_bounds = array<i64: 2, 1024, 128>}, {pipeline_mode = #tpu.pipeline_mode<synchronous>, transform_indices = @transform_3, window_bounds = array<i64: 2, 1, 128>}, {pipeline_mode = #tpu.pipeline_mode<synchronous>, transform_indices = @transform_4, window_bounds = array<i64: 2, 128, 128>}, {transform_indices = @transform_5, window_bounds = array<i64: 1024, 256>}, {transform_indices = @transform_6, window_bounds = array<i64: 1024, 128>}]} {
    %get3A = arith.constant 0 : index
    %get3A_0 = arith.constant 0 : index
    %get3A_1 = vector.load %arg1[%get3A, %get3A_0] : memref<1024x1xf32, #tpu.memory_space<vmem>>, vector<1024x1xf32>
    %get3A_2 = arith.constant 0 : index
    %get3A_3 = arith.constant 0 : index
    %get3A_4 = arith.constant 0 : index
    %get3A_5 = vector.load %arg2[%get3A_2, %get3A_3, %get3A_4] : memref<2x1024x128xf32, #tpu.memory_space<vmem>>, vector<1x1024x128xf32>
    %get3A_6 = vector.shape_cast %get3A_5 : vector<1x1024x128xf32> to vector<1024x128xf32>
    %get3A_7 = arith.constant 0 : index
    %get3A_8 = arith.constant 0 : index
    %get3A_9 = arith.constant 0 : index
    %get3A_10 = vector.load %arg3[%get3A_7, %get3A_8, %get3A_9] : memref<2x1024x128xf32, #tpu.memory_space<vmem>>, vector<1x1024x128xf32>
    %get3A_11 = vector.shape_cast %get3A_10 : vector<1x1024x128xf32> to vector<1024x128xf32>
    %add3A = arith.addf %get3A_6, %get3A_11 : vector<1024x128xf32>
    %mul3A = vector.broadcast %get3A_1 : vector<1024x1xf32> to vector<1024x128xf32>
    %mul3A_12 = arith.mulf %add3A, %mul3A : vector<1024x128xf32>
    %get3A_13 = arith.constant 0 : index
    %get3A_14 = arith.constant 0 : index
    %get3A_15 = arith.constant 0 : index
    %get3A_16 = vector.load %arg4[%get3A_13, %get3A_14, %get3A_15] : memref<2x1x128xf32, #tpu.memory_space<vmem>>, vector<1x1x128xf32>
    %get3A_17 = vector.shape_cast %get3A_16 : vector<1x1x128xf32> to vector<1x128xf32>
    %add3A_18 = vector.broadcast %get3A_17 : vector<1x128xf32> to vector<1024x128xf32>
    %add3A_19 = arith.addf %mul3A_12, %add3A_18 : vector<1024x128xf32>
    %max3A = arith.constant 0.000000e+00 : f32
    %max3A_20 = vector.broadcast %max3A : f32 to vector<1024x128xf32>
    %max3A_21 = arith.maximumf %add3A_19, %max3A_20 : vector<1024x128xf32>
    %get3A_22 = arith.constant 1 : index
    %get3A_23 = arith.constant 0 : index
    %get3A_24 = arith.constant 0 : index
    %get3A_25 = vector.load %arg2[%get3A_22, %get3A_23, %get3A_24] : memref<2x1024x128xf32, #tpu.memory_space<vmem>>, vector<1x1024x128xf32>
    %get3A_26 = vector.shape_cast %get3A_25 : vector<1x1024x128xf32> to vector<1024x128xf32>
    %get3A_27 = arith.constant 1 : index
    %get3A_28 = arith.constant 0 : index
    %get3A_29 = arith.constant 0 : index
    %get3A_30 = vector.load %arg3[%get3A_27, %get3A_28, %get3A_29] : memref<2x1024x128xf32, #tpu.memory_space<vmem>>, vector<1x1024x128xf32>
    %get3A_31 = vector.shape_cast %get3A_30 : vector<1x1024x128xf32> to vector<1024x128xf32>
    %add3A_32 = arith.addf %get3A_26, %get3A_31 : vector<1024x128xf32>
    %mul3A_33 = vector.broadcast %get3A_1 : vector<1024x1xf32> to vector<1024x128xf32>
    %mul3A_34 = arith.mulf %add3A_32, %mul3A_33 : vector<1024x128xf32>
    %get3A_35 = arith.constant 1 : index
    %get3A_36 = arith.constant 0 : index
    %get3A_37 = arith.constant 0 : index
    %get3A_38 = vector.load %arg4[%get3A_35, %get3A_36, %get3A_37] : memref<2x1x128xf32, #tpu.memory_space<vmem>>, vector<1x1x128xf32>
    %get3A_39 = vector.shape_cast %get3A_38 : vector<1x1x128xf32> to vector<1x128xf32>
    %add3A_40 = vector.broadcast %get3A_39 : vector<1x128xf32> to vector<1024x128xf32>
    %add3A_41 = arith.addf %mul3A_34, %add3A_40 : vector<1024x128xf32>
    %max3A_42 = arith.constant 0.000000e+00 : f32
    %max3A_43 = vector.broadcast %max3A_42 : f32 to vector<1024x128xf32>
    %max3A_44 = arith.maximumf %add3A_41, %max3A_43 : vector<1024x128xf32>
    %concatenate3A = tpu.concatenate %max3A_21, %max3A_44 in 1 : vector<1024x128xf32>, vector<1024x128xf32> -> vector<1024x256xf32>
    %swap3A = arith.constant 0 : index
    %swap3A_45 = arith.constant 0 : index
    %swap3A_46 = vector.load %arg6[%swap3A, %swap3A_45] : memref<1024x256xf32, #tpu.memory_space<vmem>>, vector<1024x256xf32>
    tpu.vector_store %arg6[%swap3A, %swap3A_45], %concatenate3A {strides = array<i32>} : memref<1024x256xf32, #tpu.memory_space<vmem>>, vector<1024x256xf32>,
    %mul3A_47 = vector.broadcast %get3A_1 : vector<1024x1xf32> to vector<1024x128xf32>
    %mul3A_48 = arith.mulf %max3A_21, %mul3A_47 : vector<1024x128xf32>
    %get3A_49 = arith.constant 0 : index
    %get3A_50 = arith.constant 0 : index
    %get3A_51 = arith.constant 0 : index
    %get3A_52 = vector.load %arg5[%get3A_49, %get3A_50, %get3A_51] : memref<2x128x128xf32, #tpu.memory_space<vmem>>, vector<1x128x128xf32>
    %get3A_53 = vector.shape_cast %get3A_52 : vector<1x128x128xf32> to vector<128x128xf32>
    %dot_general3A = arith.constant dense<0.000000e+00> : vector<1024x128xf32>
    %dot_general3A_54 = tpu.matmul %mul3A_48, %get3A_53, %dot_general3A {dimension_numbers = #tpu.dot_dimension_numbers<[1], [0], [0], [1], [0, 0, 1, 1], [], []>, transpose_lhs_hint = false} : vector<1024x128xf32>, vector<128x128xf32>, vector<1024x128xf32> -> vector<1024x128xf32>
    %mul3A_55 = vector.broadcast %get3A_1 : vector<1024x1xf32> to vector<1024x128xf32>
    %mul3A_56 = arith.mulf %max3A_44, %mul3A_55 : vector<1024x128xf32>
    %get3A_57 = arith.constant 1 : index
    %get3A_58 = arith.constant 0 : index
    %get3A_59 = arith.constant 0 : index
    %get3A_60 = vector.load %arg5[%get3A_57, %get3A_58, %get3A_59] : memref<2x128x128xf32, #tpu.memory_space<vmem>>, vector<1x128x128xf32>
    %get3A_61 = vector.shape_cast %get3A_60 : vector<1x128x128xf32> to vector<128x128xf32>
    %dot_general3A_62 = arith.constant dense<0.000000e+00> : vector<1024x128xf32>
    %dot_general3A_63 = tpu.matmul %mul3A_56, %get3A_61, %dot_general3A_62 {dimension_numbers = #tpu.dot_dimension_numbers<[1], [0], [0], [1], [0, 0, 1, 1], [], []>, transpose_lhs_hint = false} : vector<1024x128xf32>, vector<128x128xf32>, vector<1024x128xf32> -> vector<1024x128xf32>
    %add3A_64 = arith.addf %dot_general3A_54, %dot_general3A_63 : vector<1024x128xf32>
    %swap3A_65 = arith.constant 0 : index
    %swap3A_66 = arith.constant 0 : index
    %swap3A_67 = vector.load %arg7[%swap3A_65, %swap3A_66] : memref<1024x128xf32, #tpu.memory_space<vmem>>, vector<1024x128xf32>
    tpu.vector_store %arg7[%swap3A_65, %swap3A_66], %add3A_64 {strides = array<i32>} : memref<1024x128xf32, #tpu.memory_space<vmem>>, vector<1024x128xf32>,
    return
  }
  func.func @transform_0(%arg0: i32) -> (i32, i32) {
    %c0_i32 = arith.constant 0 : i32
    %c0_i32_0 = arith.constant 0 : i32
    return %arg0, %c0_i32 : i32, i32
  }
  func.func @transform_1(%arg0: i32) -> (i32, i32, i32) {
    %c0_i32 = arith.constant 0 : i32
    %c0_i32_0 = arith.constant 0 : i32
    %c0_i32_1 = arith.constant 0 : i32
    return %c0_i32, %arg0, %c0_i32_0 : i32, i32, i32
  }
  func.func @transform_2(%arg0: i32) -> (i32, i32, i32) {
    %c0_i32 = arith.constant 0 : i32
    %c0_i32_0 = arith.constant 0 : i32
    %c0_i32_1 = arith.constant 0 : i32
    return %c0_i32, %arg0, %c0_i32_0 : i32, i32, i32
  }
  func.func @transform_3(%arg0: i32) -> (i32, i32, i32) {
    %c0_i32 = arith.constant 0 : i32
    %c0_i32_0 = arith.constant 0 : i32
    %c0_i32_1 = arith.constant 0 : i32
    %c0_i32_2 = arith.constant 0 : i32
    return %c0_i32, %c0_i32_0, %c0_i32_1 : i32, i32, i32
  }
  func.func @transform_4(%arg0: i32) -> (i32, i32, i32) {
    %c0_i32 = arith.constant 0 : i32
    %c0_i32_0 = arith.constant 0 : i32
    %c0_i32_1 = arith.constant 0 : i32
    %c0_i32_2 = arith.constant 0 : i32
    return %c0_i32, %c0_i32_0, %c0_i32_1 : i32, i32, i32
  }
  func.func @transform_5(%arg0: i32) -> (i32, i32) {
    %c0_i32 = arith.constant 0 : i32
    %c0_i32_0 = arith.constant 0 : i32
    return %arg0, %c0_i32 : i32, i32
  }
  func.func @transform_6(%arg0: i32) -> (i32, i32) {
    %c0_i32 = arith.constant 0 : i32
    %c0_i32_0 = arith.constant 0 : i32
    return %arg0, %c0_i32 : i32, i32
  }
}

module attributes {stable_mosaic.version = 14 : i64} {
  func.func @_k3_body(%arg0: i32, %arg1: memref<1024x1xf32, #tpu.memory_space<vmem>>, %arg2: memref<1024x128xf32, #tpu.memory_space<vmem>>, %arg3: memref<2x1024x128xf32, #tpu.memory_space<vmem>>, %arg4: memref<1x128xf32, #tpu.memory_space<vmem>>, %arg5: memref<1024x128xf32, #tpu.memory_space<vmem>>) attributes {dimension_semantics = [#tpu.dimension_semantics<arbitrary>], iteration_bounds = array<i64: 10>, scalar_prefetch = 0 : i64, scratch_operands = 0 : i64, tpu.core_type = #tpu.core_type<tc>, window_params = [{transform_indices = @transform_0, window_bounds = array<i64: 1024, 1>}, {transform_indices = @transform_1, window_bounds = array<i64: 1024, 128>}, {transform_indices = @transform_2, window_bounds = array<i64: 2, 1024, 128>}, {pipeline_mode = #tpu.pipeline_mode<synchronous>, transform_indices = @transform_3, window_bounds = array<i64: 1, 128>}, {transform_indices = @transform_4, window_bounds = array<i64: 1024, 128>}]} {
    %get3A = arith.constant 0 : index
    %get3A_0 = arith.constant 0 : index
    %get3A_1 = vector.load %arg2[%get3A, %get3A_0] : memref<1024x128xf32, #tpu.memory_space<vmem>>, vector<1024x128xf32>
    %get3A_2 = arith.constant 0 : index
    %get3A_3 = arith.constant 0 : index
    %get3A_4 = arith.constant 0 : index
    %get3A_5 = vector.load %arg3[%get3A_2, %get3A_3, %get3A_4] : memref<2x1024x128xf32, #tpu.memory_space<vmem>>, vector<1x1024x128xf32>
    %get3A_6 = vector.shape_cast %get3A_5 : vector<1x1024x128xf32> to vector<1024x128xf32>
    %add3A = arith.addf %get3A_1, %get3A_6 : vector<1024x128xf32>
    %get3A_7 = arith.constant 1 : index
    %get3A_8 = arith.constant 0 : index
    %get3A_9 = arith.constant 0 : index
    %get3A_10 = vector.load %arg3[%get3A_7, %get3A_8, %get3A_9] : memref<2x1024x128xf32, #tpu.memory_space<vmem>>, vector<1x1024x128xf32>
    %get3A_11 = vector.shape_cast %get3A_10 : vector<1x1024x128xf32> to vector<1024x128xf32>
    %add3A_12 = arith.addf %add3A, %get3A_11 : vector<1024x128xf32>
    %get3A_13 = arith.constant 0 : index
    %get3A_14 = arith.constant 0 : index
    %get3A_15 = vector.load %arg1[%get3A_13, %get3A_14] : memref<1024x1xf32, #tpu.memory_space<vmem>>, vector<1024x1xf32>
    %mul3A = vector.broadcast %get3A_15 : vector<1024x1xf32> to vector<1024x128xf32>
    %mul3A_16 = arith.mulf %add3A_12, %mul3A : vector<1024x128xf32>
    %get3A_17 = arith.constant 0 : index
    %get3A_18 = arith.constant 0 : index
    %get3A_19 = vector.load %arg4[%get3A_17, %get3A_18] : memref<1x128xf32, #tpu.memory_space<vmem>>, vector<1x128xf32>
    %add3A_20 = vector.broadcast %get3A_19 : vector<1x128xf32> to vector<1024x128xf32>
    %add3A_21 = arith.addf %mul3A_16, %add3A_20 : vector<1024x128xf32>
    %max3A = arith.constant 0.000000e+00 : f32
    %max3A_22 = vector.broadcast %max3A : f32 to vector<1024x128xf32>
    %max3A_23 = arith.maximumf %add3A_21, %max3A_22 : vector<1024x128xf32>
    %swap3A = arith.constant 0 : index
    %swap3A_24 = arith.constant 0 : index
    %swap3A_25 = vector.load %arg5[%swap3A, %swap3A_24] : memref<1024x128xf32, #tpu.memory_space<vmem>>, vector<1024x128xf32>
    tpu.vector_store %arg5[%swap3A, %swap3A_24], %max3A_23 {strides = array<i32>} : memref<1024x128xf32, #tpu.memory_space<vmem>>, vector<1024x128xf32>,
    return
  }
  func.func @transform_0(%arg0: i32) -> (i32, i32) {
    %c0_i32 = arith.constant 0 : i32
    %c0_i32_0 = arith.constant 0 : i32
    return %arg0, %c0_i32 : i32, i32
  }
  func.func @transform_1(%arg0: i32) -> (i32, i32) {
    %c0_i32 = arith.constant 0 : i32
    %c0_i32_0 = arith.constant 0 : i32
    return %arg0, %c0_i32 : i32, i32
  }
  func.func @transform_2(%arg0: i32) -> (i32, i32, i32) {
    %c0_i32 = arith.constant 0 : i32
    %c0_i32_0 = arith.constant 0 : i32
    %c0_i32_1 = arith.constant 0 : i32
    return %c0_i32, %arg0, %c0_i32_0 : i32, i32, i32
  }
  func.func @transform_3(%arg0: i32) -> (i32, i32) {
    %c0_i32 = arith.constant 0 : i32
    %c0_i32_0 = arith.constant 0 : i32
    %c0_i32_1 = arith.constant 0 : i32
    return %c0_i32, %c0_i32_0 : i32, i32
  }
  func.func @transform_4(%arg0: i32) -> (i32, i32) {
    %c0_i32 = arith.constant 0 : i32
    %c0_i32_0 = arith.constant 0 : i32
    return %arg0, %c0_i32 : i32, i32
  }
}

</mosaic_0001>

<sc_bundles>
// kernel: kernel.10.cloned.1.call-start
scs
__scs_entry_jumppad:
0x0: {  	(pc) =	sbr.rel $0x88, $3  }
0x1: {  	(tag) =	ssettag $0x0;
	lr =	simm.s32 $0x1  }
0x2: {  	[smem:$0x3F99] =	sst lr;
	_ =	strace $0xD0000000  }
0x3: {  	_ = 	snop  }
0x4: {  	_ = 	snop  }
0x5: {  	_ = 	snop  }
0x6: {  	_ = 	snop  }
0x7: {  	_ = 	snop  }
__scs_overlays_trampoline_lowered:
0x8: {  	[smem:$0x3FA8] =	sst s0  }
0x9: {  	[smem:$0x3FA9] =	sst s1  }
0xa: {  	[smem:$0x3FAA] =	sst s2  }
0xb: {  	[smem:$0x3FAB] =	sst s3  }
0xc: {  	[smem:$0x3FAC] =	sst s4  }
0xd: {  	[smem:$0x3FAD] =	sst s5  }
0xe: {  	[smem:$0x3FAE] =	sst s6  }
0xf: {  	[smem:$0x3FAF] =	sst s7  }
0x10: {  	[smem:$0x3FB0] =	sst s8  }
0x11: {  	[smem:$0x3FB1] =	sst s9;
	s0 =	simm.s32 @!p0 $0x0  }
0x12: {  	s1 =	sld [smem:$0x3F97];
	s0 =	simm.s32 @p0 $0x1  }
0x13: {  	[smem:$0x3FB2] =	sst s0;
	s0 =	simm.s32 @!p1 $0x0  }
0x14: {  	s2 =	sld [smem:$0x3F96];
	s0 =	simm.s32 @p1 $0x1  }
0x15: {  	[smem:$0x3FB3] =	sst s0;
	s0 =	simm.s32 @!p2 $0x0  }
0x16: {  	s3 =	sld [smem:$0x3FDB];
	s0 =	simm.s32 @p2 $0x1  }
0x17: {  	s4 =	simm.s32 $0x1BF5;
	[smem:$0x3FB5] =	sst s0  }
0x18: {  	s0 =	sld [smem:$0x3F98];
	_ =	swait.ge [sflag:s4], $0x0  }
0x19: {  	s7 =	sld [smem:$0x3F99]  }
0x1a: {  	s8 =	sadd.s32 $0xFFFFE003, lr  }
0x1b: {  	s9 =	sadd.s32 $0xFFFFFEF7, lr;
	s5 =	simm.s32 $0xFFFFFFFF;
	p2 =	slt.u32 s8, $0xFFFFF086  }
0x1c: {  	p1 =	slt.u32 s9, $0xF7A;
	s5 =	simm.s32 @!p2 $0x0  }
0x1d: {  	s5 =	simm.s32 @p1 $0x1;
	p0 =	seq.s32 s7, s2  }
0x1e: {  	s7 =	smul.u32 @!p0 $0xF7A, s2;
	p2 =	seq.s32 @!p0 s5, $0x0  }
0x1f: {  	s9 =	smul.u32 $0xF7A, s1;
	s8 =	simm.s32 @!p0 $0x1BF5;
	p2 =	por !p2, p0  }
0x20: {  	[sflag:s8] =	ssyncset.s32 @!p0 $0xFFFFF086;
	s6 =	sadd.s32 @!p0 s3, s7;
	s7 =	simm.s32 @!p0 $0x108  }
0x21: {  	s3 =	sadd.s32 s3, s9;
	s6 =	sadd.s32 @!p0 $0x88, s6;
	s7 =	simm.s32 @p2 $0x1082  }
0x22: {  	[simem:s7], [sflag:s8] =	dma.local @!p0 [hbm:s6], $0xF7A  }
0x23: {  	s9 =	sor.u32 $0xD0000000, s2;
	s6 =	simm.s32 $0x108;
	_ =	swait.ge @!p0 [sflag:s8], $0x0  }
0x24: {  	s3 =	sadd.s32 $0x88, s3;
	s6 =	simm.s32 @!p1 $0x1082;
	[sflag:s4] =	ssyncset.s32 $0xFFFFF086  }
0x25: {  	[simem:s6], [sflag:s4] =	dma.local [hbm:s3], $0xF7A  }
0x26: {  	[smem:$0x3F99] =	sst s1;
	(tag) =	ssettag s2;
	_ =	strace s9  }
0x27: {  	s1 =	sld [smem:$0x3FA9]  }
0x28: {  	s2 =	sld [smem:$0x3FAA]  }
0x29: {  	s4 =	sld [smem:$0x3FAC]  }
0x2a: {  	p0 =	seq.s32 s5, $0x0;
	s5 =	sld [smem:$0x3FAD]  }
0x2b: {  	s6 =	sld [smem:$0x3FAE]  }
0x2c: {  	s7 =	sld [smem:$0x3FAF]  }
0x2d: {  	s3 =	simm.s32 $0x108;
	s8 =	sld [smem:$0x3FB0]  }
0x2e: {  	s3 =	simm.s32 @!p0 $0x1082;
	s9 =	sld [smem:$0x3FB1]  }
0x2f: {  	lr =	sadd.s32 s0, s3;
	s0 =	sld [smem:$0x3FA8]  }
0x30: {  	s3 =	sld [smem:$0x3FAB]  }
0x31: {  	[smem:$0x3FB4] =	sst s10  }
0x32: {  	s10 =	sld [smem:$0x3FB2];
	_ =	sdelay $0x3  }
0x33: {  	p0 =	seq.s32 s10, $0x1;
	s10 =	sld [smem:$0x3FB4];
	_ =	sdelay $0x3  }
0x34: {  	[smem:$0x3FB4] =	sst s10  }
0x35: {  	s10 =	sld [smem:$0x3FB3];
	_ =	sdelay $0x3  }
0x36: {  	p1 =	seq.s32 s10, $0x1;
	s10 =	sld [smem:$0x3FB4];
	_ =	sdelay $0x3  }
0x37: {  	[smem:$0x3FB4] =	sst s10  }
0x38: {  	s10 =	sld [smem:$0x3FB5]  }
0x39: {  	_ = 	snop;
	(pc) =	sbr.ind lr, $3  }
0x3a: {  	_ = 	snop  }
0x3b: {  	_ = 	snop  }
0x3c: {  	p2 =	seq.s32 s10, $0x1;
	s10 =	sld [smem:$0x3FB4]  }
0x3d: {  	_ =	shalt  }
0x3e: {  	_ =	shalt  }
0x3f: {  	_ =	shalt  }
0x40: {  	_ =	shalt  }
0x41: {  	_ =	shalt  }
0x42: {  	_ =	shalt  }
0x43: {  	_ =	shalt  }
0x44: {  	_ =	shalt  }
0x45: {  	_ =	shalt  }
0x46: {  	_ =	shalt  }
0x47: {  	_ =	shalt  }
0x48: {  	_ =	shalt  }
0x49: {  	_ =	shalt  }
0x4a: {  	_ =	shalt  }
0x4b: {  	_ =	shalt  }
0x4c: {  	_ =	shalt  }
0x4d: {  	_ =	shalt  }
0x4e: {  	_ =	shalt  }
0x4f: {  	_ =	shalt  }
0x50: {  	_ =	shalt  }
0x51: {  	_ =	shalt  }
0x52: {  	_ =	shalt  }
0x53: {  	_ =	shalt  }
0x54: {  	_ =	shalt  }
0x55: {  	_ =	shalt  }
0x56: {  	_ =	shalt  }
0x57: {  	_ =	shalt  }
0x58: {  	_ =	shalt  }
0x59: {  	_ =	shalt  }
0x5a: {  	_ =	shalt  }
0x5b: {  	_ =	shalt  }
0x5c: {  	_ =	shalt  }
0x5d: {  	_ =	shalt  }
0x5e: {  	_ =	shalt  }
0x5f: {  	_ =	shalt  }
0x60: {  	_ =	shalt  }
0x61: {  	_ =	shalt  }
0x62: {  	_ =	shalt  }
0x63: {  	_ =	shalt  }
0x64: {  	_ =	shalt  }
0x65: {  	_ =	shalt  }
0x66: {  	_ =	shalt  }
0x67: {  	_ =	shalt  }
0x68: {  	_ =	shalt  }
0x69: {  	_ =	shalt  }
0x6a: {  	_ =	shalt  }
0x6b: {  	_ =	shalt  }
0x6c: {  	_ =	shalt  }
0x6d: {  	_ =	shalt  }
0x6e: {  	_ =	shalt  }
0x6f: {  	_ =	shalt  }
0x70: {  	_ =	shalt  }
0x71: {  	_ =	shalt  }
0x72: {  	_ =	shalt  }
0x73: {  	_ =	shalt  }
0x74: {  	_ =	shalt  }
0x75: {  	_ =	shalt  }
0x76: {  	_ =	shalt  }
0x77: {  	_ =	shalt  }
0x78: {  	_ =	shalt  }
0x79: {  	_ =	shalt  }
0x7a: {  	_ =	shalt  }
0x7b: {  	_ =	shalt  }
0x7c: {  	_ =	shalt  }
0x7d: {  	_ =	shalt  }
0x7e: {  	_ =	shalt  }
0x7f: {  	_ =	shalt  }
0x80: {  	_ =	shalt  }
0x81: {  	_ =	shalt  }
0x82: {  	_ =	shalt  }
0x83: {  	_ =	shalt  }
0x84: {  	_ =	shalt  }
0x85: {  	_ =	shalt  }
0x86: {  	_ =	shalt  }
0x87: {  	_ =	shalt  }
.Lfunc_end0:
.L_simem_size_0:
called_computation_lowered:
.L_overlay_start_0:
0x88: {  	s2 =	sld [smem:$0x3FD9]  }
0x89: {  	s3 =	sld [smem:$0x3FFE];
	_ =	sdelay $0x1  }
0x8a: {  	s1 =	srdreg.scid  }
0x8b: {  	s0 =	sand.u32 $0x1, s1  }
0x8c: {  	s14 =	sshll.u32 s0, $0xA;
	s2 =	sadd.s32 s3, s2  }
0x8d: {  	s2 =	sadd.s32 s2, s14  }
0x8e: {  	[smem:$0x3FC0] =	sst s2  }
0x8f: {  	_ = 	snop  }
0x90: {  	s2 =	sld [smem:$0x3FD0];
	_ =	sdelay $0x2  }
0x91: {  	s15 =	simm.s32 $0xA;
	s4 =	simm.s32 $0x10  }
0x92: {  	[smem:s4], [sflag:s15] =	dma.local [hbm:s2], $0x1  }
0x93: {  	_ =	swait.eq [sflag:s15], $0x1  }
0x94: {  	[sflag:s15] =	ssyncset.done $0x0  }
0x95: {  	s16 =	sld [smem:$0x10];
	[sflag:s15] =	ssyncadd.s32 $0xFFFFFFFF  }
0x96: {  	s17 =	sld [smem:$0x12];
	(tm) =	ssettm $0x1  }
0x97: {  	s18 =	sld [smem:$0x3FFB];
	_ =	sdelay $0x3  }
0x98: {  	_ =	strace s18  }
0x99: {  	s4 =	sld [smem:$0x3FFC];
	_ =	sdelay $0x3  }
0x9a: {  	_ =	strace s4  }
0x9b: {  	s4 =	sld [smem:$0x3FFD];
	_ =	sdelay $0x3  }
0x9c: {  	_ =	strace s4  }
0x9d: {  	_ =	strace $0x8FFFFFFF  }
0x9e: {  	s19 =	sld [smem:$0x3FDB];
	_ =	sdelay $0x1  }
0x9f: {  	s5 =	simm.s32 $_scs_section_size  }
0xa0: {  	s6 =	simm.s32 $_size__tile_overlayer_lowered;
	s7 =	simm.s32 $_tile_overlayer_lowered  }
0xa1: {  	s22 =	simm.s32 $0x1BFF;
	s21 =	sshll.u32 s7, $0x1;
	s4 =	sadd.s32 s5, s19  }
0xa2: {  	s8 =	simm.s32 $0x0;
	s20 =	sshll.u32 s6, $0x1;
	s6 =	sadd.s32 s21, s4  }
0xa3: {  	[timem:s8], [sflag:s22] =	dma.local [hbm:s6], s20  }
0xa4: {  	_ =	swait.ge [sflag:s22], s20  }
0xa5: {  	s5 =	ssub.s32 $0x0, s20;
	[sflag:s22] =	ssyncset.done $0x0  }
0xa6: {  	[sflag:s22] =	ssyncadd.s32 s5;
	_ =	sdelay $0x1  }
0xa7: {  	s23 =	simm.s32 $0x1B8B  }
0xa8: {  	_ =	swait.ge [sflag:s23], $0x1  }
0xa9: {  	[sflag:s23] =	ssyncset.done $0x0  }
0xaa: {  	s25 =	simm.s32 $0x1B8E;
	s24 =	sld [smem:$0x3FFE];
	[sflag:s23] =	ssyncadd.s32 $0xFFFFFFFF  }
0xab: {  	s26 =	simm.s32 $execute0_lowered;
	[smem:$0x3FD2] =	sst s25  }
0xac: {  	s6 =	sshll.u32 s26, $0x1;
	_ =	strace $0x80000046;
	[dreg:$0x1] =	wrdreg $0xFFFFFFFF  }
0xad: {  	s28 =	simm.s32 $_size_execute0_lowered;
	s4 =	sadd.s32 s4, s6;
	[dreg:$0x0] =	wrdreg $0x0  }
0xae: {  	s6 =	sshll.u32 s28, $0x1;
	[dreg:$0x2] =	wrdreg s4  }
0xaf: {  	[dreg:$0x3] =	wrdreg s6  }
0xb0: {  	[dreg:$0x4] =	wrdreg $0xC0  }
0xb1: {  	_ =	task [dreg:s8], $0x5FFFF  }
0xb2: {  	[dreg:$0x1] =	wrdreg $0xFFFFFFFF  }
0xb3: {  	[dreg:$0x0] =	wrdreg $0x60  }
0xb4: {  	[dreg:$0x2] =	wrdreg s24  }
0xb5: {  	[dreg:$0x3] =	wrdreg s16  }
0xb6: {  	[dreg:$0x4] =	wrdreg s17  }
0xb7: {  	[dreg:$0x5] =	wrdreg $0x2B000  }
0xb8: {  	[dreg:$0x6] =	wrdreg $0x9  }
0xb9: {  	_ =	task.clear_ibuf [dreg:s8], $0x7FFFF;
	_ =	strace $0x90000046  }
0xba: {  	s29 =	simm.s32 $0x9;
	_ =	strace $0x80000048  }
0xbb: {  	_ =	swait.ge [sflag:s29], $0x1  }
0xbc: {  	[sflag:s29] =	ssyncadd.s32 $0xFFFFFFFF  }
0xbd: {  	_ =	strace $0x90000048  }
0xbe: {  	_ =	sfence  }
0xbf: {  	s30 =	sld [smem:$0x0];
	_ =	sdelay $0x2  }
0xc0: {  	s31 =	sshll.u32 s1, $0xD;
	s1 =	sshrl.u32 s1, $0x2  }
0xc1: {  	s3 =	sand.u32 $0x4000, s31;
	s1 =	sadd.s32 s1, s30  }
0xc2: {  	s0 =	sor.u32 s3, s0;
	s1 =	sshll.u32 s1, $0x11  }
0xc3: {  	s0 =	sor.u32 s1, s0  }
0xc4: {  	s0 =	sadd.s32 $0x8F2B, s0  }
0xc5: {  	[sflag:s0] =	ssyncadd.remote.s32 $0x1  }
0xc6: {  	_ =	sfence.sel $0xFFFF  }
0xc7: {  	[dreg:$0x0] =	wrdreg $0xFFFFFFFF;
	(pc) =	sbr.abs _section_cstart, $3  }
0xc8: {  	[dreg:$0x1] =	wrdreg $0xFFFFFFFF  }
0xc9: {  	_ =	task.clear_ibuf [dreg:s8], $0x2FFFF;
	_ =	strace $0x9FFFFFFF  }
0xca: {  	(tm) =	ssettm $0x7FFFFFFF  }
0xcb: {  	_ =	shalt  }
tec
execute0_lowered:
.L_overlay_start_1:
0x0: {  	(tag) =	ssettag $0x1  }
0x1: {  	s5 =	rddreg [dreg:$0x0]  }
0x2: {  	s1 =	rddreg [dreg:$0x1]  }
0x3: {  	s8 =	rddreg [dreg:$0x2]  }
0x4: {  	s0 =	srdreg.scid;
	s3 =	rddreg [dreg:$0x3]  }
0x5: {  	s4 =	simm.s32 $0x0;
	s12 =	simm.s32 $0x2800;
	s13 =	simm.s32 $0x80  }
0x6: {  	s14 =	simm.s32 $0x0;
	s6 =	sand.u32 $0x1, s0;
	s0 =	stileid.u32  }
0x7: {  	[smem:$0x7FF] =	sst s4;
	s2 =	sshll.u32 s6, $0x4;
	s9 =	smul.u32 $0x280, s0  }
0x8: {  	s10 =	smul.u32 $0x2800, s6;
	s6 =	ssub.s32 $0x2, s6;
	s2 =	sor.u32 s0, s2  }
0x9: {  	s11 =	sshrl.u32 s6, $0x1;
	s7 =	smul.u32 $0x500, s2;
	s2 =	rddreg [dreg:$0x4]  }
0xa: {  	_ =	strace $0x80000047;
	s10 =	sadd.s32 s9, s10;
	s11 =	ssub.s32 s6, s11  }
0xb: {  	s6 =	sadd.s32 s9, s3;
	s10 =	sshrl.u32 s10, $0x3;
	s9 =	smax.u32 s11, $0x1  }
0xc: {  	s11 =	simm.s32 $0x1;
	s7 =	sadd.s32 s7, s5;
	s5 =	sadd.s32 $0x17E00, s5  }
0xd: {  	s8 =	sadd.s32 s8, s10;
	s10 =	simm.s32 $0x2880;
	s7 =	sadd.s32 $0xDE00, s7  }
.LBB2_1:
0xe: {  	[tilespmem:s10], [sflag:$0x1] =	stream.linear.gather [hbm4b:s1+s4], $0x280, $0x38;
	[tilespmem:$0x2D80] =	vst v63  }
0xf: {  	_ =	swait.ge [sflag:s11], $0x280  }
0x10: {  	[sflag:s11] =	ssyncset.done $0x0  }
0x11: {  	[sflag:s11] =	ssyncadd.s32 $0xFFFFFD80  }
0x12: {  	[spmem:s6] =	stream.linear.scatter [tilespmem:s10], [sflag:$0x1], $0x280, $0x38;
	[tilespmem:$0x2D80] =	vst v63  }
0x13: {  	_ =	swait.ge [sflag:s11], $0x280  }
0x14: {  	[sflag:s11] =	ssyncset.done $0x0  }
0x15: {  	[sflag:s11] =	ssyncadd.s32 $0xFFFFFD80  }
0x16: {  	[tilespmem:s12], [sflag:$0x1] =	stream.linear.gather [hbm4b:s5+s4], $0x80, $0x38;
	[tilespmem:$0x2D80] =	vst v63  }
0x17: {  	_ =	swait.ge [sflag:s11], $0x80  }
0x18: {  	[sflag:s11] =	ssyncset.done $0x0  }
0x19: {  	[sflag:s11] =	ssyncadd.s32 $0xFFFFFF80  }
0x1a: {  	[tilespmem:s4], [sflag:$0x1] =	stream.linear.gather [hbm4b:s7+s4], $0x2800, $0x38;
	[tilespmem:$0x2D80] =	vst v63  }
0x1b: {  	_ =	swait.ge [sflag:s11], $0x2800  }
0x1c: {  	[sflag:s11] =	ssyncset.done $0x0  }
0x1d: {  	[sflag:s11] =	ssyncadd.s32 $0xFFFFD800  }
0x1e: {  	s15 =	simm.s32 $0x0;
	[bflag:$0x0] =	sbarrier.arrive $0xFFFF  }
0x1f: {  	[spmem:s3] =	stream.indirect.scatter.add.f32 [tilespmem:s12], [sflag:$0x1], $0x1, s15, s13, $0xb8;
	[tilespmem:$0x2D80] =	vst v63  }
0x20: {  	_ =	swait.ge [sflag:s11], $0x80  }
0x21: {  	s15 =	simm.s32 $0x200;
	[sflag:s11] =	ssyncset.done $0x0  }
.LBB2_2:
0x22: {  	s16 =	sshra.s32 s15, $0x2;
	[sflag:s11] =	ssyncadd.s32 $0xFFFFFF80;
	p0 =	sne.s32 s15, $0x9E00  }
0x23: {  	[spmem:s3] =	stream.indirect.scatter.add.f32 [tilespmem:s12], [sflag:$0x1], $0x1, s16, s13, $0xb8;
	[tilespmem:$0x2D80] =	vst v63  }
.Ltmp0:
0x24: {  	_ = 	snop;
	(pc) =	sbr.rel @p0 .LBB2_2-.Ltmp0, $4  }
0x25: {  	_ = 	snop  }
0x26: {  	s15 =	sadd.s32 $0x200, s15  }
0x27: {  	_ =	swait.ge [sflag:s11], $0x80  }
0x28: {  	[sflag:s11] =	ssyncset.done $0x0  }
0x29: {  	[sflag:s11] =	ssyncadd.s32 $0xFFFFFF80  }
0x2a: {  	[bflag:$0x0] =	sbarrier.arrive $0xFFFF  }
0x2b: {  	[tilespmem:s10], [sflag:$0x1] =	stream.linear.gather [spmem:s6], $0x280, $0x38;
	[tilespmem:$0x2D80] =	vst v63  }
0x2c: {  	s14 =	sadd.s32 $0x1, s14;
	_ =	swait.ge [sflag:s11], $0x280  }
0x2d: {  	p0 =	sne.s32 s14, s9;
	[sflag:s11] =	ssyncset.done $0x0  }
.Ltmp1:
0x2e: {  	[sflag:s11] =	ssyncadd.s32 $0xFFFFFD80;
	(pc) =	sbr.rel @p0 .LBB2_1-.Ltmp1, $4  }
0x2f: {  	[hbm4b:s8+s4] =	stream.linear.scatter [tilespmem:s10], [sflag:$0x1], $0x280, $0x38;
	[tilespmem:$0x2D80] =	vst v63  }
0x30: {  	_ =	swait.ge [sflag:s11], $0x280  }
0x31: {  	[sflag:s11] =	ssyncset.done $0x0  }
0x32: {  	[sflag:s11] =	ssyncadd.s32 $0xFFFFFD80  }
0x33: {  	_ =	sfence.sel $0x180000  }
0x34: {  	[bflag:$0x0] =	sbarrier.arrive $0xFFFF  }
0x35: {  	p0 =	sne.s32 s0, $0x0;
	_ =	strace $0x90000047  }
0x36: {  	s0 =	sadd.s32 @!p0 $0x100000, s2;
	[bflag:$0x2] =	sbarrier.arrive $0xFFFF  }
0x37: {  	[sflag:s0] =	ssyncadd.tile.s32 @!p0 $0x1;
	_ =	shalt  }
.Lfunc_end2:
_tile_overlayer_lowered:
.L_overlay_start_2:
0x38: {  	(tag) =	ssettag $0x2  }
0x39: {  	s0 =	rddreg [dreg:$0x0];
	s2 =	stileid.u32  }
0x3a: {  	s1 =	rddreg [dreg:$0x1];
	p0 =	sne.s32 s2, $0x0  }
0x3b: {  	s3 =	rddreg [dreg:$0x2];
	[bflag:$0x3] =	sbarrier.arrive $0xFFFF;
	s2 =	simm.s32 @!p0 $0x1C01  }
0x3c: {  	[timem:s3], [sflag:s2] =	dma.local @!p0 [hbm:s0], s1  }
0x3d: {  	s0 =	simm.s32 @!p0 $0x1  }
0x3e: {  	_ =	swait.ge @!p0 [sflag:s0], s1  }
0x3f: {  	s1 =	ssub.s32 @!p0 $0x0, s1;
	[sflag:s0] =	ssyncset.done @!p0 $0x0  }
0x40: {  	[sflag:s0] =	ssyncadd.s32 @!p0 s1  }
0x41: {  	[bflag:$0x3] =	sbarrier.arrive $0xFFFF  }
0x42: {  	_ =	shalt  }

// kernel: kernel.13.cloned.1.call-start
scs
__scs_entry_jumppad:
0x0: {  	(pc) =	sbr.rel $0x88, $3  }
0x1: {  	(tag) =	ssettag $0x0;
	lr =	simm.s32 $0x1  }
0x2: {  	[smem:$0x3F99] =	sst lr;
	_ =	strace $0xD0000000  }
0x3: {  	_ = 	snop  }
0x4: {  	_ = 	snop  }
0x5: {  	_ = 	snop  }
0x6: {  	_ = 	snop  }
0x7: {  	_ = 	snop  }
__scs_overlays_trampoline_lowered:
0x8: {  	[smem:$0x3FA8] =	sst s0  }
0x9: {  	[smem:$0x3FA9] =	sst s1  }
0xa: {  	[smem:$0x3FAA] =	sst s2  }
0xb: {  	[smem:$0x3FAB] =	sst s3  }
0xc: {  	[smem:$0x3FAC] =	sst s4  }
0xd: {  	[smem:$0x3FAD] =	sst s5  }
0xe: {  	[smem:$0x3FAE] =	sst s6  }
0xf: {  	[smem:$0x3FAF] =	sst s7  }
0x10: {  	[smem:$0x3FB0] =	sst s8  }
0x11: {  	[smem:$0x3FB1] =	sst s9;
	s0 =	simm.s32 @!p0 $0x0  }
0x12: {  	s1 =	sld [smem:$0x3F97];
	s0 =	simm.s32 @p0 $0x1  }
0x13: {  	[smem:$0x3FB2] =	sst s0;
	s0 =	simm.s32 @!p1 $0x0  }
0x14: {  	s2 =	sld [smem:$0x3F96];
	s0 =	simm.s32 @p1 $0x1  }
0x15: {  	[smem:$0x3FB3] =	sst s0;
	s0 =	simm.s32 @!p2 $0x0  }
0x16: {  	s3 =	sld [smem:$0x3FDB];
	s0 =	simm.s32 @p2 $0x1  }
0x17: {  	s4 =	simm.s32 $0x1BF5;
	[smem:$0x3FB5] =	sst s0  }
0x18: {  	s0 =	sld [smem:$0x3F98];
	_ =	swait.ge [sflag:s4], $0x0  }
0x19: {  	s7 =	sld [smem:$0x3F99]  }
0x1a: {  	s8 =	sadd.s32 $0xFFFFE003, lr  }
0x1b: {  	s9 =	sadd.s32 $0xFFFFFEF7, lr;
	s5 =	simm.s32 $0xFFFFFFFF;
	p2 =	slt.u32 s8, $0xFFFFF086  }
0x1c: {  	p1 =	slt.u32 s9, $0xF7A;
	s5 =	simm.s32 @!p2 $0x0  }
0x1d: {  	s5 =	simm.s32 @p1 $0x1;
	p0 =	seq.s32 s7, s2  }
0x1e: {  	s7 =	smul.u32 @!p0 $0xF7A, s2;
	p2 =	seq.s32 @!p0 s5, $0x0  }
0x1f: {  	s9 =	smul.u32 $0xF7A, s1;
	s8 =	simm.s32 @!p0 $0x1BF5;
	p2 =	por !p2, p0  }
0x20: {  	[sflag:s8] =	ssyncset.s32 @!p0 $0xFFFFF086;
	s6 =	sadd.s32 @!p0 s3, s7;
	s7 =	simm.s32 @!p0 $0x108  }
0x21: {  	s3 =	sadd.s32 s3, s9;
	s6 =	sadd.s32 @!p0 $0x88, s6;
	s7 =	simm.s32 @p2 $0x1082  }
0x22: {  	[simem:s7], [sflag:s8] =	dma.local @!p0 [hbm:s6], $0xF7A  }
0x23: {  	s9 =	sor.u32 $0xD0000000, s2;
	s6 =	simm.s32 $0x108;
	_ =	swait.ge @!p0 [sflag:s8], $0x0  }
0x24: {  	s3 =	sadd.s32 $0x88, s3;
	s6 =	simm.s32 @!p1 $0x1082;
	[sflag:s4] =	ssyncset.s32 $0xFFFFF086  }
0x25: {  	[simem:s6], [sflag:s4] =	dma.local [hbm:s3], $0xF7A  }
0x26: {  	[smem:$0x3F99] =	sst s1;
	(tag) =	ssettag s2;
	_ =	strace s9  }
0x27: {  	s1 =	sld [smem:$0x3FA9]  }
0x28: {  	s2 =	sld [smem:$0x3FAA]  }
0x29: {  	s4 =	sld [smem:$0x3FAC]  }
0x2a: {  	p0 =	seq.s32 s5, $0x0;
	s5 =	sld [smem:$0x3FAD]  }
0x2b: {  	s6 =	sld [smem:$0x3FAE]  }
0x2c: {  	s7 =	sld [smem:$0x3FAF]  }
0x2d: {  	s3 =	simm.s32 $0x108;
	s8 =	sld [smem:$0x3FB0]  }
0x2e: {  	s3 =	simm.s32 @!p0 $0x1082;
	s9 =	sld [smem:$0x3FB1]  }
0x2f: {  	lr =	sadd.s32 s0, s3;
	s0 =	sld [smem:$0x3FA8]  }
0x30: {  	s3 =	sld [smem:$0x3FAB]  }
0x31: {  	[smem:$0x3FB4] =	sst s10  }
0x32: {  	s10 =	sld [smem:$0x3FB2];
	_ =	sdelay $0x3  }
0x33: {  	p0 =	seq.s32 s10, $0x1;
	s10 =	sld [smem:$0x3FB4];
	_ =	sdelay $0x3  }
0x34: {  	[smem:$0x3FB4] =	sst s10  }
0x35: {  	s10 =	sld [smem:$0x3FB3];
	_ =	sdelay $0x3  }
0x36: {  	p1 =	seq.s32 s10, $0x1;
	s10 =	sld [smem:$0x3FB4];
	_ =	sdelay $0x3  }
0x37: {  	[smem:$0x3FB4] =	sst s10  }
0x38: {  	s10 =	sld [smem:$0x3FB5]  }
0x39: {  	_ = 	snop;
	(pc) =	sbr.ind lr, $3  }
0x3a: {  	_ = 	snop  }
0x3b: {  	_ = 	snop  }
0x3c: {  	p2 =	seq.s32 s10, $0x1;
	s10 =	sld [smem:$0x3FB4]  }
0x3d: {  	_ =	shalt  }
0x3e: {  	_ =	shalt  }
0x3f: {  	_ =	shalt  }
0x40: {  	_ =	shalt  }
0x41: {  	_ =	shalt  }
0x42: {  	_ =	shalt  }
0x43: {  	_ =	shalt  }
0x44: {  	_ =	shalt  }
0x45: {  	_ =	shalt  }
0x46: {  	_ =	shalt  }
0x47: {  	_ =	shalt  }
0x48: {  	_ =	shalt  }
0x49: {  	_ =	shalt  }
0x4a: {  	_ =	shalt  }
0x4b: {  	_ =	shalt  }
0x4c: {  	_ =	shalt  }
0x4d: {  	_ =	shalt  }
0x4e: {  	_ =	shalt  }
0x4f: {  	_ =	shalt  }
0x50: {  	_ =	shalt  }
0x51: {  	_ =	shalt  }
0x52: {  	_ =	shalt  }
0x53: {  	_ =	shalt  }
0x54: {  	_ =	shalt  }
0x55: {  	_ =	shalt  }
0x56: {  	_ =	shalt  }
0x57: {  	_ =	shalt  }
0x58: {  	_ =	shalt  }
0x59: {  	_ =	shalt  }
0x5a: {  	_ =	shalt  }
0x5b: {  	_ =	shalt  }
0x5c: {  	_ =	shalt  }
0x5d: {  	_ =	shalt  }
0x5e: {  	_ =	shalt  }
0x5f: {  	_ =	shalt  }
0x60: {  	_ =	shalt  }
0x61: {  	_ =	shalt  }
0x62: {  	_ =	shalt  }
0x63: {  	_ =	shalt  }
0x64: {  	_ =	shalt  }
0x65: {  	_ =	shalt  }
0x66: {  	_ =	shalt  }
0x67: {  	_ =	shalt  }
0x68: {  	_ =	shalt  }
0x69: {  	_ =	shalt  }
0x6a: {  	_ =	shalt  }
0x6b: {  	_ =	shalt  }
0x6c: {  	_ =	shalt  }
0x6d: {  	_ =	shalt  }
0x6e: {  	_ =	shalt  }
0x6f: {  	_ =	shalt  }
0x70: {  	_ =	shalt  }
0x71: {  	_ =	shalt  }
0x72: {  	_ =	shalt  }
0x73: {  	_ =	shalt  }
0x74: {  	_ =	shalt  }
0x75: {  	_ =	shalt  }
0x76: {  	_ =	shalt  }
0x77: {  	_ =	shalt  }
0x78: {  	_ =	shalt  }
0x79: {  	_ =	shalt  }
0x7a: {  	_ =	shalt  }
0x7b: {  	_ =	shalt  }
0x7c: {  	_ =	shalt  }
0x7d: {  	_ =	shalt  }
0x7e: {  	_ =	shalt  }
0x7f: {  	_ =	shalt  }
0x80: {  	_ =	shalt  }
0x81: {  	_ =	shalt  }
0x82: {  	_ =	shalt  }
0x83: {  	_ =	shalt  }
0x84: {  	_ =	shalt  }
0x85: {  	_ =	shalt  }
0x86: {  	_ =	shalt  }
0x87: {  	_ =	shalt  }
.Lfunc_end0:
.L_simem_size_0:
called_computation.1_lowered:
.L_overlay_start_0:
0x88: {  	s2 =	sld [smem:$0x3FD9]  }
0x89: {  	s3 =	sld [smem:$0x3FFE];
	_ =	sdelay $0x1  }
0x8a: {  	s1 =	srdreg.scid  }
0x8b: {  	s0 =	sand.u32 $0x1, s1  }
0x8c: {  	s14 =	sshll.u32 s0, $0xA;
	s2 =	sadd.s32 s3, s2  }
0x8d: {  	s2 =	sadd.s32 s2, s14  }
0x8e: {  	[smem:$0x3FC0] =	sst s2  }
0x8f: {  	_ = 	snop  }
0x90: {  	s2 =	sld [smem:$0x3FD0];
	_ =	sdelay $0x2  }
0x91: {  	s15 =	simm.s32 $0xA;
	s4 =	simm.s32 $0x10  }
0x92: {  	[smem:s4], [sflag:s15] =	dma.local [hbm:s2], $0x1  }
0x93: {  	_ =	swait.eq [sflag:s15], $0x1  }
0x94: {  	[sflag:s15] =	ssyncset.done $0x0  }
0x95: {  	s16 =	sld [smem:$0x10];
	[sflag:s15] =	ssyncadd.s32 $0xFFFFFFFF  }
0x96: {  	s17 =	sld [smem:$0x11];
	(tm) =	ssettm $0x1  }
0x97: {  	s18 =	sld [smem:$0x3FFB];
	_ =	sdelay $0x3  }
0x98: {  	_ =	strace s18  }
0x99: {  	s4 =	sld [smem:$0x3FFC];
	_ =	sdelay $0x3  }
0x9a: {  	_ =	strace s4  }
0x9b: {  	s4 =	sld [smem:$0x3FFD];
	_ =	sdelay $0x3  }
0x9c: {  	_ =	strace s4  }
0x9d: {  	_ =	strace $0x8FFFFFFF  }
0x9e: {  	s19 =	sld [smem:$0x3FDB];
	_ =	sdelay $0x1  }
0x9f: {  	s5 =	simm.s32 $_scs_section_size  }
0xa0: {  	s6 =	simm.s32 $_size__tile_overlayer_lowered;
	s7 =	simm.s32 $_tile_overlayer_lowered  }
0xa1: {  	s22 =	simm.s32 $0x1BFF;
	s21 =	sshll.u32 s7, $0x1;
	s4 =	sadd.s32 s5, s19  }
0xa2: {  	s8 =	simm.s32 $0x0;
	s20 =	sshll.u32 s6, $0x1;
	s6 =	sadd.s32 s21, s4  }
0xa3: {  	[timem:s8], [sflag:s22] =	dma.local [hbm:s6], s20  }
0xa4: {  	_ =	swait.ge [sflag:s22], s20  }
0xa5: {  	s5 =	ssub.s32 $0x0, s20;
	[sflag:s22] =	ssyncset.done $0x0  }
0xa6: {  	[sflag:s22] =	ssyncadd.s32 s5;
	_ =	sdelay $0x1  }
0xa7: {  	s23 =	simm.s32 $0x1B8B  }
0xa8: {  	_ =	swait.ge [sflag:s23], $0x1  }
0xa9: {  	[sflag:s23] =	ssyncset.done $0x0  }
0xaa: {  	s25 =	simm.s32 $0x1B8E;
	s24 =	sld [smem:$0x3FFE];
	[sflag:s23] =	ssyncadd.s32 $0xFFFFFFFF  }
0xab: {  	s26 =	simm.s32 $execute0_lowered;
	[smem:$0x3FD2] =	sst s25  }
0xac: {  	s6 =	sshll.u32 s26, $0x1;
	_ =	strace $0x80000049;
	[dreg:$0x1] =	wrdreg $0xFFFFFFFF  }
0xad: {  	s28 =	simm.s32 $_size_execute0_lowered;
	s4 =	sadd.s32 s4, s6;
	[dreg:$0x0] =	wrdreg $0x0  }
0xae: {  	s6 =	sshll.u32 s28, $0x1;
	[dreg:$0x2] =	wrdreg s4  }
0xaf: {  	[dreg:$0x3] =	wrdreg s6  }
0xb0: {  	[dreg:$0x4] =	wrdreg $0xC0  }
0xb1: {  	_ =	task [dreg:s8], $0x5FFFF  }
0xb2: {  	[dreg:$0x1] =	wrdreg $0xFFFFFFFF  }
0xb3: {  	[dreg:$0x0] =	wrdreg $0x60  }
0xb4: {  	[dreg:$0x2] =	wrdreg s17  }
0xb5: {  	[dreg:$0x3] =	wrdreg s24  }
0xb6: {  	[dreg:$0x4] =	wrdreg s16  }
0xb7: {  	[dreg:$0x5] =	wrdreg $0x50000  }
0xb8: {  	[dreg:$0x6] =	wrdreg $0x9  }
0xb9: {  	_ =	task.clear_ibuf [dreg:s8], $0x7FFFF;
	_ =	strace $0x90000049  }
0xba: {  	s29 =	simm.s32 $0x9;
	_ =	strace $0x8000004B  }
0xbb: {  	_ =	swait.ge [sflag:s29], $0x1  }
0xbc: {  	[sflag:s29] =	ssyncadd.s32 $0xFFFFFFFF  }
0xbd: {  	_ =	strace $0x9000004B  }
0xbe: {  	_ =	sfence  }
0xbf: {  	s30 =	sld [smem:$0x0];
	_ =	sdelay $0x2  }
0xc0: {  	s31 =	sshll.u32 s1, $0xD;
	s1 =	sshrl.u32 s1, $0x2  }
0xc1: {  	s3 =	sand.u32 $0x4000, s31;
	s1 =	sadd.s32 s1, s30  }
0xc2: {  	s0 =	sor.u32 s3, s0;
	s1 =	sshll.u32 s1, $0x11  }
0xc3: {  	s0 =	sor.u32 s1, s0  }
0xc4: {  	s0 =	sadd.s32 $0x8F2B, s0  }
0xc5: {  	[sflag:s0] =	ssyncadd.remote.s32 $0x1  }
0xc6: {  	_ =	sfence.sel $0xFFFF  }
0xc7: {  	[dreg:$0x0] =	wrdreg $0xFFFFFFFF;
	(pc) =	sbr.abs _section_cstart, $3  }
0xc8: {  	[dreg:$0x1] =	wrdreg $0xFFFFFFFF  }
0xc9: {  	_ =	task.clear_ibuf [dreg:s8], $0x2FFFF;
	_ =	strace $0x9FFFFFFF  }
0xca: {  	(tm) =	ssettm $0x7FFFFFFF  }
0xcb: {  	_ =	shalt  }
tec
execute0_lowered:
.L_overlay_start_1:
0x0: {  	(tag) =	ssettag $0x1  }
0x1: {  	s1 =	rddreg [dreg:$0x0]  }
0x2: {  	s7 =	rddreg [dreg:$0x1]  }
0x3: {  	s18 =	rddreg [dreg:$0x2]  }
0x4: {  	s2 =	rddreg [dreg:$0x3]  }
0x5: {  	s0 =	rddreg [dreg:$0x4];
	s3 =	stileid.u32  }
0x6: {  	s4 =	simm.s32 $0x0;
	s5 =	srdreg.scid;
	s13 =	smul.u32 $0x280, s3  }
0x7: {  	s24 =	simm.s32 $0x1;
	[smem:$0x7FF] =	sst s4;
	s9 =	smul.u32 $0x50000, s3  }
0x8: {  	s10 =	sand.u32 $0x1, s5;
	s5 =	sadd.s32 $0x3E00, s7;
	s21 =	smul.u32 $0x50, s3  }
0x9: {  	s6 =	sadd.s32 $0xDE00, s7;
	s7 =	sadd.s32 $0x17E00, s7;
	s15 =	smul.u32 $0x500, s10  }
0xa: {  	_ =	strace $0x8000004A;
	s8 =	ssub.s32 $0x2, s10;
	s23 =	smul.u32 $0x2800, s10  }
0xb: {  	s11 =	sshrl.u32 s8, $0x1;
	s25 =	sshrl.u32 s9, $0x2;
	s14 =	sadd.s32 $0x80, s13  }
0xc: {  	s16 =	sadd.s32 $0x100, s13;
	s17 =	sadd.s32 $0x180, s13;
	s20 =	sadd.s32 $0x200, s13  }
0xd: {  	s19 =	ssub.s32 s8, s11;
	s8 =	sadd.s32 s25, s2;
	s26 =	sshll.u32 s14, $0x7  }
0xe: {  	s28 =	sshll.u32 s16, $0x7;
	s12 =	sshll.u32 s17, $0x7;
	s22 =	sshll.u32 s20, $0x7  }
0xf: {  	s15 =	sadd.s32 s21, s15;
	s29 =	sadd.s32 s13, s23;
	s14 =	sadd.s32 s23, s14  }
0x10: {  	s16 =	sadd.s32 s23, s16;
	s17 =	sadd.s32 s23, s17;
	s20 =	sadd.s32 s23, s20  }
0x11: {  	s21 =	simm.s32 $0x2;
	s23 =	simm.s32 $0x80;
	s25 =	simm.s32 $0x0  }
0x12: {  	s9 =	sadd.s32 s26, s2;
	s10 =	sadd.s32 s28, s2;
	s11 =	sadd.s32 s12, s2  }
0x13: {  	s12 =	sadd.s32 s22, s2;
	s13 =	sshll.u32 s15, $0x4;
	s30 =	sshll.u32 s29, $0x4  }
0x14: {  	s31 =	sshll.u32 s14, $0x4;
	s16 =	sshll.u32 s16, $0x4;
	s17 =	sshll.u32 s17, $0x4  }
0x15: {  	s20 =	sshll.u32 s20, $0x4;
	s19 =	smax.u32 s19, $0x1;
	s22 =	simm.s32 $0x800  }
0x16: {  	s14 =	sadd.s32 s18, s30;
	s15 =	sadd.s32 s18, s31;
	s16 =	sadd.s32 s18, s16  }
0x17: {  	s17 =	sadd.s32 s18, s17;
	s18 =	sadd.s32 s18, s20;
	s20 =	simm.s32 $0x1000  }
.LBB2_1:
0x18: {  	[tilespmem:s20], [sflag:$0x2] =	stream.linear.gather [hbm4b:s7+s4], $0x4000, $0x38;
	[tilespmem:$0x19000] =	vst v63  }
0x19: {  	_ =	swait.ge [sflag:s21], $0x4000  }
0x1a: {  	[sflag:s21] =	ssyncset.done $0x0  }
0x1b: {  	[sflag:s21] =	ssyncadd.s32 $0xFFFFC000  }
0x1c: {  	[spmem:s8] =	stream.linear.scatter [tilespmem:s20], [sflag:$0x2], $0x4000, $0x38;
	[tilespmem:$0x19000] =	vst v63  }
0x1d: {  	_ =	swait.ge [sflag:s21], $0x4000  }
0x1e: {  	[sflag:s21] =	ssyncset.done $0x0  }
0x1f: {  	[sflag:s21] =	ssyncadd.s32 $0xFFFFC000  }
0x20: {  	[spmem:s9] =	stream.linear.scatter [tilespmem:s20], [sflag:$0x2], $0x4000, $0x38;
	[tilespmem:$0x19000] =	vst v63  }
0x21: {  	_ =	swait.ge [sflag:s21], $0x4000  }
0x22: {  	[sflag:s21] =	ssyncset.done $0x0  }
0x23: {  	[sflag:s21] =	ssyncadd.s32 $0xFFFFC000  }
0x24: {  	[spmem:s10] =	stream.linear.scatter [tilespmem:s20], [sflag:$0x2], $0x4000, $0x38;
	[tilespmem:$0x19000] =	vst v63  }
0x25: {  	_ =	swait.ge [sflag:s21], $0x4000  }
0x26: {  	[sflag:s21] =	ssyncset.done $0x0  }
0x27: {  	[sflag:s21] =	ssyncadd.s32 $0xFFFFC000  }
0x28: {  	[spmem:s11] =	stream.linear.scatter [tilespmem:s20], [sflag:$0x2], $0x4000, $0x38;
	[tilespmem:$0x19000] =	vst v63  }
0x29: {  	_ =	swait.ge [sflag:s21], $0x4000  }
0x2a: {  	[sflag:s21] =	ssyncset.done $0x0  }
0x2b: {  	[sflag:s21] =	ssyncadd.s32 $0xFFFFC000  }
0x2c: {  	[spmem:s12] =	stream.linear.scatter [tilespmem:s20], [sflag:$0x2], $0x4000, $0x38;
	[tilespmem:$0x19000] =	vst v63  }
0x2d: {  	_ =	swait.ge [sflag:s21], $0x4000  }
0x2e: {  	[sflag:s21] =	ssyncset.done $0x0  }
0x2f: {  	[sflag:s21] =	ssyncadd.s32 $0xFFFFC000  }
0x30: {  	s26 =	simm.s32 $0x0;
	[bflag:$0x0] =	sbarrier.arrive $0xFFFF  }
.LBB2_2:
0x31: {  	s28 =	sshll.u32 s26, $0x8  }
0x32: {  	s28 =	sadd.s32 s13, s28  }
0x33: {  	s30 =	simm.s32 $0x0;
	s29 =	sadd.s32 s5, s28  }
0x34: {  	[tilespmem:s30], [sflag:$0x2] =	stream.linear.gather [hbm4b:s29+s30], $0x800, $0x38;
	[tilespmem:$0x19000] =	vst v63  }
0x35: {  	_ =	swait.ge [sflag:s21], $0x800  }
0x36: {  	[sflag:s21] =	ssyncset.done $0x0  }
0x37: {  	s28 =	sadd.s32 s6, s28;
	[sflag:s21] =	ssyncadd.s32 $0xFFFFF800  }
0x38: {  	[tilespmem:s22], [sflag:$0x2] =	stream.linear.gather [hbm4b:s28+s30], $0x800, $0x38;
	[tilespmem:$0x19000] =	vst v63  }
0x39: {  	_ =	swait.ge [sflag:s21], $0x800  }
0x3a: {  	[sflag:s21] =	ssyncset.done $0x0  }
0x3b: {  	s28 =	simm.s32 $0x0;
	[sflag:s21] =	ssyncadd.s32 $0xFFFFF800  }
0x3c: {  	[tilespmem:s20], [sflag:$0x1] =	stream.indirect.gather [hbm4b:s1+s23], $0x80, s28, s23, $0xb8;
	[tilespmem:$0x19000] =	vst v63  }
0x3d: {  	_ =	swait.ge [sflag:s24], $0x4000  }
0x3e: {  	[sflag:s24] =	ssyncset.done $0x0  }
0x3f: {  	s28 =	simm.s32 $0x800;
	[sflag:s24] =	ssyncadd.s32 $0xFFFFC000  }
0x40: {  	[spmem:s2] =	stream.indirect.scatter.add.f32 [tilespmem:s20], [sflag:$0x2], $0x80, s28, s23, $0xb8;
	[tilespmem:$0x19000] =	vst v63  }
0x41: {  	_ =	swait.ge [sflag:s21], $0x4000  }
0x42: {  	s29 =	simm.s32 $0x400;
	s28 =	simm.s32 $0x200;
	[sflag:s21] =	ssyncset.done $0x0  }
.LBB2_3:
0x43: {  	s30 =	sshra.s32 s28, $0x2  }
0x44: {  	[sflag:s21] =	ssyncadd.s32 $0xFFFFC000;
	s28 =	smov.u32 s29;
	s31 =	sadd.s32 $0x200, s29  }
0x45: {  	[tilespmem:s20], [sflag:$0x1] =	stream.indirect.gather [hbm4b:s1+s23], $0x80, s30, s23, $0xb8;
	[tilespmem:$0x19000] =	vst v63  }
0x46: {  	p0 =	sne.s32 s29, $0x1E00;
	_ =	swait.ge [sflag:s24], $0x4000  }
.Ltmp0:
0x47: {  	[sflag:s24] =	ssyncset.done $0x0;
	(pc) =	sbr.rel @p0 .LBB2_3-.Ltmp0, $4  }
0x48: {  	s29 =	sadd.s32 $0x800, s30;
	[sflag:s24] =	ssyncadd.s32 $0xFFFFC000  }
0x49: {  	[spmem:s2] =	stream.indirect.scatter.add.f32 [tilespmem:s20], [sflag:$0x2], $0x80, s29, s23, $0xb8;
	[tilespmem:$0x19000] =	vst v63  }
0x4a: {  	_ =	swait.ge [sflag:s21], $0x4000  }
0x4b: {  	s29 =	smov.u32 s31;
	[sflag:s21] =	ssyncset.done $0x0  }
0x4c: {  	s28 =	sshra.s32 s28, $0x2;
	[sflag:s21] =	ssyncadd.s32 $0xFFFFC000  }
0x4d: {  	[tilespmem:s20], [sflag:$0x1] =	stream.indirect.gather [hbm4b:s1+s23], $0x80, s28, s23, $0xb8;
	[tilespmem:$0x19000] =	vst v63  }
0x4e: {  	s26 =	sadd.s32 $0x1, s26;
	_ =	swait.ge [sflag:s24], $0x4000  }
0x4f: {  	p0 =	sne.s32 s26, $0x5;
	[sflag:s24] =	ssyncset.done $0x0  }
.Ltmp1:
0x50: {  	s28 =	sadd.s32 $0x800, s28;
	[sflag:s24] =	ssyncadd.s32 $0xFFFFC000;
	(pc) =	sbr.rel @p0 .LBB2_2-.Ltmp1, $4  }
0x51: {  	[spmem:s2] =	stream.indirect.scatter.add.f32 [tilespmem:s20], [sflag:$0x2], $0x80, s28, s23, $0xb8;
	[tilespmem:$0x19000] =	vst v63  }
0x52: {  	_ =	swait.ge [sflag:s21], $0x4000  }
0x53: {  	[sflag:s21] =	ssyncset.done $0x0  }
0x54: {  	[sflag:s21] =	ssyncadd.s32 $0xFFFFC000  }
0x55: {  	[bflag:$0x0] =	sbarrier.arrive $0xFFFF  }
0x56: {  	[tilespmem:s20], [sflag:$0x2] =	stream.linear.gather [spmem:s8], $0x4000, $0x38;
	[tilespmem:$0x19000] =	vst v63  }
0x57: {  	_ =	swait.ge [sflag:s21], $0x4000  }
0x58: {  	[sflag:s21] =	ssyncset.done $0x0  }
0x59: {  	[sflag:s21] =	ssyncadd.s32 $0xFFFFC000  }
0x5a: {  	[hbm4b:s14+s4] =	stream.linear.scatter [tilespmem:s20], [sflag:$0x2], $0x4000, $0x38;
	[tilespmem:$0x19000] =	vst v63  }
0x5b: {  	_ =	swait.ge [sflag:s21], $0x4000  }
0x5c: {  	[sflag:s21] =	ssyncset.done $0x0  }
0x5d: {  	[sflag:s21] =	ssyncadd.s32 $0xFFFFC000  }
0x5e: {  	[tilespmem:s20], [sflag:$0x2] =	stream.linear.gather [spmem:s9], $0x4000, $0x38;
	[tilespmem:$0x19000] =	vst v63  }
0x5f: {  	_ =	swait.ge [sflag:s21], $0x4000  }
0x60: {  	[sflag:s21] =	ssyncset.done $0x0  }
0x61: {  	[sflag:s21] =	ssyncadd.s32 $0xFFFFC000  }
0x62: {  	[hbm4b:s15+s4] =	stream.linear.scatter [tilespmem:s20], [sflag:$0x2], $0x4000, $0x38;
	[tilespmem:$0x19000] =	vst v63  }
0x63: {  	_ =	swait.ge [sflag:s21], $0x4000  }
0x64: {  	[sflag:s21] =	ssyncset.done $0x0  }
0x65: {  	[sflag:s21] =	ssyncadd.s32 $0xFFFFC000  }
0x66: {  	[tilespmem:s20], [sflag:$0x2] =	stream.linear.gather [spmem:s10], $0x4000, $0x38;
	[tilespmem:$0x19000] =	vst v63  }
0x67: {  	_ =	swait.ge [sflag:s21], $0x4000  }
0x68: {  	[sflag:s21] =	ssyncset.done $0x0  }
0x69: {  	[sflag:s21] =	ssyncadd.s32 $0xFFFFC000  }
0x6a: {  	[hbm4b:s16+s4] =	stream.linear.scatter [tilespmem:s20], [sflag:$0x2], $0x4000, $0x38;
	[tilespmem:$0x19000] =	vst v63  }
0x6b: {  	_ =	swait.ge [sflag:s21], $0x4000  }
0x6c: {  	[sflag:s21] =	ssyncset.done $0x0  }
0x6d: {  	[sflag:s21] =	ssyncadd.s32 $0xFFFFC000  }
0x6e: {  	[tilespmem:s20], [sflag:$0x2] =	stream.linear.gather [spmem:s11], $0x4000, $0x38;
	[tilespmem:$0x19000] =	vst v63  }
0x6f: {  	_ =	swait.ge [sflag:s21], $0x4000  }
0x70: {  	[sflag:s21] =	ssyncset.done $0x0  }
0x71: {  	[sflag:s21] =	ssyncadd.s32 $0xFFFFC000  }
0x72: {  	[hbm4b:s17+s4] =	stream.linear.scatter [tilespmem:s20], [sflag:$0x2], $0x4000, $0x38;
	[tilespmem:$0x19000] =	vst v63  }
0x73: {  	_ =	swait.ge [sflag:s21], $0x4000  }
0x74: {  	[sflag:s21] =	ssyncset.done $0x0  }
0x75: {  	[sflag:s21] =	ssyncadd.s32 $0xFFFFC000  }
0x76: {  	[tilespmem:s20], [sflag:$0x2] =	stream.linear.gather [spmem:s12], $0x4000, $0x38;
	[tilespmem:$0x19000] =	vst v63  }
0x77: {  	s25 =	sadd.s32 $0x1, s25;
	_ =	swait.ge [sflag:s21], $0x4000  }
0x78: {  	p0 =	sne.s32 s25, s19;
	[sflag:s21] =	ssyncset.done $0x0  }
.Ltmp2:
0x79: {  	[sflag:s21] =	ssyncadd.s32 $0xFFFFC000;
	(pc) =	sbr.rel @p0 .LBB2_1-.Ltmp2, $4  }
0x7a: {  	[hbm4b:s18+s4] =	stream.linear.scatter [tilespmem:s20], [sflag:$0x2], $0x4000, $0x38;
	[tilespmem:$0x19000] =	vst v63  }
0x7b: {  	_ =	swait.ge [sflag:s21], $0x4000  }
0x7c: {  	[sflag:s21] =	ssyncset.done $0x0  }
0x7d: {  	[sflag:s21] =	ssyncadd.s32 $0xFFFFC000  }
0x7e: {  	_ =	sfence.sel $0x180000  }
0x7f: {  	[bflag:$0x0] =	sbarrier.arrive $0xFFFF  }
0x80: {  	p0 =	sne.s32 s3, $0x0;
	_ =	strace $0x9000004A  }
0x81: {  	s0 =	sadd.s32 @!p0 $0x100000, s0;
	[bflag:$0x2] =	sbarrier.arrive $0xFFFF  }
0x82: {  	[sflag:s0] =	ssyncadd.tile.s32 @!p0 $0x1;
	_ =	shalt  }
.Lfunc_end2:
_tile_overlayer_lowered:
.L_overlay_start_2:
0x83: {  	(tag) =	ssettag $0x2  }
0x84: {  	s0 =	rddreg [dreg:$0x0];
	s2 =	stileid.u32  }
0x85: {  	s1 =	rddreg [dreg:$0x1];
	p0 =	sne.s32 s2, $0x0  }
0x86: {  	s3 =	rddreg [dreg:$0x2];
	[bflag:$0x3] =	sbarrier.arrive $0xFFFF;
	s2 =	simm.s32 @!p0 $0x1C02  }
0x87: {  	[timem:s3], [sflag:s2] =	dma.local @!p0 [hbm:s0], s1  }
0x88: {  	s0 =	simm.s32 @!p0 $0x2  }
0x89: {  	_ =	swait.ge @!p0 [sflag:s0], s1  }
0x8a: {  	s1 =	ssub.s32 @!p0 $0x0, s1;
	[sflag:s0] =	ssyncset.done @!p0 $0x0  }
0x8b: {  	[sflag:s0] =	ssyncadd.s32 @!p0 s1  }
0x8c: {  	[bflag:$0x3] =	sbarrier.arrive $0xFFFF  }
0x8d: {  	_ =	shalt  }

// kernel: kernel.16.cloned.1.call-start
scs
__scs_entry_jumppad:
0x0: {  	(pc) =	sbr.rel $0x88, $3  }
0x1: {  	(tag) =	ssettag $0x0;
	lr =	simm.s32 $0x1  }
0x2: {  	[smem:$0x3F99] =	sst lr;
	_ =	strace $0xD0000000  }
0x3: {  	_ = 	snop  }
0x4: {  	_ = 	snop  }
0x5: {  	_ = 	snop  }
0x6: {  	_ = 	snop  }
0x7: {  	_ = 	snop  }
__scs_overlays_trampoline_lowered:
0x8: {  	[smem:$0x3FA8] =	sst s0  }
0x9: {  	[smem:$0x3FA9] =	sst s1  }
0xa: {  	[smem:$0x3FAA] =	sst s2  }
0xb: {  	[smem:$0x3FAB] =	sst s3  }
0xc: {  	[smem:$0x3FAC] =	sst s4  }
0xd: {  	[smem:$0x3FAD] =	sst s5  }
0xe: {  	[smem:$0x3FAE] =	sst s6  }
0xf: {  	[smem:$0x3FAF] =	sst s7  }
0x10: {  	[smem:$0x3FB0] =	sst s8  }
0x11: {  	[smem:$0x3FB1] =	sst s9;
	s0 =	simm.s32 @!p0 $0x0  }
0x12: {  	s1 =	sld [smem:$0x3F97];
	s0 =	simm.s32 @p0 $0x1  }
0x13: {  	[smem:$0x3FB2] =	sst s0;
	s0 =	simm.s32 @!p1 $0x0  }
0x14: {  	s2 =	sld [smem:$0x3F96];
	s0 =	simm.s32 @p1 $0x1  }
0x15: {  	[smem:$0x3FB3] =	sst s0;
	s0 =	simm.s32 @!p2 $0x0  }
0x16: {  	s3 =	sld [smem:$0x3FDB];
	s0 =	simm.s32 @p2 $0x1  }
0x17: {  	s4 =	simm.s32 $0x1BF5;
	[smem:$0x3FB5] =	sst s0  }
0x18: {  	s0 =	sld [smem:$0x3F98];
	_ =	swait.ge [sflag:s4], $0x0  }
0x19: {  	s7 =	sld [smem:$0x3F99]  }
0x1a: {  	s8 =	sadd.s32 $0xFFFFE003, lr  }
0x1b: {  	s9 =	sadd.s32 $0xFFFFFEF7, lr;
	s5 =	simm.s32 $0xFFFFFFFF;
	p2 =	slt.u32 s8, $0xFFFFF086  }
0x1c: {  	p1 =	slt.u32 s9, $0xF7A;
	s5 =	simm.s32 @!p2 $0x0  }
0x1d: {  	s5 =	simm.s32 @p1 $0x1;
	p0 =	seq.s32 s7, s2  }
0x1e: {  	s7 =	smul.u32 @!p0 $0xF7A, s2;
	p2 =	seq.s32 @!p0 s5, $0x0  }
0x1f: {  	s9 =	smul.u32 $0xF7A, s1;
	s8 =	simm.s32 @!p0 $0x1BF5;
	p2 =	por !p2, p0  }
0x20: {  	[sflag:s8] =	ssyncset.s32 @!p0 $0xFFFFF086;
	s6 =	sadd.s32 @!p0 s3, s7;
	s7 =	simm.s32 @!p0 $0x108  }
0x21: {  	s3 =	sadd.s32 s3, s9;
	s6 =	sadd.s32 @!p0 $0x88, s6;
	s7 =	simm.s32 @p2 $0x1082  }
0x22: {  	[simem:s7], [sflag:s8] =	dma.local @!p0 [hbm:s6], $0xF7A  }
0x23: {  	s9 =	sor.u32 $0xD0000000, s2;
	s6 =	simm.s32 $0x108;
	_ =	swait.ge @!p0 [sflag:s8], $0x0  }
0x24: {  	s3 =	sadd.s32 $0x88, s3;
	s6 =	simm.s32 @!p1 $0x1082;
	[sflag:s4] =	ssyncset.s32 $0xFFFFF086  }
0x25: {  	[simem:s6], [sflag:s4] =	dma.local [hbm:s3], $0xF7A  }
0x26: {  	[smem:$0x3F99] =	sst s1;
	(tag) =	ssettag s2;
	_ =	strace s9  }
0x27: {  	s1 =	sld [smem:$0x3FA9]  }
0x28: {  	s2 =	sld [smem:$0x3FAA]  }
0x29: {  	s4 =	sld [smem:$0x3FAC]  }
0x2a: {  	p0 =	seq.s32 s5, $0x0;
	s5 =	sld [smem:$0x3FAD]  }
0x2b: {  	s6 =	sld [smem:$0x3FAE]  }
0x2c: {  	s7 =	sld [smem:$0x3FAF]  }
0x2d: {  	s3 =	simm.s32 $0x108;
	s8 =	sld [smem:$0x3FB0]  }
0x2e: {  	s3 =	simm.s32 @!p0 $0x1082;
	s9 =	sld [smem:$0x3FB1]  }
0x2f: {  	lr =	sadd.s32 s0, s3;
	s0 =	sld [smem:$0x3FA8]  }
0x30: {  	s3 =	sld [smem:$0x3FAB]  }
0x31: {  	[smem:$0x3FB4] =	sst s10  }
0x32: {  	s10 =	sld [smem:$0x3FB2];
	_ =	sdelay $0x3  }
0x33: {  	p0 =	seq.s32 s10, $0x1;
	s10 =	sld [smem:$0x3FB4];
	_ =	sdelay $0x3  }
0x34: {  	[smem:$0x3FB4] =	sst s10  }
0x35: {  	s10 =	sld [smem:$0x3FB3];
	_ =	sdelay $0x3  }
0x36: {  	p1 =	seq.s32 s10, $0x1;
	s10 =	sld [smem:$0x3FB4];
	_ =	sdelay $0x3  }
0x37: {  	[smem:$0x3FB4] =	sst s10  }
0x38: {  	s10 =	sld [smem:$0x3FB5]  }
0x39: {  	_ = 	snop;
	(pc) =	sbr.ind lr, $3  }
0x3a: {  	_ = 	snop  }
0x3b: {  	_ = 	snop  }
0x3c: {  	p2 =	seq.s32 s10, $0x1;
	s10 =	sld [smem:$0x3FB4]  }
0x3d: {  	_ =	shalt  }
0x3e: {  	_ =	shalt  }
0x3f: {  	_ =	shalt  }
0x40: {  	_ =	shalt  }
0x41: {  	_ =	shalt  }
0x42: {  	_ =	shalt  }
0x43: {  	_ =	shalt  }
0x44: {  	_ =	shalt  }
0x45: {  	_ =	shalt  }
0x46: {  	_ =	shalt  }
0x47: {  	_ =	shalt  }
0x48: {  	_ =	shalt  }
0x49: {  	_ =	shalt  }
0x4a: {  	_ =	shalt  }
0x4b: {  	_ =	shalt  }
0x4c: {  	_ =	shalt  }
0x4d: {  	_ =	shalt  }
0x4e: {  	_ =	shalt  }
0x4f: {  	_ =	shalt  }
0x50: {  	_ =	shalt  }
0x51: {  	_ =	shalt  }
0x52: {  	_ =	shalt  }
0x53: {  	_ =	shalt  }
0x54: {  	_ =	shalt  }
0x55: {  	_ =	shalt  }
0x56: {  	_ =	shalt  }
0x57: {  	_ =	shalt  }
0x58: {  	_ =	shalt  }
0x59: {  	_ =	shalt  }
0x5a: {  	_ =	shalt  }
0x5b: {  	_ =	shalt  }
0x5c: {  	_ =	shalt  }
0x5d: {  	_ =	shalt  }
0x5e: {  	_ =	shalt  }
0x5f: {  	_ =	shalt  }
0x60: {  	_ =	shalt  }
0x61: {  	_ =	shalt  }
0x62: {  	_ =	shalt  }
0x63: {  	_ =	shalt  }
0x64: {  	_ =	shalt  }
0x65: {  	_ =	shalt  }
0x66: {  	_ =	shalt  }
0x67: {  	_ =	shalt  }
0x68: {  	_ =	shalt  }
0x69: {  	_ =	shalt  }
0x6a: {  	_ =	shalt  }
0x6b: {  	_ =	shalt  }
0x6c: {  	_ =	shalt  }
0x6d: {  	_ =	shalt  }
0x6e: {  	_ =	shalt  }
0x6f: {  	_ =	shalt  }
0x70: {  	_ =	shalt  }
0x71: {  	_ =	shalt  }
0x72: {  	_ =	shalt  }
0x73: {  	_ =	shalt  }
0x74: {  	_ =	shalt  }
0x75: {  	_ =	shalt  }
0x76: {  	_ =	shalt  }
0x77: {  	_ =	shalt  }
0x78: {  	_ =	shalt  }
0x79: {  	_ =	shalt  }
0x7a: {  	_ =	shalt  }
0x7b: {  	_ =	shalt  }
0x7c: {  	_ =	shalt  }
0x7d: {  	_ =	shalt  }
0x7e: {  	_ =	shalt  }
0x7f: {  	_ =	shalt  }
0x80: {  	_ =	shalt  }
0x81: {  	_ =	shalt  }
0x82: {  	_ =	shalt  }
0x83: {  	_ =	shalt  }
0x84: {  	_ =	shalt  }
0x85: {  	_ =	shalt  }
0x86: {  	_ =	shalt  }
0x87: {  	_ =	shalt  }
.Lfunc_end0:
.L_simem_size_0:
called_computation.2_lowered:
.L_overlay_start_0:
0x88: {  	s2 =	sld [smem:$0x3FD9]  }
0x89: {  	s3 =	sld [smem:$0x3FFE];
	_ =	sdelay $0x1  }
0x8a: {  	s1 =	srdreg.scid  }
0x8b: {  	s0 =	sand.u32 $0x1, s1  }
0x8c: {  	s14 =	sshll.u32 s0, $0xA;
	s2 =	sadd.s32 s3, s2  }
0x8d: {  	s2 =	sadd.s32 s2, s14  }
0x8e: {  	[smem:$0x3FC0] =	sst s2  }
0x8f: {  	_ = 	snop  }
0x90: {  	s2 =	sld [smem:$0x3FD0];
	_ =	sdelay $0x2  }
0x91: {  	s15 =	simm.s32 $0xA;
	s4 =	simm.s32 $0x10  }
0x92: {  	[smem:s4], [sflag:s15] =	dma.local [hbm:s2], $0x1  }
0x93: {  	_ =	swait.eq [sflag:s15], $0x1  }
0x94: {  	[sflag:s15] =	ssyncset.done $0x0  }
0x95: {  	s16 =	sld [smem:$0x10];
	[sflag:s15] =	ssyncadd.s32 $0xFFFFFFFF  }
0x96: {  	s17 =	sld [smem:$0x12];
	(tm) =	ssettm $0x1  }
0x97: {  	s18 =	sld [smem:$0x3FFB];
	_ =	sdelay $0x3  }
0x98: {  	_ =	strace s18  }
0x99: {  	s4 =	sld [smem:$0x3FFC];
	_ =	sdelay $0x3  }
0x9a: {  	_ =	strace s4  }
0x9b: {  	s4 =	sld [smem:$0x3FFD];
	_ =	sdelay $0x3  }
0x9c: {  	_ =	strace s4  }
0x9d: {  	_ =	strace $0x8FFFFFFF  }
0x9e: {  	s19 =	sld [smem:$0x3FDB];
	_ =	sdelay $0x1  }
0x9f: {  	s5 =	simm.s32 $_scs_section_size  }
0xa0: {  	s6 =	simm.s32 $_size__tile_overlayer_lowered;
	s7 =	simm.s32 $_tile_overlayer_lowered  }
0xa1: {  	s22 =	simm.s32 $0x1BFF;
	s21 =	sshll.u32 s7, $0x1;
	s4 =	sadd.s32 s5, s19  }
0xa2: {  	s8 =	simm.s32 $0x0;
	s20 =	sshll.u32 s6, $0x1;
	s6 =	sadd.s32 s21, s4  }
0xa3: {  	[timem:s8], [sflag:s22] =	dma.local [hbm:s6], s20  }
0xa4: {  	_ =	swait.ge [sflag:s22], s20  }
0xa5: {  	s5 =	ssub.s32 $0x0, s20;
	[sflag:s22] =	ssyncset.done $0x0  }
0xa6: {  	[sflag:s22] =	ssyncadd.s32 s5;
	_ =	sdelay $0x1  }
0xa7: {  	s23 =	simm.s32 $0x1B8B  }
0xa8: {  	_ =	swait.ge [sflag:s23], $0x1  }
0xa9: {  	[sflag:s23] =	ssyncset.done $0x0  }
0xaa: {  	s25 =	simm.s32 $0x1B8E;
	s24 =	sld [smem:$0x3FFE];
	[sflag:s23] =	ssyncadd.s32 $0xFFFFFFFF  }
0xab: {  	s26 =	simm.s32 $execute0_lowered;
	[smem:$0x3FD2] =	sst s25  }
0xac: {  	s6 =	sshll.u32 s26, $0x1;
	_ =	strace $0x8000004C;
	[dreg:$0x1] =	wrdreg $0xFFFFFFFF  }
0xad: {  	s28 =	simm.s32 $_size_execute0_lowered;
	s4 =	sadd.s32 s4, s6;
	[dreg:$0x0] =	wrdreg $0x0  }
0xae: {  	s6 =	sshll.u32 s28, $0x1;
	[dreg:$0x2] =	wrdreg s4  }
0xaf: {  	[dreg:$0x3] =	wrdreg s6  }
0xb0: {  	[dreg:$0x4] =	wrdreg $0xC0  }
0xb1: {  	_ =	task [dreg:s8], $0x5FFFF  }
0xb2: {  	[dreg:$0x1] =	wrdreg $0xFFFFFFFF  }
0xb3: {  	[dreg:$0x0] =	wrdreg $0x60  }
0xb4: {  	[dreg:$0x2] =	wrdreg s16  }
0xb5: {  	[dreg:$0x3] =	wrdreg s17  }
0xb6: {  	[dreg:$0x4] =	wrdreg s24  }
0xb7: {  	[dreg:$0x5] =	wrdreg $0x50000  }
0xb8: {  	[dreg:$0x6] =	wrdreg $0x9  }
0xb9: {  	_ =	task.clear_ibuf [dreg:s8], $0x7FFFF;
	_ =	strace $0x9000004C  }
0xba: {  	s29 =	simm.s32 $0x9;
	_ =	strace $0x8000004E  }
0xbb: {  	_ =	swait.ge [sflag:s29], $0x1  }
0xbc: {  	[sflag:s29] =	ssyncadd.s32 $0xFFFFFFFF  }
0xbd: {  	_ =	strace $0x9000004E  }
0xbe: {  	_ =	sfence  }
0xbf: {  	s30 =	sld [smem:$0x0];
	_ =	sdelay $0x2  }
0xc0: {  	s31 =	sshll.u32 s1, $0xD;
	s1 =	sshrl.u32 s1, $0x2  }
0xc1: {  	s3 =	sand.u32 $0x4000, s31;
	s1 =	sadd.s32 s1, s30  }
0xc2: {  	s0 =	sor.u32 s3, s0;
	s1 =	sshll.u32 s1, $0x11  }
0xc3: {  	s0 =	sor.u32 s1, s0  }
0xc4: {  	s0 =	sadd.s32 $0x8F2B, s0  }
0xc5: {  	[sflag:s0] =	ssyncadd.remote.s32 $0x1  }
0xc6: {  	_ =	sfence.sel $0xFFFF  }
0xc7: {  	[dreg:$0x0] =	wrdreg $0xFFFFFFFF;
	(pc) =	sbr.abs _section_cstart, $3  }
0xc8: {  	[dreg:$0x1] =	wrdreg $0xFFFFFFFF  }
0xc9: {  	_ =	task.clear_ibuf [dreg:s8], $0x2FFFF;
	_ =	strace $0x9FFFFFFF  }
0xca: {  	(tm) =	ssettm $0x7FFFFFFF  }
0xcb: {  	_ =	shalt  }
tec
execute0_lowered:
.L_overlay_start_1:
0x0: {  	(tag) =	ssettag $0x1  }
0x1: {  	s1 =	rddreg [dreg:$0x0]  }
0x2: {  	s2 =	rddreg [dreg:$0x1]  }
0x3: {  	s8 =	rddreg [dreg:$0x2]  }
0x4: {  	s3 =	rddreg [dreg:$0x3]  }
0x5: {  	s5 =	simm.s32 $0x0;
	s6 =	srdreg.scid;
	s4 =	stileid.u32  }
0x6: {  	s24 =	simm.s32 $0x80;
	[smem:$0x7FF] =	sst s5;
	s14 =	smul.u32 $0x280, s4  }
0x7: {  	s11 =	sand.u32 $0x1, s6;
	s6 =	sadd.s32 $0xDE00, s8;
	s12 =	smul.u32 $0x50000, s4  }
0x8: {  	s7 =	sadd.s32 $0x17E00, s8;
	s19 =	sadd.s32 $0xB8600, s8;
	s16 =	smul.u32 $0xA00, s11  }
0x9: {  	_ =	strace $0x8000004D;
	s9 =	ssub.s32 $0x2, s11;
	s22 =	smul.u32 $0x2800, s11  }
0xa: {  	s10 =	sshrl.u32 s9, $0x1;
	s15 =	sadd.s32 $0x80, s14;
	s25 =	sshrl.u32 s12, $0x2  }
0xb: {  	s17 =	sadd.s32 $0x100, s14;
	s18 =	sadd.s32 $0x180, s14;
	s21 =	sadd.s32 $0x200, s14  }
0xc: {  	s12 =	smul.u32 $0xA0, s4;
	s20 =	ssub.s32 s9, s10;
	s26 =	sshll.u32 s15, $0x7  }
0xd: {  	s8 =	sadd.s32 s25, s3;
	s28 =	sshll.u32 s17, $0x7;
	s29 =	sshll.u32 s18, $0x7  }
0xe: {  	s13 =	sshll.u32 s21, $0x7;
	s23 =	sadd.s32 s14, s22;
	s15 =	sadd.s32 s22, s15  }
0xf: {  	s17 =	sadd.s32 s22, s17;
	s18 =	sadd.s32 s22, s18;
	s21 =	sadd.s32 s22, s21  }
0x10: {  	s22 =	simm.s32 $0x2;
	s25 =	simm.s32 $0x1;
	s9 =	sadd.s32 s26, s3  }
0x11: {  	s10 =	sadd.s32 s28, s3;
	s11 =	sadd.s32 s29, s3;
	s13 =	sadd.s32 s13, s3  }
0x12: {  	s14 =	sadd.s32 s12, s16;
	s30 =	sshll.u32 s23, $0x4;
	s31 =	sshll.u32 s15, $0x4  }
0x13: {  	s17 =	sshll.u32 s17, $0x4;
	s18 =	sshll.u32 s18, $0x4;
	s21 =	sshll.u32 s21, $0x4  }
0x14: {  	s20 =	smax.u32 s20, $0x1;
	s23 =	simm.s32 $0x800;
	s26 =	simm.s32 $0x0  }
0x15: {  	s15 =	sadd.s32 s19, s30;
	s16 =	sadd.s32 s19, s31;
	s17 =	sadd.s32 s19, s17  }
0x16: {  	s18 =	sadd.s32 s19, s18;
	s19 =	sadd.s32 s19, s21;
	s21 =	simm.s32 $0x1000  }
.LBB2_1:
0x17: {  	[tilespmem:s21], [sflag:$0x2] =	stream.linear.gather [hbm4b:s7+s5], $0x4000, $0x38;
	[tilespmem:$0x19000] =	vst v63  }
0x18: {  	_ =	swait.ge [sflag:s22], $0x4000  }
0x19: {  	[sflag:s22] =	ssyncset.done $0x0  }
0x1a: {  	[sflag:s22] =	ssyncadd.s32 $0xFFFFC000  }
0x1b: {  	[spmem:s8] =	stream.linear.scatter [tilespmem:s21], [sflag:$0x2], $0x4000, $0x38;
	[tilespmem:$0x19000] =	vst v63  }
0x1c: {  	_ =	swait.ge [sflag:s22], $0x4000  }
0x1d: {  	[sflag:s22] =	ssyncset.done $0x0  }
0x1e: {  	[sflag:s22] =	ssyncadd.s32 $0xFFFFC000  }
0x1f: {  	[spmem:s9] =	stream.linear.scatter [tilespmem:s21], [sflag:$0x2], $0x4000, $0x38;
	[tilespmem:$0x19000] =	vst v63  }
0x20: {  	_ =	swait.ge [sflag:s22], $0x4000  }
0x21: {  	[sflag:s22] =	ssyncset.done $0x0  }
0x22: {  	[sflag:s22] =	ssyncadd.s32 $0xFFFFC000  }
0x23: {  	[spmem:s10] =	stream.linear.scatter [tilespmem:s21], [sflag:$0x2], $0x4000, $0x38;
	[tilespmem:$0x19000] =	vst v63  }
0x24: {  	_ =	swait.ge [sflag:s22], $0x4000  }
0x25: {  	[sflag:s22] =	ssyncset.done $0x0  }
0x26: {  	[sflag:s22] =	ssyncadd.s32 $0xFFFFC000  }
0x27: {  	[spmem:s11] =	stream.linear.scatter [tilespmem:s21], [sflag:$0x2], $0x4000, $0x38;
	[tilespmem:$0x19000] =	vst v63  }
0x28: {  	_ =	swait.ge [sflag:s22], $0x4000  }
0x29: {  	[sflag:s22] =	ssyncset.done $0x0  }
0x2a: {  	[sflag:s22] =	ssyncadd.s32 $0xFFFFC000  }
0x2b: {  	[spmem:s13] =	stream.linear.scatter [tilespmem:s21], [sflag:$0x2], $0x4000, $0x38;
	[tilespmem:$0x19000] =	vst v63  }
0x2c: {  	_ =	swait.ge [sflag:s22], $0x4000  }
0x2d: {  	[sflag:s22] =	ssyncset.done $0x0  }
0x2e: {  	[sflag:s22] =	ssyncadd.s32 $0xFFFFC000  }
0x2f: {  	s28 =	simm.s32 $0x0;
	[bflag:$0x0] =	sbarrier.arrive $0xFFFF  }
.LBB2_2:
0x30: {  	s29 =	sshll.u32 s28, $0x4  }
0x31: {  	s30 =	sadd.s32 s29, s14  }
0x32: {  	s30 =	sshll.u32 s30, $0x4  }
0x33: {  	s31 =	simm.s32 $0x0;
	s30 =	sadd.s32 s2, s30  }
0x34: {  	[tilespmem:s31], [sflag:$0x2] =	stream.linear.gather [hbm4b:s30+s31], $0x800, $0x38;
	[tilespmem:$0x19000] =	vst v63  }
0x35: {  	s29 =	sadd.s32 s12, s29;
	_ =	swait.ge [sflag:s22], $0x800  }
0x36: {  	s29 =	sshll.u32 s29, $0x4;
	[sflag:s22] =	ssyncset.done $0x0  }
0x37: {  	s29 =	sadd.s32 s6, s29;
	[sflag:s22] =	ssyncadd.s32 $0xFFFFF800  }
0x38: {  	[tilespmem:s23], [sflag:$0x2] =	stream.linear.gather [hbm4b:s29+s31], $0x800, $0x38;
	[tilespmem:$0x19000] =	vst v63  }
0x39: {  	_ =	swait.ge [sflag:s22], $0x800  }
0x3a: {  	[sflag:s22] =	ssyncset.done $0x0  }
0x3b: {  	s29 =	simm.s32 $0x0;
	[sflag:s22] =	ssyncadd.s32 $0xFFFFF800  }
0x3c: {  	[tilespmem:s21], [sflag:$0x1] =	stream.indirect.gather [hbm4b:s1+s24], $0x80, s29, s24, $0xb8;
	[tilespmem:$0x19000] =	vst v63  }
0x3d: {  	_ =	swait.ge [sflag:s25], $0x4000  }
0x3e: {  	[sflag:s25] =	ssyncset.done $0x0  }
0x3f: {  	s29 =	simm.s32 $0x800;
	[sflag:s25] =	ssyncadd.s32 $0xFFFFC000  }
0x40: {  	[spmem:s3] =	stream.indirect.scatter.add.f32 [tilespmem:s21], [sflag:$0x2], $0x80, s29, s24, $0xb8;
	[tilespmem:$0x19000] =	vst v63  }
0x41: {  	_ =	swait.ge [sflag:s22], $0x4000  }
0x42: {  	s30 =	simm.s32 $0x400;
	s29 =	simm.s32 $0x200;
	[sflag:s22] =	ssyncset.done $0x0  }
.LBB2_3:
0x43: {  	s31 =	sshra.s32 s29, $0x2  }
0x44: {  	[sflag:s22] =	ssyncadd.s32 $0xFFFFC000;
	s29 =	smov.u32 s30;
	s0 =	sadd.s32 $0x200, s30  }
0x45: {  	[tilespmem:s21], [sflag:$0x1] =	stream.indirect.gather [hbm4b:s1+s24], $0x80, s31, s24, $0xb8;
	[tilespmem:$0x19000] =	vst v63  }
0x46: {  	p0 =	sne.s32 s30, $0x1E00;
	_ =	swait.ge [sflag:s25], $0x4000  }
.Ltmp0:
0x47: {  	[sflag:s25] =	ssyncset.done $0x0;
	(pc) =	sbr.rel @p0 .LBB2_3-.Ltmp0, $4  }
0x48: {  	s30 =	sadd.s32 $0x800, s31;
	[sflag:s25] =	ssyncadd.s32 $0xFFFFC000  }
0x49: {  	[spmem:s3] =	stream.indirect.scatter.add.f32 [tilespmem:s21], [sflag:$0x2], $0x80, s30, s24, $0xb8;
	[tilespmem:$0x19000] =	vst v63  }
0x4a: {  	_ =	swait.ge [sflag:s22], $0x4000  }
0x4b: {  	s30 =	smov.u32 s0;
	[sflag:s22] =	ssyncset.done $0x0  }
0x4c: {  	s0 =	sshra.s32 s29, $0x2;
	[sflag:s22] =	ssyncadd.s32 $0xFFFFC000  }
0x4d: {  	[tilespmem:s21], [sflag:$0x1] =	stream.indirect.gather [hbm4b:s1+s24], $0x80, s0, s24, $0xb8;
	[tilespmem:$0x19000] =	vst v63  }
0x4e: {  	s28 =	sadd.s32 $0x1, s28;
	_ =	swait.ge [sflag:s25], $0x4000  }
0x4f: {  	p0 =	sne.s32 s28, $0xA;
	[sflag:s25] =	ssyncset.done $0x0  }
.Ltmp1:
0x50: {  	s0 =	sadd.s32 $0x800, s0;
	[sflag:s25] =	ssyncadd.s32 $0xFFFFC000;
	(pc) =	sbr.rel @p0 .LBB2_2-.Ltmp1, $4  }
0x51: {  	[spmem:s3] =	stream.indirect.scatter.add.f32 [tilespmem:s21], [sflag:$0x2], $0x80, s0, s24, $0xb8;
	[tilespmem:$0x19000] =	vst v63  }
0x52: {  	_ =	swait.ge [sflag:s22], $0x4000  }
0x53: {  	[sflag:s22] =	ssyncset.done $0x0  }
0x54: {  	[sflag:s22] =	ssyncadd.s32 $0xFFFFC000  }
0x55: {  	[bflag:$0x0] =	sbarrier.arrive $0xFFFF  }
0x56: {  	[tilespmem:s21], [sflag:$0x2] =	stream.linear.gather [spmem:s8], $0x4000, $0x38;
	[tilespmem:$0x19000] =	vst v63  }
0x57: {  	_ =	swait.ge [sflag:s22], $0x4000  }
0x58: {  	[sflag:s22] =	ssyncset.done $0x0  }
0x59: {  	[sflag:s22] =	ssyncadd.s32 $0xFFFFC000  }
0x5a: {  	[hbm4b:s15+s5] =	stream.linear.scatter [tilespmem:s21], [sflag:$0x2], $0x4000, $0x38;
	[tilespmem:$0x19000] =	vst v63  }
0x5b: {  	_ =	swait.ge [sflag:s22], $0x4000  }
0x5c: {  	[sflag:s22] =	ssyncset.done $0x0  }
0x5d: {  	[sflag:s22] =	ssyncadd.s32 $0xFFFFC000  }
0x5e: {  	[tilespmem:s21], [sflag:$0x2] =	stream.linear.gather [spmem:s9], $0x4000, $0x38;
	[tilespmem:$0x19000] =	vst v63  }
0x5f: {  	_ =	swait.ge [sflag:s22], $0x4000  }
0x60: {  	[sflag:s22] =	ssyncset.done $0x0  }
0x61: {  	[sflag:s22] =	ssyncadd.s32 $0xFFFFC000  }
0x62: {  	[hbm4b:s16+s5] =	stream.linear.scatter [tilespmem:s21], [sflag:$0x2], $0x4000, $0x38;
	[tilespmem:$0x19000] =	vst v63  }
0x63: {  	_ =	swait.ge [sflag:s22], $0x4000  }
0x64: {  	[sflag:s22] =	ssyncset.done $0x0  }
0x65: {  	[sflag:s22] =	ssyncadd.s32 $0xFFFFC000  }
0x66: {  	[tilespmem:s21], [sflag:$0x2] =	stream.linear.gather [spmem:s10], $0x4000, $0x38;
	[tilespmem:$0x19000] =	vst v63  }
0x67: {  	_ =	swait.ge [sflag:s22], $0x4000  }
0x68: {  	[sflag:s22] =	ssyncset.done $0x0  }
0x69: {  	[sflag:s22] =	ssyncadd.s32 $0xFFFFC000  }
0x6a: {  	[hbm4b:s17+s5] =	stream.linear.scatter [tilespmem:s21], [sflag:$0x2], $0x4000, $0x38;
	[tilespmem:$0x19000] =	vst v63  }
0x6b: {  	_ =	swait.ge [sflag:s22], $0x4000  }
0x6c: {  	[sflag:s22] =	ssyncset.done $0x0  }
0x6d: {  	[sflag:s22] =	ssyncadd.s32 $0xFFFFC000  }
0x6e: {  	[tilespmem:s21], [sflag:$0x2] =	stream.linear.gather [spmem:s11], $0x4000, $0x38;
	[tilespmem:$0x19000] =	vst v63  }
0x6f: {  	_ =	swait.ge [sflag:s22], $0x4000  }
0x70: {  	[sflag:s22] =	ssyncset.done $0x0  }
0x71: {  	[sflag:s22] =	ssyncadd.s32 $0xFFFFC000  }
0x72: {  	[hbm4b:s18+s5] =	stream.linear.scatter [tilespmem:s21], [sflag:$0x2], $0x4000, $0x38;
	[tilespmem:$0x19000] =	vst v63  }
0x73: {  	_ =	swait.ge [sflag:s22], $0x4000  }
0x74: {  	[sflag:s22] =	ssyncset.done $0x0  }
0x75: {  	[sflag:s22] =	ssyncadd.s32 $0xFFFFC000  }
0x76: {  	[tilespmem:s21], [sflag:$0x2] =	stream.linear.gather [spmem:s13], $0x4000, $0x38;
	[tilespmem:$0x19000] =	vst v63  }
0x77: {  	s26 =	sadd.s32 $0x1, s26;
	_ =	swait.ge [sflag:s22], $0x4000  }
0x78: {  	p0 =	sne.s32 s26, s20;
	[sflag:s22] =	ssyncset.done $0x0  }
.Ltmp2:
0x79: {  	[sflag:s22] =	ssyncadd.s32 $0xFFFFC000;
	(pc) =	sbr.rel @p0 .LBB2_1-.Ltmp2, $4  }
0x7a: {  	[hbm4b:s19+s5] =	stream.linear.scatter [tilespmem:s21], [sflag:$0x2], $0x4000, $0x38;
	[tilespmem:$0x19000] =	vst v63  }
0x7b: {  	_ =	swait.ge [sflag:s22], $0x4000  }
0x7c: {  	[sflag:s22] =	ssyncset.done $0x0  }
0x7d: {  	[sflag:s22] =	ssyncadd.s32 $0xFFFFC000  }
0x7e: {  	_ =	sfence.sel $0x180000  }
0x7f: {  	[bflag:$0x0] =	sbarrier.arrive $0xFFFF  }
0x80: {  	_ =	strace $0x9000004D  }
0x81: {  	[bflag:$0x2] =	sbarrier.arrive $0xFFFF  }
0x82: {  	p0 =	sne.s32 s4, $0x0;
	s0 =	rddreg [dreg:$0x4]  }
0x83: {  	s0 =	sadd.s32 @!p0 $0x100000, s0  }
0x84: {  	[sflag:s0] =	ssyncadd.tile.s32 @!p0 $0x1;
	_ =	shalt  }
.Lfunc_end2:
_tile_overlayer_lowered:
.L_overlay_start_2:
0x85: {  	(tag) =	ssettag $0x2  }
0x86: {  	s0 =	rddreg [dreg:$0x0];
	s2 =	stileid.u32  }
0x87: {  	s1 =	rddreg [dreg:$0x1];
	p0 =	sne.s32 s2, $0x0  }
0x88: {  	s3 =	rddreg [dreg:$0x2];
	[bflag:$0x3] =	sbarrier.arrive $0xFFFF;
	s2 =	simm.s32 @!p0 $0x1C02  }
0x89: {  	[timem:s3], [sflag:s2] =	dma.local @!p0 [hbm:s0], s1  }
0x8a: {  	s0 =	simm.s32 @!p0 $0x2  }
0x8b: {  	_ =	swait.ge @!p0 [sflag:s0], s1  }
0x8c: {  	s1 =	ssub.s32 @!p0 $0x0, s1;
	[sflag:s0] =	ssyncset.done @!p0 $0x0  }
0x8d: {  	[sflag:s0] =	ssyncadd.s32 @!p0 s1  }
0x8e: {  	[bflag:$0x3] =	sbarrier.arrive $0xFFFF  }
0x8f: {  	_ =	shalt  }

// kernel: kernel.19.cloned.1.call-start
scs
__scs_entry_jumppad:
0x0: {  	(pc) =	sbr.rel $0x88, $3  }
0x1: {  	(tag) =	ssettag $0x0;
	lr =	simm.s32 $0x1  }
0x2: {  	[smem:$0x3F99] =	sst lr;
	_ =	strace $0xD0000000  }
0x3: {  	_ = 	snop  }
0x4: {  	_ = 	snop  }
0x5: {  	_ = 	snop  }
0x6: {  	_ = 	snop  }
0x7: {  	_ = 	snop  }
__scs_overlays_trampoline_lowered:
0x8: {  	[smem:$0x3FA8] =	sst s0  }
0x9: {  	[smem:$0x3FA9] =	sst s1  }
0xa: {  	[smem:$0x3FAA] =	sst s2  }
0xb: {  	[smem:$0x3FAB] =	sst s3  }
0xc: {  	[smem:$0x3FAC] =	sst s4  }
0xd: {  	[smem:$0x3FAD] =	sst s5  }
0xe: {  	[smem:$0x3FAE] =	sst s6  }
0xf: {  	[smem:$0x3FAF] =	sst s7  }
0x10: {  	[smem:$0x3FB0] =	sst s8  }
0x11: {  	[smem:$0x3FB1] =	sst s9;
	s0 =	simm.s32 @!p0 $0x0  }
0x12: {  	s1 =	sld [smem:$0x3F97];
	s0 =	simm.s32 @p0 $0x1  }
0x13: {  	[smem:$0x3FB2] =	sst s0;
	s0 =	simm.s32 @!p1 $0x0  }
0x14: {  	s2 =	sld [smem:$0x3F96];
	s0 =	simm.s32 @p1 $0x1  }
0x15: {  	[smem:$0x3FB3] =	sst s0;
	s0 =	simm.s32 @!p2 $0x0  }
0x16: {  	s3 =	sld [smem:$0x3FDB];
	s0 =	simm.s32 @p2 $0x1  }
0x17: {  	s4 =	simm.s32 $0x1BF5;
	[smem:$0x3FB5] =	sst s0  }
0x18: {  	s0 =	sld [smem:$0x3F98];
	_ =	swait.ge [sflag:s4], $0x0  }
0x19: {  	s7 =	sld [smem:$0x3F99]  }
0x1a: {  	s8 =	sadd.s32 $0xFFFFE003, lr  }
0x1b: {  	s9 =	sadd.s32 $0xFFFFFEF7, lr;
	s5 =	simm.s32 $0xFFFFFFFF;
	p2 =	slt.u32 s8, $0xFFFFF086  }
0x1c: {  	p1 =	slt.u32 s9, $0xF7A;
	s5 =	simm.s32 @!p2 $0x0  }
0x1d: {  	s5 =	simm.s32 @p1 $0x1;
	p0 =	seq.s32 s7, s2  }
0x1e: {  	s7 =	smul.u32 @!p0 $0xF7A, s2;
	p2 =	seq.s32 @!p0 s5, $0x0  }
0x1f: {  	s9 =	smul.u32 $0xF7A, s1;
	s8 =	simm.s32 @!p0 $0x1BF5;
	p2 =	por !p2, p0  }
0x20: {  	[sflag:s8] =	ssyncset.s32 @!p0 $0xFFFFF086;
	s6 =	sadd.s32 @!p0 s3, s7;
	s7 =	simm.s32 @!p0 $0x108  }
0x21: {  	s3 =	sadd.s32 s3, s9;
	s6 =	sadd.s32 @!p0 $0x88, s6;
	s7 =	simm.s32 @p2 $0x1082  }
0x22: {  	[simem:s7], [sflag:s8] =	dma.local @!p0 [hbm:s6], $0xF7A  }
0x23: {  	s9 =	sor.u32 $0xD0000000, s2;
	s6 =	simm.s32 $0x108;
	_ =	swait.ge @!p0 [sflag:s8], $0x0  }
0x24: {  	s3 =	sadd.s32 $0x88, s3;
	s6 =	simm.s32 @!p1 $0x1082;
	[sflag:s4] =	ssyncset.s32 $0xFFFFF086  }
0x25: {  	[simem:s6], [sflag:s4] =	dma.local [hbm:s3], $0xF7A  }
0x26: {  	[smem:$0x3F99] =	sst s1;
	(tag) =	ssettag s2;
	_ =	strace s9  }
0x27: {  	s1 =	sld [smem:$0x3FA9]  }
0x28: {  	s2 =	sld [smem:$0x3FAA]  }
0x29: {  	s4 =	sld [smem:$0x3FAC]  }
0x2a: {  	p0 =	seq.s32 s5, $0x0;
	s5 =	sld [smem:$0x3FAD]  }
0x2b: {  	s6 =	sld [smem:$0x3FAE]  }
0x2c: {  	s7 =	sld [smem:$0x3FAF]  }
0x2d: {  	s3 =	simm.s32 $0x108;
	s8 =	sld [smem:$0x3FB0]  }
0x2e: {  	s3 =	simm.s32 @!p0 $0x1082;
	s9 =	sld [smem:$0x3FB1]  }
0x2f: {  	lr =	sadd.s32 s0, s3;
	s0 =	sld [smem:$0x3FA8]  }
0x30: {  	s3 =	sld [smem:$0x3FAB]  }
0x31: {  	[smem:$0x3FB4] =	sst s10  }
0x32: {  	s10 =	sld [smem:$0x3FB2];
	_ =	sdelay $0x3  }
0x33: {  	p0 =	seq.s32 s10, $0x1;
	s10 =	sld [smem:$0x3FB4];
	_ =	sdelay $0x3  }
0x34: {  	[smem:$0x3FB4] =	sst s10  }
0x35: {  	s10 =	sld [smem:$0x3FB3];
	_ =	sdelay $0x3  }
0x36: {  	p1 =	seq.s32 s10, $0x1;
	s10 =	sld [smem:$0x3FB4];
	_ =	sdelay $0x3  }
0x37: {  	[smem:$0x3FB4] =	sst s10  }
0x38: {  	s10 =	sld [smem:$0x3FB5]  }
0x39: {  	_ = 	snop;
	(pc) =	sbr.ind lr, $3  }
0x3a: {  	_ = 	snop  }
0x3b: {  	_ = 	snop  }
0x3c: {  	p2 =	seq.s32 s10, $0x1;
	s10 =	sld [smem:$0x3FB4]  }
0x3d: {  	_ =	shalt  }
0x3e: {  	_ =	shalt  }
0x3f: {  	_ =	shalt  }
0x40: {  	_ =	shalt  }
0x41: {  	_ =	shalt  }
0x42: {  	_ =	shalt  }
0x43: {  	_ =	shalt  }
0x44: {  	_ =	shalt  }
0x45: {  	_ =	shalt  }
0x46: {  	_ =	shalt  }
0x47: {  	_ =	shalt  }
0x48: {  	_ =	shalt  }
0x49: {  	_ =	shalt  }
0x4a: {  	_ =	shalt  }
0x4b: {  	_ =	shalt  }
0x4c: {  	_ =	shalt  }
0x4d: {  	_ =	shalt  }
0x4e: {  	_ =	shalt  }
0x4f: {  	_ =	shalt  }
0x50: {  	_ =	shalt  }
0x51: {  	_ =	shalt  }
0x52: {  	_ =	shalt  }
0x53: {  	_ =	shalt  }
0x54: {  	_ =	shalt  }
0x55: {  	_ =	shalt  }
0x56: {  	_ =	shalt  }
0x57: {  	_ =	shalt  }
0x58: {  	_ =	shalt  }
0x59: {  	_ =	shalt  }
0x5a: {  	_ =	shalt  }
0x5b: {  	_ =	shalt  }
0x5c: {  	_ =	shalt  }
0x5d: {  	_ =	shalt  }
0x5e: {  	_ =	shalt  }
0x5f: {  	_ =	shalt  }
0x60: {  	_ =	shalt  }
0x61: {  	_ =	shalt  }
0x62: {  	_ =	shalt  }
0x63: {  	_ =	shalt  }
0x64: {  	_ =	shalt  }
0x65: {  	_ =	shalt  }
0x66: {  	_ =	shalt  }
0x67: {  	_ =	shalt  }
0x68: {  	_ =	shalt  }
0x69: {  	_ =	shalt  }
0x6a: {  	_ =	shalt  }
0x6b: {  	_ =	shalt  }
0x6c: {  	_ =	shalt  }
0x6d: {  	_ =	shalt  }
0x6e: {  	_ =	shalt  }
0x6f: {  	_ =	shalt  }
0x70: {  	_ =	shalt  }
0x71: {  	_ =	shalt  }
0x72: {  	_ =	shalt  }
0x73: {  	_ =	shalt  }
0x74: {  	_ =	shalt  }
0x75: {  	_ =	shalt  }
0x76: {  	_ =	shalt  }
0x77: {  	_ =	shalt  }
0x78: {  	_ =	shalt  }
0x79: {  	_ =	shalt  }
0x7a: {  	_ =	shalt  }
0x7b: {  	_ =	shalt  }
0x7c: {  	_ =	shalt  }
0x7d: {  	_ =	shalt  }
0x7e: {  	_ =	shalt  }
0x7f: {  	_ =	shalt  }
0x80: {  	_ =	shalt  }
0x81: {  	_ =	shalt  }
0x82: {  	_ =	shalt  }
0x83: {  	_ =	shalt  }
0x84: {  	_ =	shalt  }
0x85: {  	_ =	shalt  }
0x86: {  	_ =	shalt  }
0x87: {  	_ =	shalt  }
.Lfunc_end0:
.L_simem_size_0:
called_computation.3_lowered:
.L_overlay_start_0:
0x88: {  	s2 =	sld [smem:$0x3FD9]  }
0x89: {  	s3 =	sld [smem:$0x3FFE];
	_ =	sdelay $0x1  }
0x8a: {  	s1 =	srdreg.scid  }
0x8b: {  	s0 =	sand.u32 $0x1, s1  }
0x8c: {  	s16 =	sshll.u32 s0, $0xA;
	s2 =	sadd.s32 s3, s2  }
0x8d: {  	s2 =	sadd.s32 s2, s16  }
0x8e: {  	[smem:$0x3FC0] =	sst s2  }
0x8f: {  	_ = 	snop  }
0x90: {  	(tm) =	ssettm $0x1  }
0x91: {  	s17 =	sld [smem:$0x3FFB];
	_ =	sdelay $0x3  }
0x92: {  	_ =	strace s17  }
0x93: {  	s2 =	sld [smem:$0x3FFC];
	_ =	sdelay $0x3  }
0x94: {  	_ =	strace s2  }
0x95: {  	s2 =	sld [smem:$0x3FFD];
	_ =	sdelay $0x3  }
0x96: {  	_ =	strace s2  }
0x97: {  	_ =	strace $0x8FFFFFFF  }
0x98: {  	s18 =	sld [smem:$0x3FDB];
	_ =	sdelay $0x1  }
0x99: {  	s19 =	simm.s32 $_scs_section_size  }
0x9a: {  	s4 =	simm.s32 $_size__tile_overlayer_lowered;
	s5 =	simm.s32 $_tile_overlayer_lowered  }
0x9b: {  	s22 =	simm.s32 $0x1BFF;
	s21 =	sshll.u32 s5, $0x1;
	s2 =	sadd.s32 s19, s18  }
0x9c: {  	s6 =	simm.s32 $0x0;
	s20 =	sshll.u32 s4, $0x1;
	s4 =	sadd.s32 s21, s2  }
0x9d: {  	[timem:s6], [sflag:s22] =	dma.local [hbm:s4], s20  }
0x9e: {  	_ =	swait.ge [sflag:s22], s20  }
0x9f: {  	s3 =	ssub.s32 $0x0, s20;
	[sflag:s22] =	ssyncset.done $0x0  }
0xa0: {  	[sflag:s22] =	ssyncadd.s32 s3;
	_ =	sdelay $0x1  }
0xa1: {  	s23 =	simm.s32 $0x1B8B  }
0xa2: {  	_ =	swait.ge [sflag:s23], $0x1  }
0xa3: {  	[sflag:s23] =	ssyncset.done $0x0  }
0xa4: {  	s25 =	simm.s32 $0x1B8E;
	s24 =	sld [smem:$0x3FFE];
	[sflag:s23] =	ssyncadd.s32 $0xFFFFFFFF  }
0xa5: {  	s26 =	simm.s32 $execute0_lowered;
	[smem:$0x3FD2] =	sst s25  }
0xa6: {  	s4 =	sshll.u32 s26, $0x1;
	_ =	strace $0x8000004F;
	[dreg:$0x1] =	wrdreg $0xFFFFFFFF  }
0xa7: {  	s28 =	simm.s32 $_size_execute0_lowered;
	s2 =	sadd.s32 s2, s4;
	[dreg:$0x0] =	wrdreg $0x0  }
0xa8: {  	s4 =	sshll.u32 s28, $0x1;
	[dreg:$0x2] =	wrdreg s2  }
0xa9: {  	[dreg:$0x3] =	wrdreg s4  }
0xaa: {  	[dreg:$0x4] =	wrdreg $0xC0  }
0xab: {  	_ =	task [dreg:s6], $0x5FFFF  }
0xac: {  	[dreg:$0x1] =	wrdreg $0xFFFFFFFF  }
0xad: {  	[dreg:$0x0] =	wrdreg $0x60  }
0xae: {  	[dreg:$0x2] =	wrdreg s24  }
0xaf: {  	[dreg:$0x3] =	wrdreg $0x50000  }
0xb0: {  	[dreg:$0x4] =	wrdreg $0x9  }
0xb1: {  	_ =	task.clear_ibuf [dreg:s6], $0x5FFFF;
	_ =	strace $0x9000004F  }
0xb2: {  	s29 =	simm.s32 $0x9;
	_ =	strace $0x80000051  }
0xb3: {  	_ =	swait.ge [sflag:s29], $0x1  }
0xb4: {  	[sflag:s29] =	ssyncadd.s32 $0xFFFFFFFF  }
0xb5: {  	_ =	strace $0x90000051  }
0xb6: {  	_ =	sfence  }
0xb7: {  	s30 =	sld [smem:$0x0];
	_ =	sdelay $0x2  }
0xb8: {  	s31 =	sshll.u32 s1, $0xD;
	s1 =	sshrl.u32 s1, $0x2  }
0xb9: {  	s3 =	sand.u32 $0x4000, s31;
	s1 =	sadd.s32 s1, s30  }
0xba: {  	s0 =	sor.u32 s3, s0;
	s1 =	sshll.u32 s1, $0x11  }
0xbb: {  	s0 =	sor.u32 s1, s0  }
0xbc: {  	s0 =	sadd.s32 $0x8F2B, s0  }
0xbd: {  	[sflag:s0] =	ssyncadd.remote.s32 $0x1  }
0xbe: {  	_ =	sfence.sel $0xFFFF  }
0xbf: {  	[dreg:$0x0] =	wrdreg $0xFFFFFFFF;
	(pc) =	sbr.abs _section_cstart, $3  }
0xc0: {  	[dreg:$0x1] =	wrdreg $0xFFFFFFFF  }
0xc1: {  	_ =	task.clear_ibuf [dreg:s6], $0x2FFFF;
	_ =	strace $0x9FFFFFFF  }
0xc2: {  	(tm) =	ssettm $0x7FFFFFFF  }
0xc3: {  	_ =	shalt  }
tec
execute0_lowered:
.L_overlay_start_1:
0x0: {  	(tag) =	ssettag $0x1  }
0x1: {  	s8 =	rddreg [dreg:$0x0]  }
0x2: {  	s1 =	rddreg [dreg:$0x1]  }
0x3: {  	s0 =	rddreg [dreg:$0x2]  }
0x4: {  	s2 =	simm.s32 $0x0;
	s6 =	srdreg.scid;
	s3 =	stileid.u32  }
0x5: {  	[smem:$0x7FF] =	sst s2;
	s4 =	sadd.s32 $0xB8600, s8;
	s13 =	smul.u32 $0x280, s3  }
0x6: {  	s5 =	sadd.s32 $0x3E00, s8;
	s10 =	sand.u32 $0x1, s6;
	s11 =	smul.u32 $0x50000, s3  }
0x7: {  	s6 =	sadd.s32 $0xDE00, s8;
	s7 =	sadd.s32 $0x17E00, s8;
	s21 =	smul.u32 $0x50, s3  }
0x8: {  	s18 =	sadd.s32 $0xE0600, s8;
	s9 =	ssub.s32 $0x2, s10;
	s15 =	smul.u32 $0x500, s10  }
0x9: {  	_ =	strace $0x80000050;
	s23 =	smul.u32 $0x2800, s10;
	s24 =	sshrl.u32 s9, $0x1  }
0xa: {  	s25 =	sshrl.u32 s11, $0x2;
	s14 =	sadd.s32 $0x80, s13;
	s16 =	sadd.s32 $0x100, s13  }
0xb: {  	s17 =	sadd.s32 $0x180, s13;
	s20 =	sadd.s32 $0x200, s13;
	s19 =	ssub.s32 s9, s24  }
0xc: {  	s8 =	sadd.s32 s25, s1;
	s26 =	sshll.u32 s14, $0x7;
	s28 =	sshll.u32 s16, $0x7  }
0xd: {  	s12 =	sshll.u32 s17, $0x7;
	s22 =	sshll.u32 s20, $0x7;
	s15 =	sadd.s32 s21, s15  }
0xe: {  	s29 =	sadd.s32 s13, s23;
	s14 =	sadd.s32 s23, s14;
	s16 =	sadd.s32 s23, s16  }
0xf: {  	s17 =	sadd.s32 s23, s17;
	s20 =	sadd.s32 s23, s20;
	s21 =	simm.s32 $0x2  }
0x10: {  	s23 =	simm.s32 $0x80;
	s24 =	simm.s32 $0x1;
	s25 =	simm.s32 $0x0  }
0x11: {  	s9 =	sadd.s32 s26, s1;
	s10 =	sadd.s32 s28, s1;
	s11 =	sadd.s32 s12, s1  }
0x12: {  	s12 =	sadd.s32 s22, s1;
	s13 =	sshll.u32 s15, $0x4;
	s30 =	sshll.u32 s29, $0x4  }
0x13: {  	s31 =	sshll.u32 s14, $0x4;
	s16 =	sshll.u32 s16, $0x4;
	s17 =	sshll.u32 s17, $0x4  }
0x14: {  	s20 =	sshll.u32 s20, $0x4;
	s19 =	smax.u32 s19, $0x1;
	s22 =	simm.s32 $0x800  }
0x15: {  	s14 =	sadd.s32 s18, s30;
	s15 =	sadd.s32 s18, s31;
	s16 =	sadd.s32 s18, s16  }
0x16: {  	s17 =	sadd.s32 s18, s17;
	s18 =	sadd.s32 s18, s20;
	s20 =	simm.s32 $0x1000  }
.LBB2_1:
0x17: {  	[tilespmem:s20], [sflag:$0x2] =	stream.linear.gather [hbm4b:s7+s2], $0x4000, $0x38;
	[tilespmem:$0x19000] =	vst v63  }
0x18: {  	_ =	swait.ge [sflag:s21], $0x4000  }
0x19: {  	[sflag:s21] =	ssyncset.done $0x0  }
0x1a: {  	[sflag:s21] =	ssyncadd.s32 $0xFFFFC000  }
0x1b: {  	[spmem:s8] =	stream.linear.scatter [tilespmem:s20], [sflag:$0x2], $0x4000, $0x38;
	[tilespmem:$0x19000] =	vst v63  }
0x1c: {  	_ =	swait.ge [sflag:s21], $0x4000  }
0x1d: {  	[sflag:s21] =	ssyncset.done $0x0  }
0x1e: {  	[sflag:s21] =	ssyncadd.s32 $0xFFFFC000  }
0x1f: {  	[spmem:s9] =	stream.linear.scatter [tilespmem:s20], [sflag:$0x2], $0x4000, $0x38;
	[tilespmem:$0x19000] =	vst v63  }
0x20: {  	_ =	swait.ge [sflag:s21], $0x4000  }
0x21: {  	[sflag:s21] =	ssyncset.done $0x0  }
0x22: {  	[sflag:s21] =	ssyncadd.s32 $0xFFFFC000  }
0x23: {  	[spmem:s10] =	stream.linear.scatter [tilespmem:s20], [sflag:$0x2], $0x4000, $0x38;
	[tilespmem:$0x19000] =	vst v63  }
0x24: {  	_ =	swait.ge [sflag:s21], $0x4000  }
0x25: {  	[sflag:s21] =	ssyncset.done $0x0  }
0x26: {  	[sflag:s21] =	ssyncadd.s32 $0xFFFFC000  }
0x27: {  	[spmem:s11] =	stream.linear.scatter [tilespmem:s20], [sflag:$0x2], $0x4000, $0x38;
	[tilespmem:$0x19000] =	vst v63  }
0x28: {  	_ =	swait.ge [sflag:s21], $0x4000  }
0x29: {  	[sflag:s21] =	ssyncset.done $0x0  }
0x2a: {  	[sflag:s21] =	ssyncadd.s32 $0xFFFFC000  }
0x2b: {  	[spmem:s12] =	stream.linear.scatter [tilespmem:s20], [sflag:$0x2], $0x4000, $0x38;
	[tilespmem:$0x19000] =	vst v63  }
0x2c: {  	_ =	swait.ge [sflag:s21], $0x4000  }
0x2d: {  	[sflag:s21] =	ssyncset.done $0x0  }
0x2e: {  	[sflag:s21] =	ssyncadd.s32 $0xFFFFC000  }
0x2f: {  	s26 =	simm.s32 $0x0;
	[bflag:$0x0] =	sbarrier.arrive $0xFFFF  }
.LBB2_2:
0x30: {  	s28 =	sshll.u32 s26, $0x8  }
0x31: {  	s28 =	sadd.s32 s13, s28  }
0x32: {  	s30 =	simm.s32 $0x0;
	s29 =	sadd.s32 s5, s28  }
0x33: {  	[tilespmem:s30], [sflag:$0x2] =	stream.linear.gather [hbm4b:s29+s30], $0x800, $0x38;
	[tilespmem:$0x19000] =	vst v63  }
0x34: {  	_ =	swait.ge [sflag:s21], $0x800  }
0x35: {  	[sflag:s21] =	ssyncset.done $0x0  }
0x36: {  	s28 =	sadd.s32 s6, s28;
	[sflag:s21] =	ssyncadd.s32 $0xFFFFF800  }
0x37: {  	[tilespmem:s22], [sflag:$0x2] =	stream.linear.gather [hbm4b:s28+s30], $0x800, $0x38;
	[tilespmem:$0x19000] =	vst v63  }
0x38: {  	_ =	swait.ge [sflag:s21], $0x800  }
0x39: {  	[sflag:s21] =	ssyncset.done $0x0  }
0x3a: {  	s28 =	simm.s32 $0x0;
	[sflag:s21] =	ssyncadd.s32 $0xFFFFF800  }
0x3b: {  	[tilespmem:s20], [sflag:$0x1] =	stream.indirect.gather [hbm4b:s4+s23], $0x80, s28, s23, $0xb8;
	[tilespmem:$0x19000] =	vst v63  }
0x3c: {  	_ =	swait.ge [sflag:s24], $0x4000  }
0x3d: {  	[sflag:s24] =	ssyncset.done $0x0  }
0x3e: {  	s28 =	simm.s32 $0x800;
	[sflag:s24] =	ssyncadd.s32 $0xFFFFC000  }
0x3f: {  	[spmem:s1] =	stream.indirect.scatter.add.f32 [tilespmem:s20], [sflag:$0x2], $0x80, s28, s23, $0xb8;
	[tilespmem:$0x19000] =	vst v63  }
0x40: {  	_ =	swait.ge [sflag:s21], $0x4000  }
0x41: {  	s29 =	simm.s32 $0x400;
	s28 =	simm.s32 $0x200;
	[sflag:s21] =	ssyncset.done $0x0  }
.LBB2_3:
0x42: {  	s30 =	sshra.s32 s28, $0x2  }
0x43: {  	[sflag:s21] =	ssyncadd.s32 $0xFFFFC000;
	s28 =	smov.u32 s29;
	s31 =	sadd.s32 $0x200, s29  }
0x44: {  	[tilespmem:s20], [sflag:$0x1] =	stream.indirect.gather [hbm4b:s4+s23], $0x80, s30, s23, $0xb8;
	[tilespmem:$0x19000] =	vst v63  }
0x45: {  	p0 =	sne.s32 s29, $0x1E00;
	_ =	swait.ge [sflag:s24], $0x4000  }
.Ltmp0:
0x46: {  	[sflag:s24] =	ssyncset.done $0x0;
	(pc) =	sbr.rel @p0 .LBB2_3-.Ltmp0, $4  }
0x47: {  	s29 =	sadd.s32 $0x800, s30;
	[sflag:s24] =	ssyncadd.s32 $0xFFFFC000  }
0x48: {  	[spmem:s1] =	stream.indirect.scatter.add.f32 [tilespmem:s20], [sflag:$0x2], $0x80, s29, s23, $0xb8;
	[tilespmem:$0x19000] =	vst v63  }
0x49: {  	_ =	swait.ge [sflag:s21], $0x4000  }
0x4a: {  	s29 =	smov.u32 s31;
	[sflag:s21] =	ssyncset.done $0x0  }
0x4b: {  	s28 =	sshra.s32 s28, $0x2;
	[sflag:s21] =	ssyncadd.s32 $0xFFFFC000  }
0x4c: {  	[tilespmem:s20], [sflag:$0x1] =	stream.indirect.gather [hbm4b:s4+s23], $0x80, s28, s23, $0xb8;
	[tilespmem:$0x19000] =	vst v63  }
0x4d: {  	s26 =	sadd.s32 $0x1, s26;
	_ =	swait.ge [sflag:s24], $0x4000  }
0x4e: {  	p0 =	sne.s32 s26, $0x5;
	[sflag:s24] =	ssyncset.done $0x0  }
.Ltmp1:
0x4f: {  	s28 =	sadd.s32 $0x800, s28;
	[sflag:s24] =	ssyncadd.s32 $0xFFFFC000;
	(pc) =	sbr.rel @p0 .LBB2_2-.Ltmp1, $4  }
0x50: {  	[spmem:s1] =	stream.indirect.scatter.add.f32 [tilespmem:s20], [sflag:$0x2], $0x80, s28, s23, $0xb8;
	[tilespmem:$0x19000] =	vst v63  }
0x51: {  	_ =	swait.ge [sflag:s21], $0x4000  }
0x52: {  	[sflag:s21] =	ssyncset.done $0x0  }
0x53: {  	[sflag:s21] =	ssyncadd.s32 $0xFFFFC000  }
0x54: {  	[bflag:$0x0] =	sbarrier.arrive $0xFFFF  }
0x55: {  	[tilespmem:s20], [sflag:$0x2] =	stream.linear.gather [spmem:s8], $0x4000, $0x38;
	[tilespmem:$0x19000] =	vst v63  }
0x56: {  	_ =	swait.ge [sflag:s21], $0x4000  }
0x57: {  	[sflag:s21] =	ssyncset.done $0x0  }
0x58: {  	[sflag:s21] =	ssyncadd.s32 $0xFFFFC000  }
0x59: {  	[hbm4b:s14+s2] =	stream.linear.scatter [tilespmem:s20], [sflag:$0x2], $0x4000, $0x38;
	[tilespmem:$0x19000] =	vst v63  }
0x5a: {  	_ =	swait.ge [sflag:s21], $0x4000  }
0x5b: {  	[sflag:s21] =	ssyncset.done $0x0  }
0x5c: {  	[sflag:s21] =	ssyncadd.s32 $0xFFFFC000  }
0x5d: {  	[tilespmem:s20], [sflag:$0x2] =	stream.linear.gather [spmem:s9], $0x4000, $0x38;
	[tilespmem:$0x19000] =	vst v63  }
0x5e: {  	_ =	swait.ge [sflag:s21], $0x4000  }
0x5f: {  	[sflag:s21] =	ssyncset.done $0x0  }
0x60: {  	[sflag:s21] =	ssyncadd.s32 $0xFFFFC000  }
0x61: {  	[hbm4b:s15+s2] =	stream.linear.scatter [tilespmem:s20], [sflag:$0x2], $0x4000, $0x38;
	[tilespmem:$0x19000] =	vst v63  }
0x62: {  	_ =	swait.ge [sflag:s21], $0x4000  }
0x63: {  	[sflag:s21] =	ssyncset.done $0x0  }
0x64: {  	[sflag:s21] =	ssyncadd.s32 $0xFFFFC000  }
0x65: {  	[tilespmem:s20], [sflag:$0x2] =	stream.linear.gather [spmem:s10], $0x4000, $0x38;
	[tilespmem:$0x19000] =	vst v63  }
0x66: {  	_ =	swait.ge [sflag:s21], $0x4000  }
0x67: {  	[sflag:s21] =	ssyncset.done $0x0  }
0x68: {  	[sflag:s21] =	ssyncadd.s32 $0xFFFFC000  }
0x69: {  	[hbm4b:s16+s2] =	stream.linear.scatter [tilespmem:s20], [sflag:$0x2], $0x4000, $0x38;
	[tilespmem:$0x19000] =	vst v63  }
0x6a: {  	_ =	swait.ge [sflag:s21], $0x4000  }
0x6b: {  	[sflag:s21] =	ssyncset.done $0x0  }
0x6c: {  	[sflag:s21] =	ssyncadd.s32 $0xFFFFC000  }
0x6d: {  	[tilespmem:s20], [sflag:$0x2] =	stream.linear.gather [spmem:s11], $0x4000, $0x38;
	[tilespmem:$0x19000] =	vst v63  }
0x6e: {  	_ =	swait.ge [sflag:s21], $0x4000  }
0x6f: {  	[sflag:s21] =	ssyncset.done $0x0  }
0x70: {  	[sflag:s21] =	ssyncadd.s32 $0xFFFFC000  }
0x71: {  	[hbm4b:s17+s2] =	stream.linear.scatter [tilespmem:s20], [sflag:$0x2], $0x4000, $0x38;
	[tilespmem:$0x19000] =	vst v63  }
0x72: {  	_ =	swait.ge [sflag:s21], $0x4000  }
0x73: {  	[sflag:s21] =	ssyncset.done $0x0  }
0x74: {  	[sflag:s21] =	ssyncadd.s32 $0xFFFFC000  }
0x75: {  	[tilespmem:s20], [sflag:$0x2] =	stream.linear.gather [spmem:s12], $0x4000, $0x38;
	[tilespmem:$0x19000] =	vst v63  }
0x76: {  	s25 =	sadd.s32 $0x1, s25;
	_ =	swait.ge [sflag:s21], $0x4000  }
0x77: {  	p0 =	sne.s32 s25, s19;
	[sflag:s21] =	ssyncset.done $0x0  }
.Ltmp2:
0x78: {  	[sflag:s21] =	ssyncadd.s32 $0xFFFFC000;
	(pc) =	sbr.rel @p0 .LBB2_1-.Ltmp2, $4  }
0x79: {  	[hbm4b:s18+s2] =	stream.linear.scatter [tilespmem:s20], [sflag:$0x2], $0x4000, $0x38;
	[tilespmem:$0x19000] =	vst v63  }
0x7a: {  	_ =	swait.ge [sflag:s21], $0x4000  }
0x7b: {  	[sflag:s21] =	ssyncset.done $0x0  }
0x7c: {  	[sflag:s21] =	ssyncadd.s32 $0xFFFFC000  }
0x7d: {  	_ =	sfence.sel $0x180000  }
0x7e: {  	[bflag:$0x0] =	sbarrier.arrive $0xFFFF  }
0x7f: {  	p0 =	sne.s32 s3, $0x0;
	_ =	strace $0x90000050  }
0x80: {  	s0 =	sadd.s32 @!p0 $0x100000, s0;
	[bflag:$0x2] =	sbarrier.arrive $0xFFFF  }
0x81: {  	[sflag:s0] =	ssyncadd.tile.s32 @!p0 $0x1;
	_ =	shalt  }
.Lfunc_end2:
_tile_overlayer_lowered:
.L_overlay_start_2:
0x82: {  	(tag) =	ssettag $0x2  }
0x83: {  	s0 =	rddreg [dreg:$0x0];
	s2 =	stileid.u32  }
0x84: {  	s1 =	rddreg [dreg:$0x1];
	p0 =	sne.s32 s2, $0x0  }
0x85: {  	s3 =	rddreg [dreg:$0x2];
	[bflag:$0x3] =	sbarrier.arrive $0xFFFF;
	s2 =	simm.s32 @!p0 $0x1C02  }
0x86: {  	[timem:s3], [sflag:s2] =	dma.local @!p0 [hbm:s0], s1  }
0x87: {  	s0 =	simm.s32 @!p0 $0x2  }
0x88: {  	_ =	swait.ge @!p0 [sflag:s0], s1  }
0x89: {  	s1 =	ssub.s32 @!p0 $0x0, s1;
	[sflag:s0] =	ssyncset.done @!p0 $0x0  }
0x8a: {  	[sflag:s0] =	ssyncadd.s32 @!p0 s1  }
0x8b: {  	[bflag:$0x3] =	sbarrier.arrive $0xFFFF  }
0x8c: {  	_ =	shalt  }

</sc_bundles>
